<compile_context>
chip_gen: v7x
topology: tpu7x:2x2x1
jax: 0.10.2.dev20260603
libtpu: 0.0.44.dev20260713+nightly
codegen_flags: <defaults>
</compile_context>

<pallas_src>
import functools

import jax
import jax.numpy as jnp
from jax import lax
from jax.experimental import pallas as pl
from jax.experimental.pallas import tpu as pltpu
from jax.experimental.pallas import tpu_sc as plsc

N = 100000
ATOM_TYPES = 119
NUM_GRAPHS = 1024

L = 16
NTILES = 16
CH_MAIN = 6256
CH_TAIL = N - 15 * CH_MAIN
CH_HALF = 3136
TBL = 128
ACC = 2 * NUM_GRAPHS
SEG_BLK = 128
UNROLL = 4

_mesh = plsc.VectorSubcoreMesh(
    core_axis_name="c", subcore_axis_name="s", num_cores=1)


@functools.partial(
    pl.kernel,
    out_type=jax.ShapeDtypeStruct((N,), jnp.float32),
    mesh=_mesh,
    compiler_params=pltpu.CompilerParams(needs_layout_passes=False),
    scratch_types=[
        pltpu.VMEM((CH_MAIN,), jnp.int32),
        pltpu.VMEM((CH_MAIN + L,), jnp.int32),
        pltpu.VMEM((CH_MAIN,), jnp.float32),
        pltpu.VMEM((TBL,), jnp.float32),
        pltpu.VMEM((ACC,), jnp.float32),
        pltpu.VMEM((NTILES, SEG_BLK), jnp.float32),
        pltpu.VMEM((NTILES, SEG_BLK), jnp.float32),
        pltpu.VMEM((NUM_GRAPHS,), jnp.float32),
        pltpu.VMEM_SHARED((NTILES, ACC), jnp.float32),
        pltpu.VMEM_SHARED((NUM_GRAPHS,), jnp.float32),
        pltpu.SemaphoreType.DMA,
        pltpu.SemaphoreType.DMA,
        pltpu.SemaphoreType.DMA,
    ],
)
def _sc_multiplier(an_hbm, bid_hbm, fr_hbm, out_hbm,
                   an_v, bid_v, raw_v, tbl_v, acc,
                   red_sum, red_cnt, inv_v, sh_acc, sh_inv,
                   sem_a, sem_b, sem_c):
    w = lax.axis_index("s")
    base = w * CH_MAIN
    nelem = jnp.where(w < 15, CH_MAIN, CH_TAIL)
    tail_off = jnp.where(w < 15, base + CH_TAIL, 0)

    cp_a1 = pltpu.async_copy(an_hbm.at[pl.ds(base, CH_HALF)],
                             an_v.at[pl.ds(0, CH_HALF)], sem_a)
    cp_b1 = pltpu.async_copy(bid_hbm.at[pl.ds(base, CH_HALF)],
                             bid_v.at[pl.ds(0, CH_HALF)], sem_b)
    cp_a2 = pltpu.async_copy(an_hbm.at[pl.ds(base + CH_HALF,
                                             CH_TAIL - CH_HALF)],
                             an_v.at[pl.ds(CH_HALF, CH_TAIL - CH_HALF)], sem_a)
    cp_b2 = pltpu.async_copy(bid_hbm.at[pl.ds(base + CH_HALF,
                                              CH_TAIL - CH_HALF)],
                             bid_v.at[pl.ds(CH_HALF, CH_TAIL - CH_HALF)], sem_b)
    cp_c = pltpu.async_copy(an_hbm.at[pl.ds(tail_off, CH_MAIN - CH_TAIL)],
                            an_v.at[pl.ds(CH_TAIL, CH_MAIN - CH_TAIL)], sem_a)
    cp_d = pltpu.async_copy(bid_hbm.at[pl.ds(tail_off, CH_MAIN - CH_TAIL)],
                            bid_v.at[pl.ds(CH_TAIL, CH_MAIN - CH_TAIL)], sem_b)
    cp_f = pltpu.async_copy(fr_hbm, tbl_v.at[pl.ds(0, ATOM_TYPES)], sem_c)

    zero16 = jnp.zeros((L,), jnp.float32)
    for j in range(ACC // L):
        acc[pl.ds(j * L, L)] = zero16

    cp_f.wait()
    eps = jnp.float32(1e-8)
    for j in range(TBL // L):
        f = tbl_v[pl.ds(j * L, L)]
        tbl_v[pl.ds(j * L, L)] = 1.0 / (f + eps)

    iota1f = (lax.iota(jnp.int32, L) + 1).astype(jnp.float32)
    neg_iota1f = -iota1f
    lt15 = lax.iota(jnp.int32, L) < (L - 1)
    is15 = lax.iota(jnp.int32, L) == (L - 1)
    cnt_off = jnp.full((L,), NUM_GRAPHS, jnp.int32)

    def p1_body(i):
        a = an_v[pl.ds(i, L)]
        b = bid_v[pl.ds(i, L)]
        bn = bid_v[pl.ds(i + 1, L)]
        r = plsc.load_gather(tbl_v, [a])
        raw_v[pl.ds(i, L)] = r
        c = plsc.cumsum(r)
        neq = b != bn
        m_end = neq | is15
        m_start = neq & lt15
        plsc.addupdate_scatter(acc, [b], c, mask=m_end)
        plsc.addupdate_scatter(acc, [bn], -c, mask=m_start)
        plsc.addupdate_scatter(acc, [b + cnt_off], iota1f, mask=m_end)
        plsc.addupdate_scatter(acc, [bn + cnt_off], neg_iota1f, mask=m_start)

    cp_a1.wait()
    cp_b1.wait()
    plsc.parallel_loop(0, CH_HALF - L, step=L, unroll=UNROLL)(p1_body)

    cp_a2.wait()
    cp_b2.wait()
    cp_c.wait()
    cp_d.wait()
    bid_v[pl.ds(nelem, L)] = jnp.full((L,), -1, jnp.int32)
    plsc.parallel_loop(CH_HALF - L, nelem, step=L, unroll=UNROLL)(p1_body)

    pltpu.sync_copy(acc, sh_acc.at[w])
    plsc.subcore_barrier()

    @pl.when(w < 8)
    def _():
        seg0 = w * SEG_BLK
        pltpu.sync_copy(sh_acc.at[:, pl.ds(seg0, SEG_BLK)], red_sum)
        pltpu.sync_copy(sh_acc.at[:, pl.ds(NUM_GRAPHS + seg0, SEG_BLK)],
                        red_cnt)
        for sub in range(SEG_BLK // L):
            s = jnp.zeros((L,), jnp.float32)
            c = jnp.zeros((L,), jnp.float32)
            for t in range(NTILES):
                s = s + red_sum[t, pl.ds(sub * L, L)]
                c = c + red_cnt[t, pl.ds(sub * L, L)]
            inv_v[pl.ds(sub * L, L)] = jnp.maximum(c, 1.0) / s
        pltpu.sync_copy(inv_v.at[pl.ds(0, SEG_BLK)],
                        sh_inv.at[pl.ds(seg0, SEG_BLK)])

    plsc.subcore_barrier()
    pltpu.sync_copy(sh_inv, inv_v)

    @plsc.parallel_loop(0, CH_HALF, step=L, unroll=UNROLL)
    def _(i):
        b = bid_v[pl.ds(i, L)]
        r = raw_v[pl.ds(i, L)]
        m = plsc.load_gather(inv_v, [b])
        raw_v[pl.ds(i, L)] = r * m

    cp_out = pltpu.async_copy(raw_v.at[pl.ds(0, CH_HALF)],
                              out_hbm.at[pl.ds(base, CH_HALF)], sem_a)

    @plsc.parallel_loop(CH_HALF, nelem, step=L, unroll=UNROLL)
    def _(i):
        b = bid_v[pl.ds(i, L)]
        r = raw_v[pl.ds(i, L)]
        m = plsc.load_gather(inv_v, [b])
        raw_v[pl.ds(i, L)] = r * m

    @pl.when(w < 15)
    def _():
        pltpu.sync_copy(raw_v.at[pl.ds(CH_HALF, CH_MAIN - CH_HALF)],
                        out_hbm.at[pl.ds(base + CH_HALF, CH_MAIN - CH_HALF)])

    @pl.when(w == 15)
    def _():
        pltpu.sync_copy(raw_v.at[pl.ds(CH_HALF, CH_TAIL - CH_HALF)],
                        out_hbm.at[pl.ds(base + CH_HALF, CH_TAIL - CH_HALF)])

    cp_out.wait()


def kernel(atomic_numbers, batch_idx, freq_ratios):
    return _sc_multiplier(atomic_numbers.astype(jnp.int32),
                          batch_idx.astype(jnp.int32),
                          freq_ratios)

# --- scband reference (transcript-rebuilt; emitter-appended) ---
"""Pipeline reference for scband-atom-type-based-loss-multiplier-72653666779402 (READ-ONLY COPY).

The authoritative reference and input builder live on the scoring server;
editing this copy changes nothing except your own understanding.
"""

import jax, jax.numpy as jnp
import numpy as np

NUM_NODES = 100000
ATOM_TYPES = 119
NUM_GRAPHS = 1024


def setup_inputs(seed: int = 0) -> dict:
    key = jax.random.key(seed)
    k1, k2, k3 = jax.random.split(key, 3)
    atomic_numbers = jax.random.randint(k1, (NUM_NODES,), 0, ATOM_TYPES, dtype=jnp.int64 if jax.config.read('jax_enable_x64') else jnp.int32)
    batch_idx = jnp.sort(jax.random.randint(k2, (NUM_NODES,), 0, NUM_GRAPHS, dtype=jnp.int64 if jax.config.read('jax_enable_x64') else jnp.int32))
    occurrences = jax.random.randint(k3, (ATOM_TYPES,), 1, 1000000).astype(jnp.float32)
    freq_ratios = occurrences / jnp.sum(occurrences)
    return {"atomic_numbers": atomic_numbers, "batch_idx": batch_idx, "freq_ratios": freq_ratios}


def reference(atomic_numbers, batch_idx, freq_ratios):
    # Per-node loss multiplier: inverse frequency of the node's atom type,
    # gathered from the freq_ratios buffer (embedding-style lookup), then
    # normalized per graph (batch_idx segments) so each graph's multipliers
    # average to 1.0.
    eps = jnp.asarray(1e-8, dtype=freq_ratios.dtype)
    raw = 1.0 / (jnp.take(freq_ratios, atomic_numbers, axis=0) + eps)
    seg_sum = jax.ops.segment_sum(raw, batch_idx, num_segments=NUM_GRAPHS)
    seg_cnt = jax.ops.segment_sum(jnp.ones_like(raw), batch_idx, num_segments=NUM_GRAPHS)
    seg_mean = seg_sum / jnp.maximum(seg_cnt, 1.0)
    multiplier = raw / jnp.take(seg_mean, batch_idx, axis=0)
    return multiplier

if __name__ == "__main__":
    import jax
    _d = setup_inputs()
    print(jax.jit(kernel)(*tuple(_d.values())))

</pallas_src>

<mosaic_0001>
#map = affine_map<(d0, d1) -> (0)>
module attributes {stable_mosaic.version = 14 : i64} {
  func.func @_sc_multiplier(%arg0: i32, %arg1: i32, %arg2: memref<100000xi32, #tpu.memory_space<hbm>>, %arg3: memref<100000xi32, #tpu.memory_space<hbm>>, %arg4: memref<119xf32, #tpu.memory_space<hbm>>, %arg5: memref<100000xf32, #tpu.memory_space<hbm>>, %arg6: memref<6256xi32, #tpu.memory_space<vmem>>, %arg7: memref<6272xi32, #tpu.memory_space<vmem>>, %arg8: memref<6256xf32, #tpu.memory_space<vmem>>, %arg9: memref<128xf32, #tpu.memory_space<vmem>>, %arg10: memref<2048xf32, #tpu.memory_space<vmem>>, %arg11: memref<16x128xf32, #tpu.memory_space<vmem>>, %arg12: memref<16x128xf32, #tpu.memory_space<vmem>>, %arg13: memref<1024xf32, #tpu.memory_space<vmem>>, %arg14: memref<16x2048xf32, #tpu.memory_space<vmem_shared>>, %arg15: memref<1024xf32, #tpu.memory_space<vmem_shared>>, %arg16: memref<!tpu.dma_semaphore, #tpu.memory_space<semaphore_mem>>, %arg17: memref<!tpu.dma_semaphore, #tpu.memory_space<semaphore_mem>>, %arg18: memref<!tpu.dma_semaphore, #tpu.memory_space<semaphore_mem>>) attributes {dimension_semantics = [#tpu.dimension_semantics<core_parallel>, #tpu.dimension_semantics<subcore_parallel>], iteration_bounds = array<i64: 1, 16>, scalar_prefetch = 0 : i64, scratch_operands = 13 : i64, tpu.core_type = #tpu.core_type<sc_vector_subcore>, window_params = [{transform_indices = #map}, {transform_indices = #map}, {transform_indices = #map}, {transform_indices = #map}]} {
    %mul3A = arith.constant 6256 : i32
    %mul3A_0 = arith.muli %arg1, %mul3A : i32
    %lt3A = arith.constant 15 : i32
    %lt3A_1 = arith.cmpi slt, %arg1, %lt3A : i32
    %jit3A = arith.constant 6256 : i32
    %jit3A_2 = arith.constant 6160 : i32
    %select_n3A = arith.select %lt3A_1, %jit3A, %jit3A_2 : i32
    %lt3A_3 = arith.constant 15 : i32
    %lt3A_4 = arith.cmpi slt, %arg1, %lt3A_3 : i32
    %add3A = arith.constant 6160 : i32
    %add3A_5 = arith.addi %mul3A_0, %add3A : i32
    %jit3A_6 = arith.constant 0 : i32
    %select_n3A_7 = arith.select %lt3A_4, %add3A_5, %jit3A_6 : i32
    %dma_start3A = arith.constant 0 : i32
    %dma_start3A_8 = tpu.memref_slice %arg6[%dma_start3A] : memref<6256xi32, #tpu.memory_space<vmem>> -> memref<3136xi32, #tpu.memory_space<vmem>>
    %dma_start3A_9 = tpu.memref_slice %arg2[%mul3A_0] : memref<100000xi32, #tpu.memory_space<hbm>> -> memref<3136xi32, #tpu.memory_space<hbm>>
    %dma_start3A_10 = arith.constant 0 : i32
    %dma_start3A_11 = tpu.memref_slice %arg6[%dma_start3A_10] : memref<6256xi32, #tpu.memory_space<vmem>> -> memref<3136xi32, #tpu.memory_space<vmem>>
    %dma_start3A_12 = tpu.memref_slice %arg2[%mul3A_0] : memref<100000xi32, #tpu.memory_space<hbm>> -> memref<3136xi32, #tpu.memory_space<hbm>>
    tpu.enqueue_dma source(%dma_start3A_12 : memref<3136xi32, #tpu.memory_space<hbm>>) target(%dma_start3A_11 : memref<3136xi32, #tpu.memory_space<vmem>>) target_semaphore(%arg16 : memref<!tpu.dma_semaphore, #tpu.memory_space<semaphore_mem>>)
    %dma_start3A_13 = arith.constant 0 : i32
    %dma_start3A_14 = tpu.memref_slice %arg7[%dma_start3A_13] : memref<6272xi32, #tpu.memory_space<vmem>> -> memref<3136xi32, #tpu.memory_space<vmem>>
    %dma_start3A_15 = tpu.memref_slice %arg3[%mul3A_0] : memref<100000xi32, #tpu.memory_space<hbm>> -> memref<3136xi32, #tpu.memory_space<hbm>>
    %dma_start3A_16 = arith.constant 0 : i32
    %dma_start3A_17 = tpu.memref_slice %arg7[%dma_start3A_16] : memref<6272xi32, #tpu.memory_space<vmem>> -> memref<3136xi32, #tpu.memory_space<vmem>>
    %dma_start3A_18 = tpu.memref_slice %arg3[%mul3A_0] : memref<100000xi32, #tpu.memory_space<hbm>> -> memref<3136xi32, #tpu.memory_space<hbm>>
    tpu.enqueue_dma source(%dma_start3A_18 : memref<3136xi32, #tpu.memory_space<hbm>>) target(%dma_start3A_17 : memref<3136xi32, #tpu.memory_space<vmem>>) target_semaphore(%arg17 : memref<!tpu.dma_semaphore, #tpu.memory_space<semaphore_mem>>)
    %add3A_19 = arith.constant 3136 : i32
    %add3A_20 = arith.addi %mul3A_0, %add3A_19 : i32
    %dma_start3A_21 = arith.constant 3136 : i32
    %dma_start3A_22 = tpu.memref_slice %arg6[%dma_start3A_21] : memref<6256xi32, #tpu.memory_space<vmem>> -> memref<3024xi32, #tpu.memory_space<vmem>>
    %dma_start3A_23 = tpu.memref_slice %arg2[%add3A_20] : memref<100000xi32, #tpu.memory_space<hbm>> -> memref<3024xi32, #tpu.memory_space<hbm>>
    %dma_start3A_24 = arith.constant 3136 : i32
    %dma_start3A_25 = tpu.memref_slice %arg6[%dma_start3A_24] : memref<6256xi32, #tpu.memory_space<vmem>> -> memref<3024xi32, #tpu.memory_space<vmem>>
    %dma_start3A_26 = tpu.memref_slice %arg2[%add3A_20] : memref<100000xi32, #tpu.memory_space<hbm>> -> memref<3024xi32, #tpu.memory_space<hbm>>
    tpu.enqueue_dma source(%dma_start3A_26 : memref<3024xi32, #tpu.memory_space<hbm>>) target(%dma_start3A_25 : memref<3024xi32, #tpu.memory_space<vmem>>) target_semaphore(%arg16 : memref<!tpu.dma_semaphore, #tpu.memory_space<semaphore_mem>>)
    %add3A_27 = arith.constant 3136 : i32
    %add3A_28 = arith.addi %mul3A_0, %add3A_27 : i32
    %dma_start3A_29 = arith.constant 3136 : i32
    %dma_start3A_30 = tpu.memref_slice %arg7[%dma_start3A_29] : memref<6272xi32, #tpu.memory_space<vmem>> -> memref<3024xi32, #tpu.memory_space<vmem>>
    %dma_start3A_31 = tpu.memref_slice %arg3[%add3A_28] : memref<100000xi32, #tpu.memory_space<hbm>> -> memref<3024xi32, #tpu.memory_space<hbm>>
    %dma_start3A_32 = arith.constant 3136 : i32
    %dma_start3A_33 = tpu.memref_slice %arg7[%dma_start3A_32] : memref<6272xi32, #tpu.memory_space<vmem>> -> memref<3024xi32, #tpu.memory_space<vmem>>
    %dma_start3A_34 = tpu.memref_slice %arg3[%add3A_28] : memref<100000xi32, #tpu.memory_space<hbm>> -> memref<3024xi32, #tpu.memory_space<hbm>>
    tpu.enqueue_dma source(%dma_start3A_34 : memref<3024xi32, #tpu.memory_space<hbm>>) target(%dma_start3A_33 : memref<3024xi32, #tpu.memory_space<vmem>>) target_semaphore(%arg17 : memref<!tpu.dma_semaphore, #tpu.memory_space<semaphore_mem>>)
    %dma_start3A_35 = arith.constant 6160 : i32
    %dma_start3A_36 = tpu.memref_slice %arg6[%dma_start3A_35] : memref<6256xi32, #tpu.memory_space<vmem>> -> memref<96xi32, #tpu.memory_space<vmem>>
    %dma_start3A_37 = tpu.memref_slice %arg2[%select_n3A_7] : memref<100000xi32, #tpu.memory_space<hbm>> -> memref<96xi32, #tpu.memory_space<hbm>>
    %dma_start3A_38 = arith.constant 6160 : i32
    %dma_start3A_39 = tpu.memref_slice %arg6[%dma_start3A_38] : memref<6256xi32, #tpu.memory_space<vmem>> -> memref<96xi32, #tpu.memory_space<vmem>>
    %dma_start3A_40 = tpu.memref_slice %arg2[%select_n3A_7] : memref<100000xi32, #tpu.memory_space<hbm>> -> memref<96xi32, #tpu.memory_space<hbm>>
    tpu.enqueue_dma source(%dma_start3A_40 : memref<96xi32, #tpu.memory_space<hbm>>) target(%dma_start3A_39 : memref<96xi32, #tpu.memory_space<vmem>>) target_semaphore(%arg16 : memref<!tpu.dma_semaphore, #tpu.memory_space<semaphore_mem>>)
    %dma_start3A_41 = arith.constant 6160 : i32
    %dma_start3A_42 = tpu.memref_slice %arg7[%dma_start3A_41] : memref<6272xi32, #tpu.memory_space<vmem>> -> memref<96xi32, #tpu.memory_space<vmem>>
    %dma_start3A_43 = tpu.memref_slice %arg3[%select_n3A_7] : memref<100000xi32, #tpu.memory_space<hbm>> -> memref<96xi32, #tpu.memory_space<hbm>>
    %dma_start3A_44 = arith.constant 6160 : i32
    %dma_start3A_45 = tpu.memref_slice %arg7[%dma_start3A_44] : memref<6272xi32, #tpu.memory_space<vmem>> -> memref<96xi32, #tpu.memory_space<vmem>>
    %dma_start3A_46 = tpu.memref_slice %arg3[%select_n3A_7] : memref<100000xi32, #tpu.memory_space<hbm>> -> memref<96xi32, #tpu.memory_space<hbm>>
    tpu.enqueue_dma source(%dma_start3A_46 : memref<96xi32, #tpu.memory_space<hbm>>) target(%dma_start3A_45 : memref<96xi32, #tpu.memory_space<vmem>>) target_semaphore(%arg17 : memref<!tpu.dma_semaphore, #tpu.memory_space<semaphore_mem>>)
    %dma_start3A_47 = arith.constant 0 : i32
    %dma_start3A_48 = tpu.memref_slice %arg9[%dma_start3A_47] : memref<128xf32, #tpu.memory_space<vmem>> -> memref<119xf32, #tpu.memory_space<vmem>>
    %dma_start3A_49 = arith.constant 0 : i32
    %dma_start3A_50 = tpu.memref_slice %arg9[%dma_start3A_49] : memref<128xf32, #tpu.memory_space<vmem>> -> memref<119xf32, #tpu.memory_space<vmem>>
    tpu.enqueue_dma source(%arg4 : memref<119xf32, #tpu.memory_space<hbm>>) target(%dma_start3A_50 : memref<119xf32, #tpu.memory_space<vmem>>) target_semaphore(%arg18 : memref<!tpu.dma_semaphore, #tpu.memory_space<semaphore_mem>>)
    %broadcast_in_dim3A = arith.constant 0.000000e+00 : f32
    %broadcast_in_dim3A_51 = vector.broadcast %broadcast_in_dim3A : f32 to vector<16xf32>
    %swap3A = arith.constant 0 : index
    %swap3A_52 = tpu.vector_load %arg10[%swap3A] {strides = array<i32>} : memref<2048xf32, #tpu.memory_space<vmem>>, vector<16xf32>,
    tpu.vector_store %arg10[%swap3A], %broadcast_in_dim3A_51 {strides = array<i32>} : memref<2048xf32, #tpu.memory_space<vmem>>, vector<16xf32>,
    %swap3A_53 = arith.constant 16 : index
    %swap3A_54 = tpu.vector_load %arg10[%swap3A_53] {strides = array<i32>} : memref<2048xf32, #tpu.memory_space<vmem>>, vector<16xf32>,
    tpu.vector_store %arg10[%swap3A_53], %broadcast_in_dim3A_51 {strides = array<i32>} : memref<2048xf32, #tpu.memory_space<vmem>>, vector<16xf32>,
    %swap3A_55 = arith.constant 32 : index
    %swap3A_56 = tpu.vector_load %arg10[%swap3A_55] {strides = array<i32>} : memref<2048xf32, #tpu.memory_space<vmem>>, vector<16xf32>,
    tpu.vector_store %arg10[%swap3A_55], %broadcast_in_dim3A_51 {strides = array<i32>} : memref<2048xf32, #tpu.memory_space<vmem>>, vector<16xf32>,
    %swap3A_57 = arith.constant 48 : index
    %swap3A_58 = tpu.vector_load %arg10[%swap3A_57] {strides = array<i32>} : memref<2048xf32, #tpu.memory_space<vmem>>, vector<16xf32>,
    tpu.vector_store %arg10[%swap3A_57], %broadcast_in_dim3A_51 {strides = array<i32>} : memref<2048xf32, #tpu.memory_space<vmem>>, vector<16xf32>,
    %swap3A_59 = arith.constant 64 : index
    %swap3A_60 = tpu.vector_load %arg10[%swap3A_59] {strides = array<i32>} : memref<2048xf32, #tpu.memory_space<vmem>>, vector<16xf32>,
    tpu.vector_store %arg10[%swap3A_59], %broadcast_in_dim3A_51 {strides = array<i32>} : memref<2048xf32, #tpu.memory_space<vmem>>, vector<16xf32>,
    %swap3A_61 = arith.constant 80 : index
    %swap3A_62 = tpu.vector_load %arg10[%swap3A_61] {strides = array<i32>} : memref<2048xf32, #tpu.memory_space<vmem>>, vector<16xf32>,
    tpu.vector_store %arg10[%swap3A_61], %broadcast_in_dim3A_51 {strides = array<i32>} : memref<2048xf32, #tpu.memory_space<vmem>>, vector<16xf32>,
    %swap3A_63 = arith.constant 96 : index
    %swap3A_64 = tpu.vector_load %arg10[%swap3A_63] {strides = array<i32>} : memref<2048xf32, #tpu.memory_space<vmem>>, vector<16xf32>,
    tpu.vector_store %arg10[%swap3A_63], %broadcast_in_dim3A_51 {strides = array<i32>} : memref<2048xf32, #tpu.memory_space<vmem>>, vector<16xf32>,
    %swap3A_65 = arith.constant 112 : index
    %swap3A_66 = tpu.vector_load %arg10[%swap3A_65] {strides = array<i32>} : memref<2048xf32, #tpu.memory_space<vmem>>, vector<16xf32>,
    tpu.vector_store %arg10[%swap3A_65], %broadcast_in_dim3A_51 {strides = array<i32>} : memref<2048xf32, #tpu.memory_space<vmem>>, vector<16xf32>,
    %swap3A_67 = arith.constant 128 : index
    %swap3A_68 = tpu.vector_load %arg10[%swap3A_67] {strides = array<i32>} : memref<2048xf32, #tpu.memory_space<vmem>>, vector<16xf32>,
    tpu.vector_store %arg10[%swap3A_67], %broadcast_in_dim3A_51 {strides = array<i32>} : memref<2048xf32, #tpu.memory_space<vmem>>, vector<16xf32>,
    %swap3A_69 = arith.constant 144 : index
    %swap3A_70 = tpu.vector_load %arg10[%swap3A_69] {strides = array<i32>} : memref<2048xf32, #tpu.memory_space<vmem>>, vector<16xf32>,
    tpu.vector_store %arg10[%swap3A_69], %broadcast_in_dim3A_51 {strides = array<i32>} : memref<2048xf32, #tpu.memory_space<vmem>>, vector<16xf32>,
    %swap3A_71 = arith.constant 160 : index
    %swap3A_72 = tpu.vector_load %arg10[%swap3A_71] {strides = array<i32>} : memref<2048xf32, #tpu.memory_space<vmem>>, vector<16xf32>,
    tpu.vector_store %arg10[%swap3A_71], %broadcast_in_dim3A_51 {strides = array<i32>} : memref<2048xf32, #tpu.memory_space<vmem>>, vector<16xf32>,
    %swap3A_73 = arith.constant 176 : index
    %swap3A_74 = tpu.vector_load %arg10[%swap3A_73] {strides = array<i32>} : memref<2048xf32, #tpu.memory_space<vmem>>, vector<16xf32>,
    tpu.vector_store %arg10[%swap3A_73], %broadcast_in_dim3A_51 {strides = array<i32>} : memref<2048xf32, #tpu.memory_space<vmem>>, vector<16xf32>,
    %swap3A_75 = arith.constant 192 : index
    %swap3A_76 = tpu.vector_load %arg10[%swap3A_75] {strides = array<i32>} : memref<2048xf32, #tpu.memory_space<vmem>>, vector<16xf32>,
    tpu.vector_store %arg10[%swap3A_75], %broadcast_in_dim3A_51 {strides = array<i32>} : memref<2048xf32, #tpu.memory_space<vmem>>, vector<16xf32>,
    %swap3A_77 = arith.constant 208 : index
    %swap3A_78 = tpu.vector_load %arg10[%swap3A_77] {strides = array<i32>} : memref<2048xf32, #tpu.memory_space<vmem>>, vector<16xf32>,
    tpu.vector_store %arg10[%swap3A_77], %broadcast_in_dim3A_51 {strides = array<i32>} : memref<2048xf32, #tpu.memory_space<vmem>>, vector<16xf32>,
    %swap3A_79 = arith.constant 224 : index
    %swap3A_80 = tpu.vector_load %arg10[%swap3A_79] {strides = array<i32>} : memref<2048xf32, #tpu.memory_space<vmem>>, vector<16xf32>,
    tpu.vector_store %arg10[%swap3A_79], %broadcast_in_dim3A_51 {strides = array<i32>} : memref<2048xf32, #tpu.memory_space<vmem>>, vector<16xf32>,
    %swap3A_81 = arith.constant 240 : index
    %swap3A_82 = tpu.vector_load %arg10[%swap3A_81] {strides = array<i32>} : memref<2048xf32, #tpu.memory_space<vmem>>, vector<16xf32>,
    tpu.vector_store %arg10[%swap3A_81], %broadcast_in_dim3A_51 {strides = array<i32>} : memref<2048xf32, #tpu.memory_space<vmem>>, vector<16xf32>,
    %swap3A_83 = arith.constant 256 : index
    %swap3A_84 = tpu.vector_load %arg10[%swap3A_83] {strides = array<i32>} : memref<2048xf32, #tpu.memory_space<vmem>>, vector<16xf32>,
    tpu.vector_store %arg10[%swap3A_83], %broadcast_in_dim3A_51 {strides = array<i32>} : memref<2048xf32, #tpu.memory_space<vmem>>, vector<16xf32>,
    %swap3A_85 = arith.constant 272 : index
    %swap3A_86 = tpu.vector_load %arg10[%swap3A_85] {strides = array<i32>} : memref<2048xf32, #tpu.memory_space<vmem>>, vector<16xf32>,
    tpu.vector_store %arg10[%swap3A_85], %broadcast_in_dim3A_51 {strides = array<i32>} : memref<2048xf32, #tpu.memory_space<vmem>>, vector<16xf32>,
    %swap3A_87 = arith.constant 288 : index
    %swap3A_88 = tpu.vector_load %arg10[%swap3A_87] {strides = array<i32>} : memref<2048xf32, #tpu.memory_space<vmem>>, vector<16xf32>,
    tpu.vector_store %arg10[%swap3A_87], %broadcast_in_dim3A_51 {strides = array<i32>} : memref<2048xf32, #tpu.memory_space<vmem>>, vector<16xf32>,
    %swap3A_89 = arith.constant 304 : index
    %swap3A_90 = tpu.vector_load %arg10[%swap3A_89] {strides = array<i32>} : memref<2048xf32, #tpu.memory_space<vmem>>, vector<16xf32>,
    tpu.vector_store %arg10[%swap3A_89], %broadcast_in_dim3A_51 {strides = array<i32>} : memref<2048xf32, #tpu.memory_space<vmem>>, vector<16xf32>,
    %swap3A_91 = arith.constant 320 : index
    %swap3A_92 = tpu.vector_load %arg10[%swap3A_91] {strides = array<i32>} : memref<2048xf32, #tpu.memory_space<vmem>>, vector<16xf32>,
    tpu.vector_store %arg10[%swap3A_91], %broadcast_in_dim3A_51 {strides = array<i32>} : memref<2048xf32, #tpu.memory_space<vmem>>, vector<16xf32>,
    %swap3A_93 = arith.constant 336 : index
    %swap3A_94 = tpu.vector_load %arg10[%swap3A_93] {strides = array<i32>} : memref<2048xf32, #tpu.memory_space<vmem>>, vector<16xf32>,
    tpu.vector_store %arg10[%swap3A_93], %broadcast_in_dim3A_51 {strides = array<i32>} : memref<2048xf32, #tpu.memory_space<vmem>>, vector<16xf32>,
    %swap3A_95 = arith.constant 352 : index
    %swap3A_96 = tpu.vector_load %arg10[%swap3A_95] {strides = array<i32>} : memref<2048xf32, #tpu.memory_space<vmem>>, vector<16xf32>,
    tpu.vector_store %arg10[%swap3A_95], %broadcast_in_dim3A_51 {strides = array<i32>} : memref<2048xf32, #tpu.memory_space<vmem>>, vector<16xf32>,
    %swap3A_97 = arith.constant 368 : index
    %swap3A_98 = tpu.vector_load %arg10[%swap3A_97] {strides = array<i32>} : memref<2048xf32, #tpu.memory_space<vmem>>, vector<16xf32>,
    tpu.vector_store %arg10[%swap3A_97], %broadcast_in_dim3A_51 {strides = array<i32>} : memref<2048xf32, #tpu.memory_space<vmem>>, vector<16xf32>,
    %swap3A_99 = arith.constant 384 : index
    %swap3A_100 = tpu.vector_load %arg10[%swap3A_99] {strides = array<i32>} : memref<2048xf32, #tpu.memory_space<vmem>>, vector<16xf32>,
    tpu.vector_store %arg10[%swap3A_99], %broadcast_in_dim3A_51 {strides = array<i32>} : memref<2048xf32, #tpu.memory_space<vmem>>, vector<16xf32>,
    %swap3A_101 = arith.constant 400 : index
    %swap3A_102 = tpu.vector_load %arg10[%swap3A_101] {strides = array<i32>} : memref<2048xf32, #tpu.memory_space<vmem>>, vector<16xf32>,
    tpu.vector_store %arg10[%swap3A_101], %broadcast_in_dim3A_51 {strides = array<i32>} : memref<2048xf32, #tpu.memory_space<vmem>>, vector<16xf32>,
    %swap3A_103 = arith.constant 416 : index
    %swap3A_104 = tpu.vector_load %arg10[%swap3A_103] {strides = array<i32>} : memref<2048xf32, #tpu.memory_space<vmem>>, vector<16xf32>,
    tpu.vector_store %arg10[%swap3A_103], %broadcast_in_dim3A_51 {strides = array<i32>} : memref<2048xf32, #tpu.memory_space<vmem>>, vector<16xf32>,
    %swap3A_105 = arith.constant 432 : index
    %swap3A_106 = tpu.vector_load %arg10[%swap3A_105] {strides = array<i32>} : memref<2048xf32, #tpu.memory_space<vmem>>, vector<16xf32>,
    tpu.vector_store %arg10[%swap3A_105], %broadcast_in_dim3A_51 {strides = array<i32>} : memref<2048xf32, #tpu.memory_space<vmem>>, vector<16xf32>,
    %swap3A_107 = arith.constant 448 : index
    %swap3A_108 = tpu.vector_load %arg10[%swap3A_107] {strides = array<i32>} : memref<2048xf32, #tpu.memory_space<vmem>>, vector<16xf32>,
    tpu.vector_store %arg10[%swap3A_107], %broadcast_in_dim3A_51 {strides = array<i32>} : memref<2048xf32, #tpu.memory_space<vmem>>, vector<16xf32>,
    %swap3A_109 = arith.constant 464 : index
    %swap3A_110 = tpu.vector_load %arg10[%swap3A_109] {strides = array<i32>} : memref<2048xf32, #tpu.memory_space<vmem>>, vector<16xf32>,
    tpu.vector_store %arg10[%swap3A_109], %broadcast_in_dim3A_51 {strides = array<i32>} : memref<2048xf32, #tpu.memory_space<vmem>>, vector<16xf32>,
    %swap3A_111 = arith.constant 480 : index
    %swap3A_112 = tpu.vector_load %arg10[%swap3A_111] {strides = array<i32>} : memref<2048xf32, #tpu.memory_space<vmem>>, vector<16xf32>,
    tpu.vector_store %arg10[%swap3A_111], %broadcast_in_dim3A_51 {strides = array<i32>} : memref<2048xf32, #tpu.memory_space<vmem>>, vector<16xf32>,
    %swap3A_113 = arith.constant 496 : index
    %swap3A_114 = tpu.vector_load %arg10[%swap3A_113] {strides = array<i32>} : memref<2048xf32, #tpu.memory_space<vmem>>, vector<16xf32>,
    tpu.vector_store %arg10[%swap3A_113], %broadcast_in_dim3A_51 {strides = array<i32>} : memref<2048xf32, #tpu.memory_space<vmem>>, vector<16xf32>,
    %swap3A_115 = arith.constant 512 : index
    %swap3A_116 = tpu.vector_load %arg10[%swap3A_115] {strides = array<i32>} : memref<2048xf32, #tpu.memory_space<vmem>>, vector<16xf32>,
    tpu.vector_store %arg10[%swap3A_115], %broadcast_in_dim3A_51 {strides = array<i32>} : memref<2048xf32, #tpu.memory_space<vmem>>, vector<16xf32>,
    %swap3A_117 = arith.constant 528 : index
    %swap3A_118 = tpu.vector_load %arg10[%swap3A_117] {strides = array<i32>} : memref<2048xf32, #tpu.memory_space<vmem>>, vector<16xf32>,
    tpu.vector_store %arg10[%swap3A_117], %broadcast_in_dim3A_51 {strides = array<i32>} : memref<2048xf32, #tpu.memory_space<vmem>>, vector<16xf32>,
    %swap3A_119 = arith.constant 544 : index
    %swap3A_120 = tpu.vector_load %arg10[%swap3A_119] {strides = array<i32>} : memref<2048xf32, #tpu.memory_space<vmem>>, vector<16xf32>,
    tpu.vector_store %arg10[%swap3A_119], %broadcast_in_dim3A_51 {strides = array<i32>} : memref<2048xf32, #tpu.memory_space<vmem>>, vector<16xf32>,
    %swap3A_121 = arith.constant 560 : index
    %swap3A_122 = tpu.vector_load %arg10[%swap3A_121] {strides = array<i32>} : memref<2048xf32, #tpu.memory_space<vmem>>, vector<16xf32>,
    tpu.vector_store %arg10[%swap3A_121], %broadcast_in_dim3A_51 {strides = array<i32>} : memref<2048xf32, #tpu.memory_space<vmem>>, vector<16xf32>,
    %swap3A_123 = arith.constant 576 : index
    %swap3A_124 = tpu.vector_load %arg10[%swap3A_123] {strides = array<i32>} : memref<2048xf32, #tpu.memory_space<vmem>>, vector<16xf32>,
    tpu.vector_store %arg10[%swap3A_123], %broadcast_in_dim3A_51 {strides = array<i32>} : memref<2048xf32, #tpu.memory_space<vmem>>, vector<16xf32>,
    %swap3A_125 = arith.constant 592 : index
    %swap3A_126 = tpu.vector_load %arg10[%swap3A_125] {strides = array<i32>} : memref<2048xf32, #tpu.memory_space<vmem>>, vector<16xf32>,
    tpu.vector_store %arg10[%swap3A_125], %broadcast_in_dim3A_51 {strides = array<i32>} : memref<2048xf32, #tpu.memory_space<vmem>>, vector<16xf32>,
    %swap3A_127 = arith.constant 608 : index
    %swap3A_128 = tpu.vector_load %arg10[%swap3A_127] {strides = array<i32>} : memref<2048xf32, #tpu.memory_space<vmem>>, vector<16xf32>,
    tpu.vector_store %arg10[%swap3A_127], %broadcast_in_dim3A_51 {strides = array<i32>} : memref<2048xf32, #tpu.memory_space<vmem>>, vector<16xf32>,
    %swap3A_129 = arith.constant 624 : index
    %swap3A_130 = tpu.vector_load %arg10[%swap3A_129] {strides = array<i32>} : memref<2048xf32, #tpu.memory_space<vmem>>, vector<16xf32>,
    tpu.vector_store %arg10[%swap3A_129], %broadcast_in_dim3A_51 {strides = array<i32>} : memref<2048xf32, #tpu.memory_space<vmem>>, vector<16xf32>,
    %swap3A_131 = arith.constant 640 : index
    %swap3A_132 = tpu.vector_load %arg10[%swap3A_131] {strides = array<i32>} : memref<2048xf32, #tpu.memory_space<vmem>>, vector<16xf32>,
    tpu.vector_store %arg10[%swap3A_131], %broadcast_in_dim3A_51 {strides = array<i32>} : memref<2048xf32, #tpu.memory_space<vmem>>, vector<16xf32>,
    %swap3A_133 = arith.constant 656 : index
    %swap3A_134 = tpu.vector_load %arg10[%swap3A_133] {strides = array<i32>} : memref<2048xf32, #tpu.memory_space<vmem>>, vector<16xf32>,
    tpu.vector_store %arg10[%swap3A_133], %broadcast_in_dim3A_51 {strides = array<i32>} : memref<2048xf32, #tpu.memory_space<vmem>>, vector<16xf32>,
    %swap3A_135 = arith.constant 672 : index
    %swap3A_136 = tpu.vector_load %arg10[%swap3A_135] {strides = array<i32>} : memref<2048xf32, #tpu.memory_space<vmem>>, vector<16xf32>,
    tpu.vector_store %arg10[%swap3A_135], %broadcast_in_dim3A_51 {strides = array<i32>} : memref<2048xf32, #tpu.memory_space<vmem>>, vector<16xf32>,
    %swap3A_137 = arith.constant 688 : index
    %swap3A_138 = tpu.vector_load %arg10[%swap3A_137] {strides = array<i32>} : memref<2048xf32, #tpu.memory_space<vmem>>, vector<16xf32>,
    tpu.vector_store %arg10[%swap3A_137], %broadcast_in_dim3A_51 {strides = array<i32>} : memref<2048xf32, #tpu.memory_space<vmem>>, vector<16xf32>,
    %swap3A_139 = arith.constant 704 : index
    %swap3A_140 = tpu.vector_load %arg10[%swap3A_139] {strides = array<i32>} : memref<2048xf32, #tpu.memory_space<vmem>>, vector<16xf32>,
    tpu.vector_store %arg10[%swap3A_139], %broadcast_in_dim3A_51 {strides = array<i32>} : memref<2048xf32, #tpu.memory_space<vmem>>, vector<16xf32>,
    %swap3A_141 = arith.constant 720 : index
    %swap3A_142 = tpu.vector_load %arg10[%swap3A_141] {strides = array<i32>} : memref<2048xf32, #tpu.memory_space<vmem>>, vector<16xf32>,
    tpu.vector_store %arg10[%swap3A_141], %broadcast_in_dim3A_51 {strides = array<i32>} : memref<2048xf32, #tpu.memory_space<vmem>>, vector<16xf32>,
    %swap3A_143 = arith.constant 736 : index
    %swap3A_144 = tpu.vector_load %arg10[%swap3A_143] {strides = array<i32>} : memref<2048xf32, #tpu.memory_space<vmem>>, vector<16xf32>,
    tpu.vector_store %arg10[%swap3A_143], %broadcast_in_dim3A_51 {strides = array<i32>} : memref<2048xf32, #tpu.memory_space<vmem>>, vector<16xf32>,
    %swap3A_145 = arith.constant 752 : index
    %swap3A_146 = tpu.vector_load %arg10[%swap3A_145] {strides = array<i32>} : memref<2048xf32, #tpu.memory_space<vmem>>, vector<16xf32>,
    tpu.vector_store %arg10[%swap3A_145], %broadcast_in_dim3A_51 {strides = array<i32>} : memref<2048xf32, #tpu.memory_space<vmem>>, vector<16xf32>,
    %swap3A_147 = arith.constant 768 : index
    %swap3A_148 = tpu.vector_load %arg10[%swap3A_147] {strides = array<i32>} : memref<2048xf32, #tpu.memory_space<vmem>>, vector<16xf32>,
    tpu.vector_store %arg10[%swap3A_147], %broadcast_in_dim3A_51 {strides = array<i32>} : memref<2048xf32, #tpu.memory_space<vmem>>, vector<16xf32>,
    %swap3A_149 = arith.constant 784 : index
    %swap3A_150 = tpu.vector_load %arg10[%swap3A_149] {strides = array<i32>} : memref<2048xf32, #tpu.memory_space<vmem>>, vector<16xf32>,
    tpu.vector_store %arg10[%swap3A_149], %broadcast_in_dim3A_51 {strides = array<i32>} : memref<2048xf32, #tpu.memory_space<vmem>>, vector<16xf32>,
    %swap3A_151 = arith.constant 800 : index
    %swap3A_152 = tpu.vector_load %arg10[%swap3A_151] {strides = array<i32>} : memref<2048xf32, #tpu.memory_space<vmem>>, vector<16xf32>,
    tpu.vector_store %arg10[%swap3A_151], %broadcast_in_dim3A_51 {strides = array<i32>} : memref<2048xf32, #tpu.memory_space<vmem>>, vector<16xf32>,
    %swap3A_153 = arith.constant 816 : index
    %swap3A_154 = tpu.vector_load %arg10[%swap3A_153] {strides = array<i32>} : memref<2048xf32, #tpu.memory_space<vmem>>, vector<16xf32>,
    tpu.vector_store %arg10[%swap3A_153], %broadcast_in_dim3A_51 {strides = array<i32>} : memref<2048xf32, #tpu.memory_space<vmem>>, vector<16xf32>,
    %swap3A_155 = arith.constant 832 : index
    %swap3A_156 = tpu.vector_load %arg10[%swap3A_155] {strides = array<i32>} : memref<2048xf32, #tpu.memory_space<vmem>>, vector<16xf32>,
    tpu.vector_store %arg10[%swap3A_155], %broadcast_in_dim3A_51 {strides = array<i32>} : memref<2048xf32, #tpu.memory_space<vmem>>, vector<16xf32>,
    %swap3A_157 = arith.constant 848 : index
    %swap3A_158 = tpu.vector_load %arg10[%swap3A_157] {strides = array<i32>} : memref<2048xf32, #tpu.memory_space<vmem>>, vector<16xf32>,
    tpu.vector_store %arg10[%swap3A_157], %broadcast_in_dim3A_51 {strides = array<i32>} : memref<2048xf32, #tpu.memory_space<vmem>>, vector<16xf32>,
    %swap3A_159 = arith.constant 864 : index
    %swap3A_160 = tpu.vector_load %arg10[%swap3A_159] {strides = array<i32>} : memref<2048xf32, #tpu.memory_space<vmem>>, vector<16xf32>,
    tpu.vector_store %arg10[%swap3A_159], %broadcast_in_dim3A_51 {strides = array<i32>} : memref<2048xf32, #tpu.memory_space<vmem>>, vector<16xf32>,
    %swap3A_161 = arith.constant 880 : index
    %swap3A_162 = tpu.vector_load %arg10[%swap3A_161] {strides = array<i32>} : memref<2048xf32, #tpu.memory_space<vmem>>, vector<16xf32>,
    tpu.vector_store %arg10[%swap3A_161], %broadcast_in_dim3A_51 {strides = array<i32>} : memref<2048xf32, #tpu.memory_space<vmem>>, vector<16xf32>,
    %swap3A_163 = arith.constant 896 : index
    %swap3A_164 = tpu.vector_load %arg10[%swap3A_163] {strides = array<i32>} : memref<2048xf32, #tpu.memory_space<vmem>>, vector<16xf32>,
    tpu.vector_store %arg10[%swap3A_163], %broadcast_in_dim3A_51 {strides = array<i32>} : memref<2048xf32, #tpu.memory_space<vmem>>, vector<16xf32>,
    %swap3A_165 = arith.constant 912 : index
    %swap3A_166 = tpu.vector_load %arg10[%swap3A_165] {strides = array<i32>} : memref<2048xf32, #tpu.memory_space<vmem>>, vector<16xf32>,
    tpu.vector_store %arg10[%swap3A_165], %broadcast_in_dim3A_51 {strides = array<i32>} : memref<2048xf32, #tpu.memory_space<vmem>>, vector<16xf32>,
    %swap3A_167 = arith.constant 928 : index
    %swap3A_168 = tpu.vector_load %arg10[%swap3A_167] {strides = array<i32>} : memref<2048xf32, #tpu.memory_space<vmem>>, vector<16xf32>,
    tpu.vector_store %arg10[%swap3A_167], %broadcast_in_dim3A_51 {strides = array<i32>} : memref<2048xf32, #tpu.memory_space<vmem>>, vector<16xf32>,
    %swap3A_169 = arith.constant 944 : index
    %swap3A_170 = tpu.vector_load %arg10[%swap3A_169] {strides = array<i32>} : memref<2048xf32, #tpu.memory_space<vmem>>, vector<16xf32>,
    tpu.vector_store %arg10[%swap3A_169], %broadcast_in_dim3A_51 {strides = array<i32>} : memref<2048xf32, #tpu.memory_space<vmem>>, vector<16xf32>,
    %swap3A_171 = arith.constant 960 : index
    %swap3A_172 = tpu.vector_load %arg10[%swap3A_171] {strides = array<i32>} : memref<2048xf32, #tpu.memory_space<vmem>>, vector<16xf32>,
    tpu.vector_store %arg10[%swap3A_171], %broadcast_in_dim3A_51 {strides = array<i32>} : memref<2048xf32, #tpu.memory_space<vmem>>, vector<16xf32>,
    %swap3A_173 = arith.constant 976 : index
    %swap3A_174 = tpu.vector_load %arg10[%swap3A_173] {strides = array<i32>} : memref<2048xf32, #tpu.memory_space<vmem>>, vector<16xf32>,
    tpu.vector_store %arg10[%swap3A_173], %broadcast_in_dim3A_51 {strides = array<i32>} : memref<2048xf32, #tpu.memory_space<vmem>>, vector<16xf32>,
    %swap3A_175 = arith.constant 992 : index
    %swap3A_176 = tpu.vector_load %arg10[%swap3A_175] {strides = array<i32>} : memref<2048xf32, #tpu.memory_space<vmem>>, vector<16xf32>,
    tpu.vector_store %arg10[%swap3A_175], %broadcast_in_dim3A_51 {strides = array<i32>} : memref<2048xf32, #tpu.memory_space<vmem>>, vector<16xf32>,
    %swap3A_177 = arith.constant 1008 : index
    %swap3A_178 = tpu.vector_load %arg10[%swap3A_177] {strides = array<i32>} : memref<2048xf32, #tpu.memory_space<vmem>>, vector<16xf32>,
    tpu.vector_store %arg10[%swap3A_177], %broadcast_in_dim3A_51 {strides = array<i32>} : memref<2048xf32, #tpu.memory_space<vmem>>, vector<16xf32>,
    %swap3A_179 = arith.constant 1024 : index
    %swap3A_180 = tpu.vector_load %arg10[%swap3A_179] {strides = array<i32>} : memref<2048xf32, #tpu.memory_space<vmem>>, vector<16xf32>,
    tpu.vector_store %arg10[%swap3A_179], %broadcast_in_dim3A_51 {strides = array<i32>} : memref<2048xf32, #tpu.memory_space<vmem>>, vector<16xf32>,
    %swap3A_181 = arith.constant 1040 : index
    %swap3A_182 = tpu.vector_load %arg10[%swap3A_181] {strides = array<i32>} : memref<2048xf32, #tpu.memory_space<vmem>>, vector<16xf32>,
    tpu.vector_store %arg10[%swap3A_181], %broadcast_in_dim3A_51 {strides = array<i32>} : memref<2048xf32, #tpu.memory_space<vmem>>, vector<16xf32>,
    %swap3A_183 = arith.constant 1056 : index
    %swap3A_184 = tpu.vector_load %arg10[%swap3A_183] {strides = array<i32>} : memref<2048xf32, #tpu.memory_space<vmem>>, vector<16xf32>,
    tpu.vector_store %arg10[%swap3A_183], %broadcast_in_dim3A_51 {strides = array<i32>} : memref<2048xf32, #tpu.memory_space<vmem>>, vector<16xf32>,
    %swap3A_185 = arith.constant 1072 : index
    %swap3A_186 = tpu.vector_load %arg10[%swap3A_185] {strides = array<i32>} : memref<2048xf32, #tpu.memory_space<vmem>>, vector<16xf32>,
    tpu.vector_store %arg10[%swap3A_185], %broadcast_in_dim3A_51 {strides = array<i32>} : memref<2048xf32, #tpu.memory_space<vmem>>, vector<16xf32>,
    %swap3A_187 = arith.constant 1088 : index
    %swap3A_188 = tpu.vector_load %arg10[%swap3A_187] {strides = array<i32>} : memref<2048xf32, #tpu.memory_space<vmem>>, vector<16xf32>,
    tpu.vector_store %arg10[%swap3A_187], %broadcast_in_dim3A_51 {strides = array<i32>} : memref<2048xf32, #tpu.memory_space<vmem>>, vector<16xf32>,
    %swap3A_189 = arith.constant 1104 : index
    %swap3A_190 = tpu.vector_load %arg10[%swap3A_189] {strides = array<i32>} : memref<2048xf32, #tpu.memory_space<vmem>>, vector<16xf32>,
    tpu.vector_store %arg10[%swap3A_189], %broadcast_in_dim3A_51 {strides = array<i32>} : memref<2048xf32, #tpu.memory_space<vmem>>, vector<16xf32>,
    %swap3A_191 = arith.constant 1120 : index
    %swap3A_192 = tpu.vector_load %arg10[%swap3A_191] {strides = array<i32>} : memref<2048xf32, #tpu.memory_space<vmem>>, vector<16xf32>,
    tpu.vector_store %arg10[%swap3A_191], %broadcast_in_dim3A_51 {strides = array<i32>} : memref<2048xf32, #tpu.memory_space<vmem>>, vector<16xf32>,
    %swap3A_193 = arith.constant 1136 : index
    %swap3A_194 = tpu.vector_load %arg10[%swap3A_193] {strides = array<i32>} : memref<2048xf32, #tpu.memory_space<vmem>>, vector<16xf32>,
    tpu.vector_store %arg10[%swap3A_193], %broadcast_in_dim3A_51 {strides = array<i32>} : memref<2048xf32, #tpu.memory_space<vmem>>, vector<16xf32>,
    %swap3A_195 = arith.constant 1152 : index
    %swap3A_196 = tpu.vector_load %arg10[%swap3A_195] {strides = array<i32>} : memref<2048xf32, #tpu.memory_space<vmem>>, vector<16xf32>,
    tpu.vector_store %arg10[%swap3A_195], %broadcast_in_dim3A_51 {strides = array<i32>} : memref<2048xf32, #tpu.memory_space<vmem>>, vector<16xf32>,
    %swap3A_197 = arith.constant 1168 : index
    %swap3A_198 = tpu.vector_load %arg10[%swap3A_197] {strides = array<i32>} : memref<2048xf32, #tpu.memory_space<vmem>>, vector<16xf32>,
    tpu.vector_store %arg10[%swap3A_197], %broadcast_in_dim3A_51 {strides = array<i32>} : memref<2048xf32, #tpu.memory_space<vmem>>, vector<16xf32>,
    %swap3A_199 = arith.constant 1184 : index
    %swap3A_200 = tpu.vector_load %arg10[%swap3A_199] {strides = array<i32>} : memref<2048xf32, #tpu.memory_space<vmem>>, vector<16xf32>,
    tpu.vector_store %arg10[%swap3A_199], %broadcast_in_dim3A_51 {strides = array<i32>} : memref<2048xf32, #tpu.memory_space<vmem>>, vector<16xf32>,
    %swap3A_201 = arith.constant 1200 : index
    %swap3A_202 = tpu.vector_load %arg10[%swap3A_201] {strides = array<i32>} : memref<2048xf32, #tpu.memory_space<vmem>>, vector<16xf32>,
    tpu.vector_store %arg10[%swap3A_201], %broadcast_in_dim3A_51 {strides = array<i32>} : memref<2048xf32, #tpu.memory_space<vmem>>, vector<16xf32>,
    %swap3A_203 = arith.constant 1216 : index
    %swap3A_204 = tpu.vector_load %arg10[%swap3A_203] {strides = array<i32>} : memref<2048xf32, #tpu.memory_space<vmem>>, vector<16xf32>,
    tpu.vector_store %arg10[%swap3A_203], %broadcast_in_dim3A_51 {strides = array<i32>} : memref<2048xf32, #tpu.memory_space<vmem>>, vector<16xf32>,
    %swap3A_205 = arith.constant 1232 : index
    %swap3A_206 = tpu.vector_load %arg10[%swap3A_205] {strides = array<i32>} : memref<2048xf32, #tpu.memory_space<vmem>>, vector<16xf32>,
    tpu.vector_store %arg10[%swap3A_205], %broadcast_in_dim3A_51 {strides = array<i32>} : memref<2048xf32, #tpu.memory_space<vmem>>, vector<16xf32>,
    %swap3A_207 = arith.constant 1248 : index
    %swap3A_208 = tpu.vector_load %arg10[%swap3A_207] {strides = array<i32>} : memref<2048xf32, #tpu.memory_space<vmem>>, vector<16xf32>,
    tpu.vector_store %arg10[%swap3A_207], %broadcast_in_dim3A_51 {strides = array<i32>} : memref<2048xf32, #tpu.memory_space<vmem>>, vector<16xf32>,
    %swap3A_209 = arith.constant 1264 : index
    %swap3A_210 = tpu.vector_load %arg10[%swap3A_209] {strides = array<i32>} : memref<2048xf32, #tpu.memory_space<vmem>>, vector<16xf32>,
    tpu.vector_store %arg10[%swap3A_209], %broadcast_in_dim3A_51 {strides = array<i32>} : memref<2048xf32, #tpu.memory_space<vmem>>, vector<16xf32>,
    %swap3A_211 = arith.constant 1280 : index
    %swap3A_212 = tpu.vector_load %arg10[%swap3A_211] {strides = array<i32>} : memref<2048xf32, #tpu.memory_space<vmem>>, vector<16xf32>,
    tpu.vector_store %arg10[%swap3A_211], %broadcast_in_dim3A_51 {strides = array<i32>} : memref<2048xf32, #tpu.memory_space<vmem>>, vector<16xf32>,
    %swap3A_213 = arith.constant 1296 : index
    %swap3A_214 = tpu.vector_load %arg10[%swap3A_213] {strides = array<i32>} : memref<2048xf32, #tpu.memory_space<vmem>>, vector<16xf32>,
    tpu.vector_store %arg10[%swap3A_213], %broadcast_in_dim3A_51 {strides = array<i32>} : memref<2048xf32, #tpu.memory_space<vmem>>, vector<16xf32>,
    %swap3A_215 = arith.constant 1312 : index
    %swap3A_216 = tpu.vector_load %arg10[%swap3A_215] {strides = array<i32>} : memref<2048xf32, #tpu.memory_space<vmem>>, vector<16xf32>,
    tpu.vector_store %arg10[%swap3A_215], %broadcast_in_dim3A_51 {strides = array<i32>} : memref<2048xf32, #tpu.memory_space<vmem>>, vector<16xf32>,
    %swap3A_217 = arith.constant 1328 : index
    %swap3A_218 = tpu.vector_load %arg10[%swap3A_217] {strides = array<i32>} : memref<2048xf32, #tpu.memory_space<vmem>>, vector<16xf32>,
    tpu.vector_store %arg10[%swap3A_217], %broadcast_in_dim3A_51 {strides = array<i32>} : memref<2048xf32, #tpu.memory_space<vmem>>, vector<16xf32>,
    %swap3A_219 = arith.constant 1344 : index
    %swap3A_220 = tpu.vector_load %arg10[%swap3A_219] {strides = array<i32>} : memref<2048xf32, #tpu.memory_space<vmem>>, vector<16xf32>,
    tpu.vector_store %arg10[%swap3A_219], %broadcast_in_dim3A_51 {strides = array<i32>} : memref<2048xf32, #tpu.memory_space<vmem>>, vector<16xf32>,
    %swap3A_221 = arith.constant 1360 : index
    %swap3A_222 = tpu.vector_load %arg10[%swap3A_221] {strides = array<i32>} : memref<2048xf32, #tpu.memory_space<vmem>>, vector<16xf32>,
    tpu.vector_store %arg10[%swap3A_221], %broadcast_in_dim3A_51 {strides = array<i32>} : memref<2048xf32, #tpu.memory_space<vmem>>, vector<16xf32>,
    %swap3A_223 = arith.constant 1376 : index
    %swap3A_224 = tpu.vector_load %arg10[%swap3A_223] {strides = array<i32>} : memref<2048xf32, #tpu.memory_space<vmem>>, vector<16xf32>,
    tpu.vector_store %arg10[%swap3A_223], %broadcast_in_dim3A_51 {strides = array<i32>} : memref<2048xf32, #tpu.memory_space<vmem>>, vector<16xf32>,
    %swap3A_225 = arith.constant 1392 : index
    %swap3A_226 = tpu.vector_load %arg10[%swap3A_225] {strides = array<i32>} : memref<2048xf32, #tpu.memory_space<vmem>>, vector<16xf32>,
    tpu.vector_store %arg10[%swap3A_225], %broadcast_in_dim3A_51 {strides = array<i32>} : memref<2048xf32, #tpu.memory_space<vmem>>, vector<16xf32>,
    %swap3A_227 = arith.constant 1408 : index
    %swap3A_228 = tpu.vector_load %arg10[%swap3A_227] {strides = array<i32>} : memref<2048xf32, #tpu.memory_space<vmem>>, vector<16xf32>,
    tpu.vector_store %arg10[%swap3A_227], %broadcast_in_dim3A_51 {strides = array<i32>} : memref<2048xf32, #tpu.memory_space<vmem>>, vector<16xf32>,
    %swap3A_229 = arith.constant 1424 : index
    %swap3A_230 = tpu.vector_load %arg10[%swap3A_229] {strides = array<i32>} : memref<2048xf32, #tpu.memory_space<vmem>>, vector<16xf32>,
    tpu.vector_store %arg10[%swap3A_229], %broadcast_in_dim3A_51 {strides = array<i32>} : memref<2048xf32, #tpu.memory_space<vmem>>, vector<16xf32>,
    %swap3A_231 = arith.constant 1440 : index
    %swap3A_232 = tpu.vector_load %arg10[%swap3A_231] {strides = array<i32>} : memref<2048xf32, #tpu.memory_space<vmem>>, vector<16xf32>,
    tpu.vector_store %arg10[%swap3A_231], %broadcast_in_dim3A_51 {strides = array<i32>} : memref<2048xf32, #tpu.memory_space<vmem>>, vector<16xf32>,
    %swap3A_233 = arith.constant 1456 : index
    %swap3A_234 = tpu.vector_load %arg10[%swap3A_233] {strides = array<i32>} : memref<2048xf32, #tpu.memory_space<vmem>>, vector<16xf32>,
    tpu.vector_store %arg10[%swap3A_233], %broadcast_in_dim3A_51 {strides = array<i32>} : memref<2048xf32, #tpu.memory_space<vmem>>, vector<16xf32>,
    %swap3A_235 = arith.constant 1472 : index
    %swap3A_236 = tpu.vector_load %arg10[%swap3A_235] {strides = array<i32>} : memref<2048xf32, #tpu.memory_space<vmem>>, vector<16xf32>,
    tpu.vector_store %arg10[%swap3A_235], %broadcast_in_dim3A_51 {strides = array<i32>} : memref<2048xf32, #tpu.memory_space<vmem>>, vector<16xf32>,
    %swap3A_237 = arith.constant 1488 : index
    %swap3A_238 = tpu.vector_load %arg10[%swap3A_237] {strides = array<i32>} : memref<2048xf32, #tpu.memory_space<vmem>>, vector<16xf32>,
    tpu.vector_store %arg10[%swap3A_237], %broadcast_in_dim3A_51 {strides = array<i32>} : memref<2048xf32, #tpu.memory_space<vmem>>, vector<16xf32>,
    %swap3A_239 = arith.constant 1504 : index
    %swap3A_240 = tpu.vector_load %arg10[%swap3A_239] {strides = array<i32>} : memref<2048xf32, #tpu.memory_space<vmem>>, vector<16xf32>,
    tpu.vector_store %arg10[%swap3A_239], %broadcast_in_dim3A_51 {strides = array<i32>} : memref<2048xf32, #tpu.memory_space<vmem>>, vector<16xf32>,
    %swap3A_241 = arith.constant 1520 : index
    %swap3A_242 = tpu.vector_load %arg10[%swap3A_241] {strides = array<i32>} : memref<2048xf32, #tpu.memory_space<vmem>>, vector<16xf32>,
    tpu.vector_store %arg10[%swap3A_241], %broadcast_in_dim3A_51 {strides = array<i32>} : memref<2048xf32, #tpu.memory_space<vmem>>, vector<16xf32>,
    %swap3A_243 = arith.constant 1536 : index
    %swap3A_244 = tpu.vector_load %arg10[%swap3A_243] {strides = array<i32>} : memref<2048xf32, #tpu.memory_space<vmem>>, vector<16xf32>,
    tpu.vector_store %arg10[%swap3A_243], %broadcast_in_dim3A_51 {strides = array<i32>} : memref<2048xf32, #tpu.memory_space<vmem>>, vector<16xf32>,
    %swap3A_245 = arith.constant 1552 : index
    %swap3A_246 = tpu.vector_load %arg10[%swap3A_245] {strides = array<i32>} : memref<2048xf32, #tpu.memory_space<vmem>>, vector<16xf32>,
    tpu.vector_store %arg10[%swap3A_245], %broadcast_in_dim3A_51 {strides = array<i32>} : memref<2048xf32, #tpu.memory_space<vmem>>, vector<16xf32>,
    %swap3A_247 = arith.constant 1568 : index
    %swap3A_248 = tpu.vector_load %arg10[%swap3A_247] {strides = array<i32>} : memref<2048xf32, #tpu.memory_space<vmem>>, vector<16xf32>,
    tpu.vector_store %arg10[%swap3A_247], %broadcast_in_dim3A_51 {strides = array<i32>} : memref<2048xf32, #tpu.memory_space<vmem>>, vector<16xf32>,
    %swap3A_249 = arith.constant 1584 : index
    %swap3A_250 = tpu.vector_load %arg10[%swap3A_249] {strides = array<i32>} : memref<2048xf32, #tpu.memory_space<vmem>>, vector<16xf32>,
    tpu.vector_store %arg10[%swap3A_249], %broadcast_in_dim3A_51 {strides = array<i32>} : memref<2048xf32, #tpu.memory_space<vmem>>, vector<16xf32>,
    %swap3A_251 = arith.constant 1600 : index
    %swap3A_252 = tpu.vector_load %arg10[%swap3A_251] {strides = array<i32>} : memref<2048xf32, #tpu.memory_space<vmem>>, vector<16xf32>,
    tpu.vector_store %arg10[%swap3A_251], %broadcast_in_dim3A_51 {strides = array<i32>} : memref<2048xf32, #tpu.memory_space<vmem>>, vector<16xf32>,
    %swap3A_253 = arith.constant 1616 : index
    %swap3A_254 = tpu.vector_load %arg10[%swap3A_253] {strides = array<i32>} : memref<2048xf32, #tpu.memory_space<vmem>>, vector<16xf32>,
    tpu.vector_store %arg10[%swap3A_253], %broadcast_in_dim3A_51 {strides = array<i32>} : memref<2048xf32, #tpu.memory_space<vmem>>, vector<16xf32>,
    %swap3A_255 = arith.constant 1632 : index
    %swap3A_256 = tpu.vector_load %arg10[%swap3A_255] {strides = array<i32>} : memref<2048xf32, #tpu.memory_space<vmem>>, vector<16xf32>,
    tpu.vector_store %arg10[%swap3A_255], %broadcast_in_dim3A_51 {strides = array<i32>} : memref<2048xf32, #tpu.memory_space<vmem>>, vector<16xf32>,
    %swap3A_257 = arith.constant 1648 : index
    %swap3A_258 = tpu.vector_load %arg10[%swap3A_257] {strides = array<i32>} : memref<2048xf32, #tpu.memory_space<vmem>>, vector<16xf32>,
    tpu.vector_store %arg10[%swap3A_257], %broadcast_in_dim3A_51 {strides = array<i32>} : memref<2048xf32, #tpu.memory_space<vmem>>, vector<16xf32>,
    %swap3A_259 = arith.constant 1664 : index
    %swap3A_260 = tpu.vector_load %arg10[%swap3A_259] {strides = array<i32>} : memref<2048xf32, #tpu.memory_space<vmem>>, vector<16xf32>,
    tpu.vector_store %arg10[%swap3A_259], %broadcast_in_dim3A_51 {strides = array<i32>} : memref<2048xf32, #tpu.memory_space<vmem>>, vector<16xf32>,
    %swap3A_261 = arith.constant 1680 : index
    %swap3A_262 = tpu.vector_load %arg10[%swap3A_261] {strides = array<i32>} : memref<2048xf32, #tpu.memory_space<vmem>>, vector<16xf32>,
    tpu.vector_store %arg10[%swap3A_261], %broadcast_in_dim3A_51 {strides = array<i32>} : memref<2048xf32, #tpu.memory_space<vmem>>, vector<16xf32>,
    %swap3A_263 = arith.constant 1696 : index
    %swap3A_264 = tpu.vector_load %arg10[%swap3A_263] {strides = array<i32>} : memref<2048xf32, #tpu.memory_space<vmem>>, vector<16xf32>,
    tpu.vector_store %arg10[%swap3A_263], %broadcast_in_dim3A_51 {strides = array<i32>} : memref<2048xf32, #tpu.memory_space<vmem>>, vector<16xf32>,
    %swap3A_265 = arith.constant 1712 : index
    %swap3A_266 = tpu.vector_load %arg10[%swap3A_265] {strides = array<i32>} : memref<2048xf32, #tpu.memory_space<vmem>>, vector<16xf32>,
    tpu.vector_store %arg10[%swap3A_265], %broadcast_in_dim3A_51 {strides = array<i32>} : memref<2048xf32, #tpu.memory_space<vmem>>, vector<16xf32>,
    %swap3A_267 = arith.constant 1728 : index
    %swap3A_268 = tpu.vector_load %arg10[%swap3A_267] {strides = array<i32>} : memref<2048xf32, #tpu.memory_space<vmem>>, vector<16xf32>,
    tpu.vector_store %arg10[%swap3A_267], %broadcast_in_dim3A_51 {strides = array<i32>} : memref<2048xf32, #tpu.memory_space<vmem>>, vector<16xf32>,
    %swap3A_269 = arith.constant 1744 : index
    %swap3A_270 = tpu.vector_load %arg10[%swap3A_269] {strides = array<i32>} : memref<2048xf32, #tpu.memory_space<vmem>>, vector<16xf32>,
    tpu.vector_store %arg10[%swap3A_269], %broadcast_in_dim3A_51 {strides = array<i32>} : memref<2048xf32, #tpu.memory_space<vmem>>, vector<16xf32>,
    %swap3A_271 = arith.constant 1760 : index
    %swap3A_272 = tpu.vector_load %arg10[%swap3A_271] {strides = array<i32>} : memref<2048xf32, #tpu.memory_space<vmem>>, vector<16xf32>,
    tpu.vector_store %arg10[%swap3A_271], %broadcast_in_dim3A_51 {strides = array<i32>} : memref<2048xf32, #tpu.memory_space<vmem>>, vector<16xf32>,
    %swap3A_273 = arith.constant 1776 : index
    %swap3A_274 = tpu.vector_load %arg10[%swap3A_273] {strides = array<i32>} : memref<2048xf32, #tpu.memory_space<vmem>>, vector<16xf32>,
    tpu.vector_store %arg10[%swap3A_273], %broadcast_in_dim3A_51 {strides = array<i32>} : memref<2048xf32, #tpu.memory_space<vmem>>, vector<16xf32>,
    %swap3A_275 = arith.constant 1792 : index
    %swap3A_276 = tpu.vector_load %arg10[%swap3A_275] {strides = array<i32>} : memref<2048xf32, #tpu.memory_space<vmem>>, vector<16xf32>,
    tpu.vector_store %arg10[%swap3A_275], %broadcast_in_dim3A_51 {strides = array<i32>} : memref<2048xf32, #tpu.memory_space<vmem>>, vector<16xf32>,
    %swap3A_277 = arith.constant 1808 : index
    %swap3A_278 = tpu.vector_load %arg10[%swap3A_277] {strides = array<i32>} : memref<2048xf32, #tpu.memory_space<vmem>>, vector<16xf32>,
    tpu.vector_store %arg10[%swap3A_277], %broadcast_in_dim3A_51 {strides = array<i32>} : memref<2048xf32, #tpu.memory_space<vmem>>, vector<16xf32>,
    %swap3A_279 = arith.constant 1824 : index
    %swap3A_280 = tpu.vector_load %arg10[%swap3A_279] {strides = array<i32>} : memref<2048xf32, #tpu.memory_space<vmem>>, vector<16xf32>,
    tpu.vector_store %arg10[%swap3A_279], %broadcast_in_dim3A_51 {strides = array<i32>} : memref<2048xf32, #tpu.memory_space<vmem>>, vector<16xf32>,
    %swap3A_281 = arith.constant 1840 : index
    %swap3A_282 = tpu.vector_load %arg10[%swap3A_281] {strides = array<i32>} : memref<2048xf32, #tpu.memory_space<vmem>>, vector<16xf32>,
    tpu.vector_store %arg10[%swap3A_281], %broadcast_in_dim3A_51 {strides = array<i32>} : memref<2048xf32, #tpu.memory_space<vmem>>, vector<16xf32>,
    %swap3A_283 = arith.constant 1856 : index
    %swap3A_284 = tpu.vector_load %arg10[%swap3A_283] {strides = array<i32>} : memref<2048xf32, #tpu.memory_space<vmem>>, vector<16xf32>,
    tpu.vector_store %arg10[%swap3A_283], %broadcast_in_dim3A_51 {strides = array<i32>} : memref<2048xf32, #tpu.memory_space<vmem>>, vector<16xf32>,
    %swap3A_285 = arith.constant 1872 : index
    %swap3A_286 = tpu.vector_load %arg10[%swap3A_285] {strides = array<i32>} : memref<2048xf32, #tpu.memory_space<vmem>>, vector<16xf32>,
    tpu.vector_store %arg10[%swap3A_285], %broadcast_in_dim3A_51 {strides = array<i32>} : memref<2048xf32, #tpu.memory_space<vmem>>, vector<16xf32>,
    %swap3A_287 = arith.constant 1888 : index
    %swap3A_288 = tpu.vector_load %arg10[%swap3A_287] {strides = array<i32>} : memref<2048xf32, #tpu.memory_space<vmem>>, vector<16xf32>,
    tpu.vector_store %arg10[%swap3A_287], %broadcast_in_dim3A_51 {strides = array<i32>} : memref<2048xf32, #tpu.memory_space<vmem>>, vector<16xf32>,
    %swap3A_289 = arith.constant 1904 : index
    %swap3A_290 = tpu.vector_load %arg10[%swap3A_289] {strides = array<i32>} : memref<2048xf32, #tpu.memory_space<vmem>>, vector<16xf32>,
    tpu.vector_store %arg10[%swap3A_289], %broadcast_in_dim3A_51 {strides = array<i32>} : memref<2048xf32, #tpu.memory_space<vmem>>, vector<16xf32>,
    %swap3A_291 = arith.constant 1920 : index
    %swap3A_292 = tpu.vector_load %arg10[%swap3A_291] {strides = array<i32>} : memref<2048xf32, #tpu.memory_space<vmem>>, vector<16xf32>,
    tpu.vector_store %arg10[%swap3A_291], %broadcast_in_dim3A_51 {strides = array<i32>} : memref<2048xf32, #tpu.memory_space<vmem>>, vector<16xf32>,
    %swap3A_293 = arith.constant 1936 : index
    %swap3A_294 = tpu.vector_load %arg10[%swap3A_293] {strides = array<i32>} : memref<2048xf32, #tpu.memory_space<vmem>>, vector<16xf32>,
    tpu.vector_store %arg10[%swap3A_293], %broadcast_in_dim3A_51 {strides = array<i32>} : memref<2048xf32, #tpu.memory_space<vmem>>, vector<16xf32>,
    %swap3A_295 = arith.constant 1952 : index
    %swap3A_296 = tpu.vector_load %arg10[%swap3A_295] {strides = array<i32>} : memref<2048xf32, #tpu.memory_space<vmem>>, vector<16xf32>,
    tpu.vector_store %arg10[%swap3A_295], %broadcast_in_dim3A_51 {strides = array<i32>} : memref<2048xf32, #tpu.memory_space<vmem>>, vector<16xf32>,
    %swap3A_297 = arith.constant 1968 : index
    %swap3A_298 = tpu.vector_load %arg10[%swap3A_297] {strides = array<i32>} : memref<2048xf32, #tpu.memory_space<vmem>>, vector<16xf32>,
    tpu.vector_store %arg10[%swap3A_297], %broadcast_in_dim3A_51 {strides = array<i32>} : memref<2048xf32, #tpu.memory_space<vmem>>, vector<16xf32>,
    %swap3A_299 = arith.constant 1984 : index
    %swap3A_300 = tpu.vector_load %arg10[%swap3A_299] {strides = array<i32>} : memref<2048xf32, #tpu.memory_space<vmem>>, vector<16xf32>,
    tpu.vector_store %arg10[%swap3A_299], %broadcast_in_dim3A_51 {strides = array<i32>} : memref<2048xf32, #tpu.memory_space<vmem>>, vector<16xf32>,
    %swap3A_301 = arith.constant 2000 : index
    %swap3A_302 = tpu.vector_load %arg10[%swap3A_301] {strides = array<i32>} : memref<2048xf32, #tpu.memory_space<vmem>>, vector<16xf32>,
    tpu.vector_store %arg10[%swap3A_301], %broadcast_in_dim3A_51 {strides = array<i32>} : memref<2048xf32, #tpu.memory_space<vmem>>, vector<16xf32>,
    %swap3A_303 = arith.constant 2016 : index
    %swap3A_304 = tpu.vector_load %arg10[%swap3A_303] {strides = array<i32>} : memref<2048xf32, #tpu.memory_space<vmem>>, vector<16xf32>,
    tpu.vector_store %arg10[%swap3A_303], %broadcast_in_dim3A_51 {strides = array<i32>} : memref<2048xf32, #tpu.memory_space<vmem>>, vector<16xf32>,
    %swap3A_305 = arith.constant 2032 : index
    %swap3A_306 = tpu.vector_load %arg10[%swap3A_305] {strides = array<i32>} : memref<2048xf32, #tpu.memory_space<vmem>>, vector<16xf32>,
    tpu.vector_store %arg10[%swap3A_305], %broadcast_in_dim3A_51 {strides = array<i32>} : memref<2048xf32, #tpu.memory_space<vmem>>, vector<16xf32>,
    %dma_wait3A = arith.constant 0 : i32
    %dma_wait3A_307 = tpu.memref_slice %arg9[%dma_wait3A] : memref<128xf32, #tpu.memory_space<vmem>> -> memref<119xf32, #tpu.memory_space<vmem>>
    %dma_wait3A_308 = arith.constant 0 : i32
    %dma_wait3A_309 = tpu.memref_slice %arg9[%dma_wait3A_308] : memref<128xf32, #tpu.memory_space<vmem>> -> memref<119xf32, #tpu.memory_space<vmem>>
    tpu.wait_dma2 semaphore(%arg18 : memref<!tpu.dma_semaphore, #tpu.memory_space<semaphore_mem>>) src(%arg4 : memref<119xf32, #tpu.memory_space<hbm>>) dst(%dma_wait3A_309 : memref<119xf32, #tpu.memory_space<vmem>>)
    %get3A = arith.constant 0 : index
    %get3A_310 = tpu.vector_load %arg9[%get3A] {strides = array<i32>} : memref<128xf32, #tpu.memory_space<vmem>>, vector<16xf32>,
    %add3A_311 = arith.constant 9.99999993E-9 : f32
    %add3A_312 = vector.broadcast %add3A_311 : f32 to vector<16xf32>
    %add3A_313 = arith.addf %get3A_310, %add3A_312 : vector<16xf32>
    %div3A = arith.constant 1.000000e+00 : f32
    %div3A_314 = vector.broadcast %div3A : f32 to vector<16xf32>
    %div3A_315 = arith.divf %div3A_314, %add3A_313 : vector<16xf32>
    %swap3A_316 = arith.constant 0 : index
    %swap3A_317 = tpu.vector_load %arg9[%swap3A_316] {strides = array<i32>} : memref<128xf32, #tpu.memory_space<vmem>>, vector<16xf32>,
    tpu.vector_store %arg9[%swap3A_316], %div3A_315 {strides = array<i32>} : memref<128xf32, #tpu.memory_space<vmem>>, vector<16xf32>,
    %get3A_318 = arith.constant 16 : index
    %get3A_319 = tpu.vector_load %arg9[%get3A_318] {strides = array<i32>} : memref<128xf32, #tpu.memory_space<vmem>>, vector<16xf32>,
    %add3A_320 = arith.constant 9.99999993E-9 : f32
    %add3A_321 = vector.broadcast %add3A_320 : f32 to vector<16xf32>
    %add3A_322 = arith.addf %get3A_319, %add3A_321 : vector<16xf32>
    %div3A_323 = arith.constant 1.000000e+00 : f32
    %div3A_324 = vector.broadcast %div3A_323 : f32 to vector<16xf32>
    %div3A_325 = arith.divf %div3A_324, %add3A_322 : vector<16xf32>
    %swap3A_326 = arith.constant 16 : index
    %swap3A_327 = tpu.vector_load %arg9[%swap3A_326] {strides = array<i32>} : memref<128xf32, #tpu.memory_space<vmem>>, vector<16xf32>,
    tpu.vector_store %arg9[%swap3A_326], %div3A_325 {strides = array<i32>} : memref<128xf32, #tpu.memory_space<vmem>>, vector<16xf32>,
    %get3A_328 = arith.constant 32 : index
    %get3A_329 = tpu.vector_load %arg9[%get3A_328] {strides = array<i32>} : memref<128xf32, #tpu.memory_space<vmem>>, vector<16xf32>,
    %add3A_330 = arith.constant 9.99999993E-9 : f32
    %add3A_331 = vector.broadcast %add3A_330 : f32 to vector<16xf32>
    %add3A_332 = arith.addf %get3A_329, %add3A_331 : vector<16xf32>
    %div3A_333 = arith.constant 1.000000e+00 : f32
    %div3A_334 = vector.broadcast %div3A_333 : f32 to vector<16xf32>
    %div3A_335 = arith.divf %div3A_334, %add3A_332 : vector<16xf32>
    %swap3A_336 = arith.constant 32 : index
    %swap3A_337 = tpu.vector_load %arg9[%swap3A_336] {strides = array<i32>} : memref<128xf32, #tpu.memory_space<vmem>>, vector<16xf32>,
    tpu.vector_store %arg9[%swap3A_336], %div3A_335 {strides = array<i32>} : memref<128xf32, #tpu.memory_space<vmem>>, vector<16xf32>,
    %get3A_338 = arith.constant 48 : index
    %get3A_339 = tpu.vector_load %arg9[%get3A_338] {strides = array<i32>} : memref<128xf32, #tpu.memory_space<vmem>>, vector<16xf32>,
    %add3A_340 = arith.constant 9.99999993E-9 : f32
    %add3A_341 = vector.broadcast %add3A_340 : f32 to vector<16xf32>
    %add3A_342 = arith.addf %get3A_339, %add3A_341 : vector<16xf32>
    %div3A_343 = arith.constant 1.000000e+00 : f32
    %div3A_344 = vector.broadcast %div3A_343 : f32 to vector<16xf32>
    %div3A_345 = arith.divf %div3A_344, %add3A_342 : vector<16xf32>
    %swap3A_346 = arith.constant 48 : index
    %swap3A_347 = tpu.vector_load %arg9[%swap3A_346] {strides = array<i32>} : memref<128xf32, #tpu.memory_space<vmem>>, vector<16xf32>,
    tpu.vector_store %arg9[%swap3A_346], %div3A_345 {strides = array<i32>} : memref<128xf32, #tpu.memory_space<vmem>>, vector<16xf32>,
    %get3A_348 = arith.constant 64 : index
    %get3A_349 = tpu.vector_load %arg9[%get3A_348] {strides = array<i32>} : memref<128xf32, #tpu.memory_space<vmem>>, vector<16xf32>,
    %add3A_350 = arith.constant 9.99999993E-9 : f32
    %add3A_351 = vector.broadcast %add3A_350 : f32 to vector<16xf32>
    %add3A_352 = arith.addf %get3A_349, %add3A_351 : vector<16xf32>
    %div3A_353 = arith.constant 1.000000e+00 : f32
    %div3A_354 = vector.broadcast %div3A_353 : f32 to vector<16xf32>
    %div3A_355 = arith.divf %div3A_354, %add3A_352 : vector<16xf32>
    %swap3A_356 = arith.constant 64 : index
    %swap3A_357 = tpu.vector_load %arg9[%swap3A_356] {strides = array<i32>} : memref<128xf32, #tpu.memory_space<vmem>>, vector<16xf32>,
    tpu.vector_store %arg9[%swap3A_356], %div3A_355 {strides = array<i32>} : memref<128xf32, #tpu.memory_space<vmem>>, vector<16xf32>,
    %get3A_358 = arith.constant 80 : index
    %get3A_359 = tpu.vector_load %arg9[%get3A_358] {strides = array<i32>} : memref<128xf32, #tpu.memory_space<vmem>>, vector<16xf32>,
    %add3A_360 = arith.constant 9.99999993E-9 : f32
    %add3A_361 = vector.broadcast %add3A_360 : f32 to vector<16xf32>
    %add3A_362 = arith.addf %get3A_359, %add3A_361 : vector<16xf32>
    %div3A_363 = arith.constant 1.000000e+00 : f32
    %div3A_364 = vector.broadcast %div3A_363 : f32 to vector<16xf32>
    %div3A_365 = arith.divf %div3A_364, %add3A_362 : vector<16xf32>
    %swap3A_366 = arith.constant 80 : index
    %swap3A_367 = tpu.vector_load %arg9[%swap3A_366] {strides = array<i32>} : memref<128xf32, #tpu.memory_space<vmem>>, vector<16xf32>,
    tpu.vector_store %arg9[%swap3A_366], %div3A_365 {strides = array<i32>} : memref<128xf32, #tpu.memory_space<vmem>>, vector<16xf32>,
    %get3A_368 = arith.constant 96 : index
    %get3A_369 = tpu.vector_load %arg9[%get3A_368] {strides = array<i32>} : memref<128xf32, #tpu.memory_space<vmem>>, vector<16xf32>,
    %add3A_370 = arith.constant 9.99999993E-9 : f32
    %add3A_371 = vector.broadcast %add3A_370 : f32 to vector<16xf32>
    %add3A_372 = arith.addf %get3A_369, %add3A_371 : vector<16xf32>
    %div3A_373 = arith.constant 1.000000e+00 : f32
    %div3A_374 = vector.broadcast %div3A_373 : f32 to vector<16xf32>
    %div3A_375 = arith.divf %div3A_374, %add3A_372 : vector<16xf32>
    %swap3A_376 = arith.constant 96 : index
    %swap3A_377 = tpu.vector_load %arg9[%swap3A_376] {strides = array<i32>} : memref<128xf32, #tpu.memory_space<vmem>>, vector<16xf32>,
    tpu.vector_store %arg9[%swap3A_376], %div3A_375 {strides = array<i32>} : memref<128xf32, #tpu.memory_space<vmem>>, vector<16xf32>,
    %get3A_378 = arith.constant 112 : index
    %get3A_379 = tpu.vector_load %arg9[%get3A_378] {strides = array<i32>} : memref<128xf32, #tpu.memory_space<vmem>>, vector<16xf32>,
    %add3A_380 = arith.constant 9.99999993E-9 : f32
    %add3A_381 = vector.broadcast %add3A_380 : f32 to vector<16xf32>
    %add3A_382 = arith.addf %get3A_379, %add3A_381 : vector<16xf32>
    %div3A_383 = arith.constant 1.000000e+00 : f32
    %div3A_384 = vector.broadcast %div3A_383 : f32 to vector<16xf32>
    %div3A_385 = arith.divf %div3A_384, %add3A_382 : vector<16xf32>
    %swap3A_386 = arith.constant 112 : index
    %swap3A_387 = tpu.vector_load %arg9[%swap3A_386] {strides = array<i32>} : memref<128xf32, #tpu.memory_space<vmem>>, vector<16xf32>,
    tpu.vector_store %arg9[%swap3A_386], %div3A_385 {strides = array<i32>} : memref<128xf32, #tpu.memory_space<vmem>>, vector<16xf32>,
    %iota3A = tpu.iota {dimensions = array<i32: 0>} : vector<16xi32>
    %add3A_388 = arith.constant 1 : i32
    %add3A_389 = vector.broadcast %add3A_388 : i32 to vector<16xi32>
    %add3A_390 = arith.addi %iota3A, %add3A_389 : vector<16xi32>
    %convert_element_type3A = arith.sitofp %add3A_390 : vector<16xi32> to vector<16xf32>
    %neg3A = arith.constant 0.000000e+00 : f32
    %neg3A_391 = vector.broadcast %neg3A : f32 to vector<16xf32>
    %neg3A_392 = arith.subf %neg3A_391, %convert_element_type3A : vector<16xf32>
    %iota3A_393 = tpu.iota {dimensions = array<i32: 0>} : vector<16xi32>
    %lt3A_394 = arith.constant 15 : i32
    %lt3A_395 = vector.broadcast %lt3A_394 : i32 to vector<16xi32>
    %lt3A_396 = arith.cmpi slt, %iota3A_393, %lt3A_395 : vector<16xi32>
    %iota3A_397 = tpu.iota {dimensions = array<i32: 0>} : vector<16xi32>
    %eq3A = arith.constant 15 : i32
    %eq3A_398 = vector.broadcast %eq3A : i32 to vector<16xi32>
    %eq3A_399 = arith.cmpi eq, %iota3A_397, %eq3A_398 : vector<16xi32>
    %broadcast_in_dim3A_400 = arith.constant 1024 : i32
    %broadcast_in_dim3A_401 = vector.broadcast %broadcast_in_dim3A_400 : i32 to vector<16xi32>
    %dma_wait3A_402 = arith.constant 0 : i32
    %dma_wait3A_403 = tpu.memref_slice %arg6[%dma_wait3A_402] : memref<6256xi32, #tpu.memory_space<vmem>> -> memref<3136xi32, #tpu.memory_space<vmem>>
    %dma_wait3A_404 = tpu.memref_slice %arg2[%mul3A_0] : memref<100000xi32, #tpu.memory_space<hbm>> -> memref<3136xi32, #tpu.memory_space<hbm>>
    %dma_wait3A_405 = arith.constant 0 : i32
    %dma_wait3A_406 = tpu.memref_slice %arg6[%dma_wait3A_405] : memref<6256xi32, #tpu.memory_space<vmem>> -> memref<3136xi32, #tpu.memory_space<vmem>>
    %dma_wait3A_407 = tpu.memref_slice %arg2[%mul3A_0] : memref<100000xi32, #tpu.memory_space<hbm>> -> memref<3136xi32, #tpu.memory_space<hbm>>
    tpu.wait_dma2 semaphore(%arg16 : memref<!tpu.dma_semaphore, #tpu.memory_space<semaphore_mem>>) src(%dma_wait3A_407 : memref<3136xi32, #tpu.memory_space<hbm>>) dst(%dma_wait3A_406 : memref<3136xi32, #tpu.memory_space<vmem>>)
    %dma_wait3A_408 = arith.constant 0 : i32
    %dma_wait3A_409 = tpu.memref_slice %arg7[%dma_wait3A_408] : memref<6272xi32, #tpu.memory_space<vmem>> -> memref<3136xi32, #tpu.memory_space<vmem>>
    %dma_wait3A_410 = tpu.memref_slice %arg3[%mul3A_0] : memref<100000xi32, #tpu.memory_space<hbm>> -> memref<3136xi32, #tpu.memory_space<hbm>>
    %dma_wait3A_411 = arith.constant 0 : i32
    %dma_wait3A_412 = tpu.memref_slice %arg7[%dma_wait3A_411] : memref<6272xi32, #tpu.memory_space<vmem>> -> memref<3136xi32, #tpu.memory_space<vmem>>
    %dma_wait3A_413 = tpu.memref_slice %arg3[%mul3A_0] : memref<100000xi32, #tpu.memory_space<hbm>> -> memref<3136xi32, #tpu.memory_space<hbm>>
    tpu.wait_dma2 semaphore(%arg17 : memref<!tpu.dma_semaphore, #tpu.memory_space<semaphore_mem>>) src(%dma_wait3A_413 : memref<3136xi32, #tpu.memory_space<hbm>>) dst(%dma_wait3A_412 : memref<3136xi32, #tpu.memory_space<vmem>>)
    %parallel_loop3A = arith.constant 0 : i32
    %parallel_loop3A_414 = arith.constant 3120 : i32
    %parallel_loop3A_415 = arith.constant 16 : i32
    scf.for %parallel_loop3A_478 = %parallel_loop3A to %parallel_loop3A_414 step %parallel_loop3A_415  : i32 {
      %parallel_loop3A_479 = arith.index_cast %parallel_loop3A_478 : i32 to index
      %parallel_loop3A_480 = tpu.vector_load %arg6[%parallel_loop3A_479] {strides = array<i32>} : memref<6256xi32, #tpu.memory_space<vmem>>, vector<16xi32>,
      %parallel_loop3A_481 = arith.index_cast %parallel_loop3A_478 : i32 to index
      %parallel_loop3A_482 = tpu.vector_load %arg7[%parallel_loop3A_481] {strides = array<i32>} : memref<6272xi32, #tpu.memory_space<vmem>>, vector<16xi32>,
      %parallel_loop3A_483 = arith.constant 1 : i32
      %parallel_loop3A_484 = arith.addi %parallel_loop3A_478, %parallel_loop3A_483 : i32
      %parallel_loop3A_485 = arith.index_cast %parallel_loop3A_484 : i32 to index
      %parallel_loop3A_486 = tpu.vector_load %arg7[%parallel_loop3A_485] {strides = array<i32>} : memref<6272xi32, #tpu.memory_space<vmem>>, vector<16xi32>,
      %parallel_loop3A_487 = tpu.vector_load_idx %arg9[%parallel_loop3A_480] : memref<128xf32, #tpu.memory_space<vmem>>[vector<16xi32>], vector<16xf32>,
      %parallel_loop3A_488 = arith.index_cast %parallel_loop3A_478 : i32 to index
      %parallel_loop3A_489 = tpu.vector_load %arg8[%parallel_loop3A_488] {strides = array<i32>} : memref<6256xf32, #tpu.memory_space<vmem>>, vector<16xf32>,
      tpu.vector_store %arg8[%parallel_loop3A_488], %parallel_loop3A_487 {strides = array<i32>} : memref<6256xf32, #tpu.memory_space<vmem>>, vector<16xf32>,
      %parallel_loop3A_490 = arith.constant true
      %parallel_loop3A_491 = vector.broadcast %parallel_loop3A_490 : i1 to vector<16xi1>
      %parallel_loop3A_492 = tpu.scan <sum>, %parallel_loop3A_487 masked %parallel_loop3A_491 : vector<16xf32>, vector<16xi1> -> vector<16xf32>
      %parallel_loop3A_493 = arith.cmpi ne, %parallel_loop3A_482, %parallel_loop3A_486 : vector<16xi32>
      %parallel_loop3A_494 = arith.ori %parallel_loop3A_493, %eq3A_399 : vector<16xi1>
      %parallel_loop3A_495 = arith.andi %parallel_loop3A_493, %lt3A_396 : vector<16xi1>
      tpu.vector_store_idx %arg10[%parallel_loop3A_482], %parallel_loop3A_492 masked %parallel_loop3A_494 {add = true} : memref<2048xf32, #tpu.memory_space<vmem>>[vector<16xi32>], vector<16xf32>, vector<16xi1>
      %parallel_loop3A_496 = arith.constant 0.000000e+00 : f32
      %parallel_loop3A_497 = vector.broadcast %parallel_loop3A_496 : f32 to vector<16xf32>
      %parallel_loop3A_498 = arith.subf %parallel_loop3A_497, %parallel_loop3A_492 : vector<16xf32>
      tpu.vector_store_idx %arg10[%parallel_loop3A_486], %parallel_loop3A_498 masked %parallel_loop3A_495 {add = true} : memref<2048xf32, #tpu.memory_space<vmem>>[vector<16xi32>], vector<16xf32>, vector<16xi1>
      %parallel_loop3A_499 = arith.addi %parallel_loop3A_482, %broadcast_in_dim3A_401 : vector<16xi32>
      tpu.vector_store_idx %arg10[%parallel_loop3A_499], %convert_element_type3A masked %parallel_loop3A_494 {add = true} : memref<2048xf32, #tpu.memory_space<vmem>>[vector<16xi32>], vector<16xf32>, vector<16xi1>
      %parallel_loop3A_500 = arith.addi %parallel_loop3A_486, %broadcast_in_dim3A_401 : vector<16xi32>
      tpu.vector_store_idx %arg10[%parallel_loop3A_500], %neg3A_392 masked %parallel_loop3A_495 {add = true} : memref<2048xf32, #tpu.memory_space<vmem>>[vector<16xi32>], vector<16xf32>, vector<16xi1>
    } {sc.loop_unroll_factor = 4 : i64, sc.parallel_access}
    %dma_wait3A_416 = arith.constant 3136 : i32
    %dma_wait3A_417 = tpu.memref_slice %arg6[%dma_wait3A_416] : memref<6256xi32, #tpu.memory_space<vmem>> -> memref<3024xi32, #tpu.memory_space<vmem>>
    %dma_wait3A_418 = tpu.memref_slice %arg2[%add3A_20] : memref<100000xi32, #tpu.memory_space<hbm>> -> memref<3024xi32, #tpu.memory_space<hbm>>
    %dma_wait3A_419 = arith.constant 3136 : i32
    %dma_wait3A_420 = tpu.memref_slice %arg6[%dma_wait3A_419] : memref<6256xi32, #tpu.memory_space<vmem>> -> memref<3024xi32, #tpu.memory_space<vmem>>
    %dma_wait3A_421 = tpu.memref_slice %arg2[%add3A_20] : memref<100000xi32, #tpu.memory_space<hbm>> -> memref<3024xi32, #tpu.memory_space<hbm>>
    tpu.wait_dma2 semaphore(%arg16 : memref<!tpu.dma_semaphore, #tpu.memory_space<semaphore_mem>>) src(%dma_wait3A_421 : memref<3024xi32, #tpu.memory_space<hbm>>) dst(%dma_wait3A_420 : memref<3024xi32, #tpu.memory_space<vmem>>)
    %dma_wait3A_422 = arith.constant 3136 : i32
    %dma_wait3A_423 = tpu.memref_slice %arg7[%dma_wait3A_422] : memref<6272xi32, #tpu.memory_space<vmem>> -> memref<3024xi32, #tpu.memory_space<vmem>>
    %dma_wait3A_424 = tpu.memref_slice %arg3[%add3A_28] : memref<100000xi32, #tpu.memory_space<hbm>> -> memref<3024xi32, #tpu.memory_space<hbm>>
    %dma_wait3A_425 = arith.constant 3136 : i32
    %dma_wait3A_426 = tpu.memref_slice %arg7[%dma_wait3A_425] : memref<6272xi32, #tpu.memory_space<vmem>> -> memref<3024xi32, #tpu.memory_space<vmem>>
    %dma_wait3A_427 = tpu.memref_slice %arg3[%add3A_28] : memref<100000xi32, #tpu.memory_space<hbm>> -> memref<3024xi32, #tpu.memory_space<hbm>>
    tpu.wait_dma2 semaphore(%arg17 : memref<!tpu.dma_semaphore, #tpu.memory_space<semaphore_mem>>) src(%dma_wait3A_427 : memref<3024xi32, #tpu.memory_space<hbm>>) dst(%dma_wait3A_426 : memref<3024xi32, #tpu.memory_space<vmem>>)
    %dma_wait3A_428 = arith.constant 6160 : i32
    %dma_wait3A_429 = tpu.memref_slice %arg6[%dma_wait3A_428] : memref<6256xi32, #tpu.memory_space<vmem>> -> memref<96xi32, #tpu.memory_space<vmem>>
    %dma_wait3A_430 = tpu.memref_slice %arg2[%select_n3A_7] : memref<100000xi32, #tpu.memory_space<hbm>> -> memref<96xi32, #tpu.memory_space<hbm>>
    %dma_wait3A_431 = arith.constant 6160 : i32
    %dma_wait3A_432 = tpu.memref_slice %arg6[%dma_wait3A_431] : memref<6256xi32, #tpu.memory_space<vmem>> -> memref<96xi32, #tpu.memory_space<vmem>>
    %dma_wait3A_433 = tpu.memref_slice %arg2[%select_n3A_7] : memref<100000xi32, #tpu.memory_space<hbm>> -> memref<96xi32, #tpu.memory_space<hbm>>
    tpu.wait_dma2 semaphore(%arg16 : memref<!tpu.dma_semaphore, #tpu.memory_space<semaphore_mem>>) src(%dma_wait3A_433 : memref<96xi32, #tpu.memory_space<hbm>>) dst(%dma_wait3A_432 : memref<96xi32, #tpu.memory_space<vmem>>)
    %dma_wait3A_434 = arith.constant 6160 : i32
    %dma_wait3A_435 = tpu.memref_slice %arg7[%dma_wait3A_434] : memref<6272xi32, #tpu.memory_space<vmem>> -> memref<96xi32, #tpu.memory_space<vmem>>
    %dma_wait3A_436 = tpu.memref_slice %arg3[%select_n3A_7] : memref<100000xi32, #tpu.memory_space<hbm>> -> memref<96xi32, #tpu.memory_space<hbm>>
    %dma_wait3A_437 = arith.constant 6160 : i32
    %dma_wait3A_438 = tpu.memref_slice %arg7[%dma_wait3A_437] : memref<6272xi32, #tpu.memory_space<vmem>> -> memref<96xi32, #tpu.memory_space<vmem>>
    %dma_wait3A_439 = tpu.memref_slice %arg3[%select_n3A_7] : memref<100000xi32, #tpu.memory_space<hbm>> -> memref<96xi32, #tpu.memory_space<hbm>>
    tpu.wait_dma2 semaphore(%arg17 : memref<!tpu.dma_semaphore, #tpu.memory_space<semaphore_mem>>) src(%dma_wait3A_439 : memref<96xi32, #tpu.memory_space<hbm>>) dst(%dma_wait3A_438 : memref<96xi32, #tpu.memory_space<vmem>>)
    %broadcast_in_dim3A_440 = arith.constant -1 : i32
    %broadcast_in_dim3A_441 = vector.broadcast %broadcast_in_dim3A_440 : i32 to vector<16xi32>
    %swap3A_442 = arith.index_cast %select_n3A : i32 to index
    %swap3A_443 = tpu.vector_load %arg7[%swap3A_442] {strides = array<i32>} : memref<6272xi32, #tpu.memory_space<vmem>>, vector<16xi32>,
    tpu.vector_store %arg7[%swap3A_442], %broadcast_in_dim3A_441 {strides = array<i32>} : memref<6272xi32, #tpu.memory_space<vmem>>, vector<16xi32>,
    %parallel_loop3A_444 = arith.constant 3120 : i32
    %parallel_loop3A_445 = arith.constant 16 : i32
    scf.for %parallel_loop3A_478 = %parallel_loop3A_444 to %select_n3A step %parallel_loop3A_445  : i32 {
      %parallel_loop3A_479 = arith.index_cast %parallel_loop3A_478 : i32 to index
      %parallel_loop3A_480 = tpu.vector_load %arg6[%parallel_loop3A_479] {strides = array<i32>} : memref<6256xi32, #tpu.memory_space<vmem>>, vector<16xi32>,
      %parallel_loop3A_481 = arith.index_cast %parallel_loop3A_478 : i32 to index
      %parallel_loop3A_482 = tpu.vector_load %arg7[%parallel_loop3A_481] {strides = array<i32>} : memref<6272xi32, #tpu.memory_space<vmem>>, vector<16xi32>,
      %parallel_loop3A_483 = arith.constant 1 : i32
      %parallel_loop3A_484 = arith.addi %parallel_loop3A_478, %parallel_loop3A_483 : i32
      %parallel_loop3A_485 = arith.index_cast %parallel_loop3A_484 : i32 to index
      %parallel_loop3A_486 = tpu.vector_load %arg7[%parallel_loop3A_485] {strides = array<i32>} : memref<6272xi32, #tpu.memory_space<vmem>>, vector<16xi32>,
      %parallel_loop3A_487 = tpu.vector_load_idx %arg9[%parallel_loop3A_480] : memref<128xf32, #tpu.memory_space<vmem>>[vector<16xi32>], vector<16xf32>,
      %parallel_loop3A_488 = arith.index_cast %parallel_loop3A_478 : i32 to index
      %parallel_loop3A_489 = tpu.vector_load %arg8[%parallel_loop3A_488] {strides = array<i32>} : memref<6256xf32, #tpu.memory_space<vmem>>, vector<16xf32>,
      tpu.vector_store %arg8[%parallel_loop3A_488], %parallel_loop3A_487 {strides = array<i32>} : memref<6256xf32, #tpu.memory_space<vmem>>, vector<16xf32>,
      %parallel_loop3A_490 = arith.constant true
      %parallel_loop3A_491 = vector.broadcast %parallel_loop3A_490 : i1 to vector<16xi1>
      %parallel_loop3A_492 = tpu.scan <sum>, %parallel_loop3A_487 masked %parallel_loop3A_491 : vector<16xf32>, vector<16xi1> -> vector<16xf32>
      %parallel_loop3A_493 = arith.cmpi ne, %parallel_loop3A_482, %parallel_loop3A_486 : vector<16xi32>
      %parallel_loop3A_494 = arith.ori %parallel_loop3A_493, %eq3A_399 : vector<16xi1>
      %parallel_loop3A_495 = arith.andi %parallel_loop3A_493, %lt3A_396 : vector<16xi1>
      tpu.vector_store_idx %arg10[%parallel_loop3A_482], %parallel_loop3A_492 masked %parallel_loop3A_494 {add = true} : memref<2048xf32, #tpu.memory_space<vmem>>[vector<16xi32>], vector<16xf32>, vector<16xi1>
      %parallel_loop3A_496 = arith.constant 0.000000e+00 : f32
      %parallel_loop3A_497 = vector.broadcast %parallel_loop3A_496 : f32 to vector<16xf32>
      %parallel_loop3A_498 = arith.subf %parallel_loop3A_497, %parallel_loop3A_492 : vector<16xf32>
      tpu.vector_store_idx %arg10[%parallel_loop3A_486], %parallel_loop3A_498 masked %parallel_loop3A_495 {add = true} : memref<2048xf32, #tpu.memory_space<vmem>>[vector<16xi32>], vector<16xf32>, vector<16xi1>
      %parallel_loop3A_499 = arith.addi %parallel_loop3A_482, %broadcast_in_dim3A_401 : vector<16xi32>
      tpu.vector_store_idx %arg10[%parallel_loop3A_499], %convert_element_type3A masked %parallel_loop3A_494 {add = true} : memref<2048xf32, #tpu.memory_space<vmem>>[vector<16xi32>], vector<16xf32>, vector<16xi1>
      %parallel_loop3A_500 = arith.addi %parallel_loop3A_486, %broadcast_in_dim3A_401 : vector<16xi32>
      tpu.vector_store_idx %arg10[%parallel_loop3A_500], %neg3A_392 masked %parallel_loop3A_495 {add = true} : memref<2048xf32, #tpu.memory_space<vmem>>[vector<16xi32>], vector<16xf32>, vector<16xi1>
    } {sc.loop_unroll_factor = 4 : i64, sc.parallel_access}
    "tpu.region"() ({
      %run_scoped3A = tpu.sem_alloc : memref<!tpu.dma_semaphore, #tpu.memory_space<semaphore_mem>>
      %dma_start3A_478 = arith.constant 0 : i32
      %dma_start3A_479 = tpu.memref_slice %arg14[%arg1, %dma_start3A_478] : memref<16x2048xf32, #tpu.memory_space<vmem_shared>> -> memref<1x2048xf32, #tpu.memory_space<vmem_shared>>
      %dma_start3A_480 = tpu.memref_squeeze %dma_start3A_479 : memref<1x2048xf32, #tpu.memory_space<vmem_shared>> -> memref<2048xf32, #tpu.memory_space<vmem_shared>>
      %dma_start3A_481 = arith.constant 0 : i32
      %dma_start3A_482 = tpu.memref_slice %arg14[%arg1, %dma_start3A_481] : memref<16x2048xf32, #tpu.memory_space<vmem_shared>> -> memref<1x2048xf32, #tpu.memory_space<vmem_shared>>
      %dma_start3A_483 = tpu.memref_squeeze %dma_start3A_482 : memref<1x2048xf32, #tpu.memory_space<vmem_shared>> -> memref<2048xf32, #tpu.memory_space<vmem_shared>>
      tpu.enqueue_dma source(%arg10 : memref<2048xf32, #tpu.memory_space<vmem>>) target(%dma_start3A_483 : memref<2048xf32, #tpu.memory_space<vmem_shared>>) target_semaphore(%run_scoped3A : memref<!tpu.dma_semaphore, #tpu.memory_space<semaphore_mem>>)
      %dma_wait3A_484 = arith.constant 0 : i32
      %dma_wait3A_485 = tpu.memref_slice %arg14[%arg1, %dma_wait3A_484] : memref<16x2048xf32, #tpu.memory_space<vmem_shared>> -> memref<1x2048xf32, #tpu.memory_space<vmem_shared>>
      %dma_wait3A_486 = tpu.memref_squeeze %dma_wait3A_485 : memref<1x2048xf32, #tpu.memory_space<vmem_shared>> -> memref<2048xf32, #tpu.memory_space<vmem_shared>>
      %dma_wait3A_487 = arith.constant 0 : i32
      %dma_wait3A_488 = tpu.memref_slice %arg14[%arg1, %dma_wait3A_487] : memref<16x2048xf32, #tpu.memory_space<vmem_shared>> -> memref<1x2048xf32, #tpu.memory_space<vmem_shared>>
      %dma_wait3A_489 = tpu.memref_squeeze %dma_wait3A_488 : memref<1x2048xf32, #tpu.memory_space<vmem_shared>> -> memref<2048xf32, #tpu.memory_space<vmem_shared>>
      tpu.wait_dma2 semaphore(%run_scoped3A : memref<!tpu.dma_semaphore, #tpu.memory_space<semaphore_mem>>) src(%arg10 : memref<2048xf32, #tpu.memory_space<vmem>>) dst(%dma_wait3A_489 : memref<2048xf32, #tpu.memory_space<vmem_shared>>)
      tpu.yield
    }) : () -> ()
    %barrier3A = arith.constant 0 : index
    tpu.barrier barrier_id(%barrier3A)
    %lt3A_446 = arith.constant 8 : i32
    %lt3A_447 = arith.cmpi slt, %arg1, %lt3A_446 : i32
    %convert_element_type3A_448 = arith.extui %lt3A_447 : i1 to i32
    %cond3A = arith.constant 0 : i32
    %cond3A_449 = arith.cmpi ne, %convert_element_type3A_448, %cond3A : i32
    scf.if %cond3A_449 {
      %mul3A_478 = arith.constant 128 : i32
      %mul3A_479 = arith.muli %arg1, %mul3A_478 : i32
      "tpu.region"() ({
        %run_scoped3A = tpu.sem_alloc : memref<!tpu.dma_semaphore, #tpu.memory_space<semaphore_mem>>
        %dma_start3A_1841 = arith.constant 0 : i32
        %dma_start3A_1842 = tpu.memref_slice %arg14[%dma_start3A_1841, %mul3A_479] : memref<16x2048xf32, #tpu.memory_space<vmem_shared>> -> memref<16x128xf32, #tpu.memory_space<vmem_shared>>
        %dma_start3A_1843 = arith.constant 0 : i32
        %dma_start3A_1844 = tpu.memref_slice %arg14[%dma_start3A_1843, %mul3A_479] : memref<16x2048xf32, #tpu.memory_space<vmem_shared>> -> memref<16x128xf32, #tpu.memory_space<vmem_shared>>
        tpu.enqueue_dma source(%dma_start3A_1844 : memref<16x128xf32, #tpu.memory_space<vmem_shared>>) target(%arg11 : memref<16x128xf32, #tpu.memory_space<vmem>>) target_semaphore(%run_scoped3A : memref<!tpu.dma_semaphore, #tpu.memory_space<semaphore_mem>>)
        %dma_wait3A_1845 = arith.constant 0 : i32
        %dma_wait3A_1846 = tpu.memref_slice %arg14[%dma_wait3A_1845, %mul3A_479] : memref<16x2048xf32, #tpu.memory_space<vmem_shared>> -> memref<16x128xf32, #tpu.memory_space<vmem_shared>>
        %dma_wait3A_1847 = arith.constant 0 : i32
        %dma_wait3A_1848 = tpu.memref_slice %arg14[%dma_wait3A_1847, %mul3A_479] : memref<16x2048xf32, #tpu.memory_space<vmem_shared>> -> memref<16x128xf32, #tpu.memory_space<vmem_shared>>
        tpu.wait_dma2 semaphore(%run_scoped3A : memref<!tpu.dma_semaphore, #tpu.memory_space<semaphore_mem>>) src(%dma_wait3A_1848 : memref<16x128xf32, #tpu.memory_space<vmem_shared>>) dst(%arg11 : memref<16x128xf32, #tpu.memory_space<vmem>>)
        tpu.yield
      }) : () -> ()
      %add3A_480 = arith.constant 1024 : i32
      %add3A_481 = arith.addi %add3A_480, %mul3A_479 : i32
      "tpu.region"() ({
        %run_scoped3A = tpu.sem_alloc : memref<!tpu.dma_semaphore, #tpu.memory_space<semaphore_mem>>
        %dma_start3A_1841 = arith.constant 0 : i32
        %dma_start3A_1842 = tpu.memref_slice %arg14[%dma_start3A_1841, %add3A_481] : memref<16x2048xf32, #tpu.memory_space<vmem_shared>> -> memref<16x128xf32, #tpu.memory_space<vmem_shared>>
        %dma_start3A_1843 = arith.constant 0 : i32
        %dma_start3A_1844 = tpu.memref_slice %arg14[%dma_start3A_1843, %add3A_481] : memref<16x2048xf32, #tpu.memory_space<vmem_shared>> -> memref<16x128xf32, #tpu.memory_space<vmem_shared>>
        tpu.enqueue_dma source(%dma_start3A_1844 : memref<16x128xf32, #tpu.memory_space<vmem_shared>>) target(%arg12 : memref<16x128xf32, #tpu.memory_space<vmem>>) target_semaphore(%run_scoped3A : memref<!tpu.dma_semaphore, #tpu.memory_space<semaphore_mem>>)
        %dma_wait3A_1845 = arith.constant 0 : i32
        %dma_wait3A_1846 = tpu.memref_slice %arg14[%dma_wait3A_1845, %add3A_481] : memref<16x2048xf32, #tpu.memory_space<vmem_shared>> -> memref<16x128xf32, #tpu.memory_space<vmem_shared>>
        %dma_wait3A_1847 = arith.constant 0 : i32
        %dma_wait3A_1848 = tpu.memref_slice %arg14[%dma_wait3A_1847, %add3A_481] : memref<16x2048xf32, #tpu.memory_space<vmem_shared>> -> memref<16x128xf32, #tpu.memory_space<vmem_shared>>
        tpu.wait_dma2 semaphore(%run_scoped3A : memref<!tpu.dma_semaphore, #tpu.memory_space<semaphore_mem>>) src(%dma_wait3A_1848 : memref<16x128xf32, #tpu.memory_space<vmem_shared>>) dst(%arg12 : memref<16x128xf32, #tpu.memory_space<vmem>>)
        tpu.yield
      }) : () -> ()
      %broadcast_in_dim3A_482 = arith.constant 0.000000e+00 : f32
      %broadcast_in_dim3A_483 = vector.broadcast %broadcast_in_dim3A_482 : f32 to vector<16xf32>
      %broadcast_in_dim3A_484 = arith.constant 0.000000e+00 : f32
      %broadcast_in_dim3A_485 = vector.broadcast %broadcast_in_dim3A_484 : f32 to vector<16xf32>
      %get3A_486 = arith.constant 0 : i32
      %get3A_487 = arith.index_cast %get3A_486 : i32 to index
      %get3A_488 = arith.constant 0 : index
      %get3A_489 = tpu.vector_load %arg11[%get3A_487, %get3A_488] {strides = array<i32>} : memref<16x128xf32, #tpu.memory_space<vmem>>, vector<16xf32>,
      %add3A_490 = arith.addf %broadcast_in_dim3A_483, %get3A_489 : vector<16xf32>
      %get3A_491 = arith.constant 0 : i32
      %get3A_492 = arith.index_cast %get3A_491 : i32 to index
      %get3A_493 = arith.constant 0 : index
      %get3A_494 = tpu.vector_load %arg12[%get3A_492, %get3A_493] {strides = array<i32>} : memref<16x128xf32, #tpu.memory_space<vmem>>, vector<16xf32>,
      %add3A_495 = arith.addf %broadcast_in_dim3A_485, %get3A_494 : vector<16xf32>
      %get3A_496 = arith.constant 1 : i32
      %get3A_497 = arith.index_cast %get3A_496 : i32 to index
      %get3A_498 = arith.constant 0 : index
      %get3A_499 = tpu.vector_load %arg11[%get3A_497, %get3A_498] {strides = array<i32>} : memref<16x128xf32, #tpu.memory_space<vmem>>, vector<16xf32>,
      %add3A_500 = arith.addf %add3A_490, %get3A_499 : vector<16xf32>
      %get3A_501 = arith.constant 1 : i32
      %get3A_502 = arith.index_cast %get3A_501 : i32 to index
      %get3A_503 = arith.constant 0 : index
      %get3A_504 = tpu.vector_load %arg12[%get3A_502, %get3A_503] {strides = array<i32>} : memref<16x128xf32, #tpu.memory_space<vmem>>, vector<16xf32>,
      %add3A_505 = arith.addf %add3A_495, %get3A_504 : vector<16xf32>
      %get3A_506 = arith.constant 2 : i32
      %get3A_507 = arith.index_cast %get3A_506 : i32 to index
      %get3A_508 = arith.constant 0 : index
      %get3A_509 = tpu.vector_load %arg11[%get3A_507, %get3A_508] {strides = array<i32>} : memref<16x128xf32, #tpu.memory_space<vmem>>, vector<16xf32>,
      %add3A_510 = arith.addf %add3A_500, %get3A_509 : vector<16xf32>
      %get3A_511 = arith.constant 2 : i32
      %get3A_512 = arith.index_cast %get3A_511 : i32 to index
      %get3A_513 = arith.constant 0 : index
      %get3A_514 = tpu.vector_load %arg12[%get3A_512, %get3A_513] {strides = array<i32>} : memref<16x128xf32, #tpu.memory_space<vmem>>, vector<16xf32>,
      %add3A_515 = arith.addf %add3A_505, %get3A_514 : vector<16xf32>
      %get3A_516 = arith.constant 3 : i32
      %get3A_517 = arith.index_cast %get3A_516 : i32 to index
      %get3A_518 = arith.constant 0 : index
      %get3A_519 = tpu.vector_load %arg11[%get3A_517, %get3A_518] {strides = array<i32>} : memref<16x128xf32, #tpu.memory_space<vmem>>, vector<16xf32>,
      %add3A_520 = arith.addf %add3A_510, %get3A_519 : vector<16xf32>
      %get3A_521 = arith.constant 3 : i32
      %get3A_522 = arith.index_cast %get3A_521 : i32 to index
      %get3A_523 = arith.constant 0 : index
      %get3A_524 = tpu.vector_load %arg12[%get3A_522, %get3A_523] {strides = array<i32>} : memref<16x128xf32, #tpu.memory_space<vmem>>, vector<16xf32>,
      %add3A_525 = arith.addf %add3A_515, %get3A_524 : vector<16xf32>
      %get3A_526 = arith.constant 4 : i32
      %get3A_527 = arith.index_cast %get3A_526 : i32 to index
      %get3A_528 = arith.constant 0 : index
      %get3A_529 = tpu.vector_load %arg11[%get3A_527, %get3A_528] {strides = array<i32>} : memref<16x128xf32, #tpu.memory_space<vmem>>, vector<16xf32>,
      %add3A_530 = arith.addf %add3A_520, %get3A_529 : vector<16xf32>
      %get3A_531 = arith.constant 4 : i32
      %get3A_532 = arith.index_cast %get3A_531 : i32 to index
      %get3A_533 = arith.constant 0 : index
      %get3A_534 = tpu.vector_load %arg12[%get3A_532, %get3A_533] {strides = array<i32>} : memref<16x128xf32, #tpu.memory_space<vmem>>, vector<16xf32>,
      %add3A_535 = arith.addf %add3A_525, %get3A_534 : vector<16xf32>
      %get3A_536 = arith.constant 5 : i32
      %get3A_537 = arith.index_cast %get3A_536 : i32 to index
      %get3A_538 = arith.constant 0 : index
      %get3A_539 = tpu.vector_load %arg11[%get3A_537, %get3A_538] {strides = array<i32>} : memref<16x128xf32, #tpu.memory_space<vmem>>, vector<16xf32>,
      %add3A_540 = arith.addf %add3A_530, %get3A_539 : vector<16xf32>
      %get3A_541 = arith.constant 5 : i32
      %get3A_542 = arith.index_cast %get3A_541 : i32 to index
      %get3A_543 = arith.constant 0 : index
      %get3A_544 = tpu.vector_load %arg12[%get3A_542, %get3A_543] {strides = array<i32>} : memref<16x128xf32, #tpu.memory_space<vmem>>, vector<16xf32>,
      %add3A_545 = arith.addf %add3A_535, %get3A_544 : vector<16xf32>
      %get3A_546 = arith.constant 6 : i32
      %get3A_547 = arith.index_cast %get3A_546 : i32 to index
      %get3A_548 = arith.constant 0 : index
      %get3A_549 = tpu.vector_load %arg11[%get3A_547, %get3A_548] {strides = array<i32>} : memref<16x128xf32, #tpu.memory_space<vmem>>, vector<16xf32>,
      %add3A_550 = arith.addf %add3A_540, %get3A_549 : vector<16xf32>
      %get3A_551 = arith.constant 6 : i32
      %get3A_552 = arith.index_cast %get3A_551 : i32 to index
      %get3A_553 = arith.constant 0 : index
      %get3A_554 = tpu.vector_load %arg12[%get3A_552, %get3A_553] {strides = array<i32>} : memref<16x128xf32, #tpu.memory_space<vmem>>, vector<16xf32>,
      %add3A_555 = arith.addf %add3A_545, %get3A_554 : vector<16xf32>
      %get3A_556 = arith.constant 7 : i32
      %get3A_557 = arith.index_cast %get3A_556 : i32 to index
      %get3A_558 = arith.constant 0 : index
      %get3A_559 = tpu.vector_load %arg11[%get3A_557, %get3A_558] {strides = array<i32>} : memref<16x128xf32, #tpu.memory_space<vmem>>, vector<16xf32>,
      %add3A_560 = arith.addf %add3A_550, %get3A_559 : vector<16xf32>
      %get3A_561 = arith.constant 7 : i32
      %get3A_562 = arith.index_cast %get3A_561 : i32 to index
      %get3A_563 = arith.constant 0 : index
      %get3A_564 = tpu.vector_load %arg12[%get3A_562, %get3A_563] {strides = array<i32>} : memref<16x128xf32, #tpu.memory_space<vmem>>, vector<16xf32>,
      %add3A_565 = arith.addf %add3A_555, %get3A_564 : vector<16xf32>
      %get3A_566 = arith.constant 8 : i32
      %get3A_567 = arith.index_cast %get3A_566 : i32 to index
      %get3A_568 = arith.constant 0 : index
      %get3A_569 = tpu.vector_load %arg11[%get3A_567, %get3A_568] {strides = array<i32>} : memref<16x128xf32, #tpu.memory_space<vmem>>, vector<16xf32>,
      %add3A_570 = arith.addf %add3A_560, %get3A_569 : vector<16xf32>
      %get3A_571 = arith.constant 8 : i32
      %get3A_572 = arith.index_cast %get3A_571 : i32 to index
      %get3A_573 = arith.constant 0 : index
      %get3A_574 = tpu.vector_load %arg12[%get3A_572, %get3A_573] {strides = array<i32>} : memref<16x128xf32, #tpu.memory_space<vmem>>, vector<16xf32>,
      %add3A_575 = arith.addf %add3A_565, %get3A_574 : vector<16xf32>
      %get3A_576 = arith.constant 9 : i32
      %get3A_577 = arith.index_cast %get3A_576 : i32 to index
      %get3A_578 = arith.constant 0 : index
      %get3A_579 = tpu.vector_load %arg11[%get3A_577, %get3A_578] {strides = array<i32>} : memref<16x128xf32, #tpu.memory_space<vmem>>, vector<16xf32>,
      %add3A_580 = arith.addf %add3A_570, %get3A_579 : vector<16xf32>
      %get3A_581 = arith.constant 9 : i32
      %get3A_582 = arith.index_cast %get3A_581 : i32 to index
      %get3A_583 = arith.constant 0 : index
      %get3A_584 = tpu.vector_load %arg12[%get3A_582, %get3A_583] {strides = array<i32>} : memref<16x128xf32, #tpu.memory_space<vmem>>, vector<16xf32>,
      %add3A_585 = arith.addf %add3A_575, %get3A_584 : vector<16xf32>
      %get3A_586 = arith.constant 10 : i32
      %get3A_587 = arith.index_cast %get3A_586 : i32 to index
      %get3A_588 = arith.constant 0 : index
      %get3A_589 = tpu.vector_load %arg11[%get3A_587, %get3A_588] {strides = array<i32>} : memref<16x128xf32, #tpu.memory_space<vmem>>, vector<16xf32>,
      %add3A_590 = arith.addf %add3A_580, %get3A_589 : vector<16xf32>
      %get3A_591 = arith.constant 10 : i32
      %get3A_592 = arith.index_cast %get3A_591 : i32 to index
      %get3A_593 = arith.constant 0 : index
      %get3A_594 = tpu.vector_load %arg12[%get3A_592, %get3A_593] {strides = array<i32>} : memref<16x128xf32, #tpu.memory_space<vmem>>, vector<16xf32>,
      %add3A_595 = arith.addf %add3A_585, %get3A_594 : vector<16xf32>
      %get3A_596 = arith.constant 11 : i32
      %get3A_597 = arith.index_cast %get3A_596 : i32 to index
      %get3A_598 = arith.constant 0 : index
      %get3A_599 = tpu.vector_load %arg11[%get3A_597, %get3A_598] {strides = array<i32>} : memref<16x128xf32, #tpu.memory_space<vmem>>, vector<16xf32>,
      %add3A_600 = arith.addf %add3A_590, %get3A_599 : vector<16xf32>
      %get3A_601 = arith.constant 11 : i32
      %get3A_602 = arith.index_cast %get3A_601 : i32 to index
      %get3A_603 = arith.constant 0 : index
      %get3A_604 = tpu.vector_load %arg12[%get3A_602, %get3A_603] {strides = array<i32>} : memref<16x128xf32, #tpu.memory_space<vmem>>, vector<16xf32>,
      %add3A_605 = arith.addf %add3A_595, %get3A_604 : vector<16xf32>
      %get3A_606 = arith.constant 12 : i32
      %get3A_607 = arith.index_cast %get3A_606 : i32 to index
      %get3A_608 = arith.constant 0 : index
      %get3A_609 = tpu.vector_load %arg11[%get3A_607, %get3A_608] {strides = array<i32>} : memref<16x128xf32, #tpu.memory_space<vmem>>, vector<16xf32>,
      %add3A_610 = arith.addf %add3A_600, %get3A_609 : vector<16xf32>
      %get3A_611 = arith.constant 12 : i32
      %get3A_612 = arith.index_cast %get3A_611 : i32 to index
      %get3A_613 = arith.constant 0 : index
      %get3A_614 = tpu.vector_load %arg12[%get3A_612, %get3A_613] {strides = array<i32>} : memref<16x128xf32, #tpu.memory_space<vmem>>, vector<16xf32>,
      %add3A_615 = arith.addf %add3A_605, %get3A_614 : vector<16xf32>
      %get3A_616 = arith.constant 13 : i32
      %get3A_617 = arith.index_cast %get3A_616 : i32 to index
      %get3A_618 = arith.constant 0 : index
      %get3A_619 = tpu.vector_load %arg11[%get3A_617, %get3A_618] {strides = array<i32>} : memref<16x128xf32, #tpu.memory_space<vmem>>, vector<16xf32>,
      %add3A_620 = arith.addf %add3A_610, %get3A_619 : vector<16xf32>
      %get3A_621 = arith.constant 13 : i32
      %get3A_622 = arith.index_cast %get3A_621 : i32 to index
      %get3A_623 = arith.constant 0 : index
      %get3A_624 = tpu.vector_load %arg12[%get3A_622, %get3A_623] {strides = array<i32>} : memref<16x128xf32, #tpu.memory_space<vmem>>, vector<16xf32>,
      %add3A_625 = arith.addf %add3A_615, %get3A_624 : vector<16xf32>
      %get3A_626 = arith.constant 14 : i32
      %get3A_627 = arith.index_cast %get3A_626 : i32 to index
      %get3A_628 = arith.constant 0 : index
      %get3A_629 = tpu.vector_load %arg11[%get3A_627, %get3A_628] {strides = array<i32>} : memref<16x128xf32, #tpu.memory_space<vmem>>, vector<16xf32>,
      %add3A_630 = arith.addf %add3A_620, %get3A_629 : vector<16xf32>
      %get3A_631 = arith.constant 14 : i32
      %get3A_632 = arith.index_cast %get3A_631 : i32 to index
      %get3A_633 = arith.constant 0 : index
      %get3A_634 = tpu.vector_load %arg12[%get3A_632, %get3A_633] {strides = array<i32>} : memref<16x128xf32, #tpu.memory_space<vmem>>, vector<16xf32>,
      %add3A_635 = arith.addf %add3A_625, %get3A_634 : vector<16xf32>
      %get3A_636 = arith.constant 15 : i32
      %get3A_637 = arith.index_cast %get3A_636 : i32 to index
      %get3A_638 = arith.constant 0 : index
      %get3A_639 = tpu.vector_load %arg11[%get3A_637, %get3A_638] {strides = array<i32>} : memref<16x128xf32, #tpu.memory_space<vmem>>, vector<16xf32>,
      %add3A_640 = arith.addf %add3A_630, %get3A_639 : vector<16xf32>
      %get3A_641 = arith.constant 15 : i32
      %get3A_642 = arith.index_cast %get3A_641 : i32 to index
      %get3A_643 = arith.constant 0 : index
      %get3A_644 = tpu.vector_load %arg12[%get3A_642, %get3A_643] {strides = array<i32>} : memref<16x128xf32, #tpu.memory_space<vmem>>, vector<16xf32>,
      %add3A_645 = arith.addf %add3A_635, %get3A_644 : vector<16xf32>
      %max3A = arith.constant 1.000000e+00 : f32
      %max3A_646 = vector.broadcast %max3A : f32 to vector<16xf32>
      %max3A_647 = arith.maximumf %add3A_645, %max3A_646 : vector<16xf32>
      %div3A_648 = arith.divf %max3A_647, %add3A_640 : vector<16xf32>
      %swap3A_649 = arith.constant 0 : index
      %swap3A_650 = tpu.vector_load %arg13[%swap3A_649] {strides = array<i32>} : memref<1024xf32, #tpu.memory_space<vmem>>, vector<16xf32>,
      tpu.vector_store %arg13[%swap3A_649], %div3A_648 {strides = array<i32>} : memref<1024xf32, #tpu.memory_space<vmem>>, vector<16xf32>,
      %broadcast_in_dim3A_651 = arith.constant 0.000000e+00 : f32
      %broadcast_in_dim3A_652 = vector.broadcast %broadcast_in_dim3A_651 : f32 to vector<16xf32>
      %broadcast_in_dim3A_653 = arith.constant 0.000000e+00 : f32
      %broadcast_in_dim3A_654 = vector.broadcast %broadcast_in_dim3A_653 : f32 to vector<16xf32>
      %get3A_655 = arith.constant 0 : i32
      %get3A_656 = arith.index_cast %get3A_655 : i32 to index
      %get3A_657 = arith.constant 16 : index
      %get3A_658 = tpu.vector_load %arg11[%get3A_656, %get3A_657] {strides = array<i32>} : memref<16x128xf32, #tpu.memory_space<vmem>>, vector<16xf32>,
      %add3A_659 = arith.addf %broadcast_in_dim3A_652, %get3A_658 : vector<16xf32>
      %get3A_660 = arith.constant 0 : i32
      %get3A_661 = arith.index_cast %get3A_660 : i32 to index
      %get3A_662 = arith.constant 16 : index
      %get3A_663 = tpu.vector_load %arg12[%get3A_661, %get3A_662] {strides = array<i32>} : memref<16x128xf32, #tpu.memory_space<vmem>>, vector<16xf32>,
      %add3A_664 = arith.addf %broadcast_in_dim3A_654, %get3A_663 : vector<16xf32>
      %get3A_665 = arith.constant 1 : i32
      %get3A_666 = arith.index_cast %get3A_665 : i32 to index
      %get3A_667 = arith.constant 16 : index
      %get3A_668 = tpu.vector_load %arg11[%get3A_666, %get3A_667] {strides = array<i32>} : memref<16x128xf32, #tpu.memory_space<vmem>>, vector<16xf32>,
      %add3A_669 = arith.addf %add3A_659, %get3A_668 : vector<16xf32>
      %get3A_670 = arith.constant 1 : i32
      %get3A_671 = arith.index_cast %get3A_670 : i32 to index
      %get3A_672 = arith.constant 16 : index
      %get3A_673 = tpu.vector_load %arg12[%get3A_671, %get3A_672] {strides = array<i32>} : memref<16x128xf32, #tpu.memory_space<vmem>>, vector<16xf32>,
      %add3A_674 = arith.addf %add3A_664, %get3A_673 : vector<16xf32>
      %get3A_675 = arith.constant 2 : i32
      %get3A_676 = arith.index_cast %get3A_675 : i32 to index
      %get3A_677 = arith.constant 16 : index
      %get3A_678 = tpu.vector_load %arg11[%get3A_676, %get3A_677] {strides = array<i32>} : memref<16x128xf32, #tpu.memory_space<vmem>>, vector<16xf32>,
      %add3A_679 = arith.addf %add3A_669, %get3A_678 : vector<16xf32>
      %get3A_680 = arith.constant 2 : i32
      %get3A_681 = arith.index_cast %get3A_680 : i32 to index
      %get3A_682 = arith.constant 16 : index
      %get3A_683 = tpu.vector_load %arg12[%get3A_681, %get3A_682] {strides = array<i32>} : memref<16x128xf32, #tpu.memory_space<vmem>>, vector<16xf32>,
      %add3A_684 = arith.addf %add3A_674, %get3A_683 : vector<16xf32>
      %get3A_685 = arith.constant 3 : i32
      %get3A_686 = arith.index_cast %get3A_685 : i32 to index
      %get3A_687 = arith.constant 16 : index
      %get3A_688 = tpu.vector_load %arg11[%get3A_686, %get3A_687] {strides = array<i32>} : memref<16x128xf32, #tpu.memory_space<vmem>>, vector<16xf32>,
      %add3A_689 = arith.addf %add3A_679, %get3A_688 : vector<16xf32>
      %get3A_690 = arith.constant 3 : i32
      %get3A_691 = arith.index_cast %get3A_690 : i32 to index
      %get3A_692 = arith.constant 16 : index
      %get3A_693 = tpu.vector_load %arg12[%get3A_691, %get3A_692] {strides = array<i32>} : memref<16x128xf32, #tpu.memory_space<vmem>>, vector<16xf32>,
      %add3A_694 = arith.addf %add3A_684, %get3A_693 : vector<16xf32>
      %get3A_695 = arith.constant 4 : i32
      %get3A_696 = arith.index_cast %get3A_695 : i32 to index
      %get3A_697 = arith.constant 16 : index
      %get3A_698 = tpu.vector_load %arg11[%get3A_696, %get3A_697] {strides = array<i32>} : memref<16x128xf32, #tpu.memory_space<vmem>>, vector<16xf32>,
      %add3A_699 = arith.addf %add3A_689, %get3A_698 : vector<16xf32>
      %get3A_700 = arith.constant 4 : i32
      %get3A_701 = arith.index_cast %get3A_700 : i32 to index
      %get3A_702 = arith.constant 16 : index
      %get3A_703 = tpu.vector_load %arg12[%get3A_701, %get3A_702] {strides = array<i32>} : memref<16x128xf32, #tpu.memory_space<vmem>>, vector<16xf32>,
      %add3A_704 = arith.addf %add3A_694, %get3A_703 : vector<16xf32>
      %get3A_705 = arith.constant 5 : i32
      %get3A_706 = arith.index_cast %get3A_705 : i32 to index
      %get3A_707 = arith.constant 16 : index
      %get3A_708 = tpu.vector_load %arg11[%get3A_706, %get3A_707] {strides = array<i32>} : memref<16x128xf32, #tpu.memory_space<vmem>>, vector<16xf32>,
      %add3A_709 = arith.addf %add3A_699, %get3A_708 : vector<16xf32>
      %get3A_710 = arith.constant 5 : i32
      %get3A_711 = arith.index_cast %get3A_710 : i32 to index
      %get3A_712 = arith.constant 16 : index
      %get3A_713 = tpu.vector_load %arg12[%get3A_711, %get3A_712] {strides = array<i32>} : memref<16x128xf32, #tpu.memory_space<vmem>>, vector<16xf32>,
      %add3A_714 = arith.addf %add3A_704, %get3A_713 : vector<16xf32>
      %get3A_715 = arith.constant 6 : i32
      %get3A_716 = arith.index_cast %get3A_715 : i32 to index
      %get3A_717 = arith.constant 16 : index
      %get3A_718 = tpu.vector_load %arg11[%get3A_716, %get3A_717] {strides = array<i32>} : memref<16x128xf32, #tpu.memory_space<vmem>>, vector<16xf32>,
      %add3A_719 = arith.addf %add3A_709, %get3A_718 : vector<16xf32>
      %get3A_720 = arith.constant 6 : i32
      %get3A_721 = arith.index_cast %get3A_720 : i32 to index
      %get3A_722 = arith.constant 16 : index
      %get3A_723 = tpu.vector_load %arg12[%get3A_721, %get3A_722] {strides = array<i32>} : memref<16x128xf32, #tpu.memory_space<vmem>>, vector<16xf32>,
      %add3A_724 = arith.addf %add3A_714, %get3A_723 : vector<16xf32>
      %get3A_725 = arith.constant 7 : i32
      %get3A_726 = arith.index_cast %get3A_725 : i32 to index
      %get3A_727 = arith.constant 16 : index
      %get3A_728 = tpu.vector_load %arg11[%get3A_726, %get3A_727] {strides = array<i32>} : memref<16x128xf32, #tpu.memory_space<vmem>>, vector<16xf32>,
      %add3A_729 = arith.addf %add3A_719, %get3A_728 : vector<16xf32>
      %get3A_730 = arith.constant 7 : i32
      %get3A_731 = arith.index_cast %get3A_730 : i32 to index
      %get3A_732 = arith.constant 16 : index
      %get3A_733 = tpu.vector_load %arg12[%get3A_731, %get3A_732] {strides = array<i32>} : memref<16x128xf32, #tpu.memory_space<vmem>>, vector<16xf32>,
      %add3A_734 = arith.addf %add3A_724, %get3A_733 : vector<16xf32>
      %get3A_735 = arith.constant 8 : i32
      %get3A_736 = arith.index_cast %get3A_735 : i32 to index
      %get3A_737 = arith.constant 16 : index
      %get3A_738 = tpu.vector_load %arg11[%get3A_736, %get3A_737] {strides = array<i32>} : memref<16x128xf32, #tpu.memory_space<vmem>>, vector<16xf32>,
      %add3A_739 = arith.addf %add3A_729, %get3A_738 : vector<16xf32>
      %get3A_740 = arith.constant 8 : i32
      %get3A_741 = arith.index_cast %get3A_740 : i32 to index
      %get3A_742 = arith.constant 16 : index
      %get3A_743 = tpu.vector_load %arg12[%get3A_741, %get3A_742] {strides = array<i32>} : memref<16x128xf32, #tpu.memory_space<vmem>>, vector<16xf32>,
      %add3A_744 = arith.addf %add3A_734, %get3A_743 : vector<16xf32>
      %get3A_745 = arith.constant 9 : i32
      %get3A_746 = arith.index_cast %get3A_745 : i32 to index
      %get3A_747 = arith.constant 16 : index
      %get3A_748 = tpu.vector_load %arg11[%get3A_746, %get3A_747] {strides = array<i32>} : memref<16x128xf32, #tpu.memory_space<vmem>>, vector<16xf32>,
      %add3A_749 = arith.addf %add3A_739, %get3A_748 : vector<16xf32>
      %get3A_750 = arith.constant 9 : i32
      %get3A_751 = arith.index_cast %get3A_750 : i32 to index
      %get3A_752 = arith.constant 16 : index
      %get3A_753 = tpu.vector_load %arg12[%get3A_751, %get3A_752] {strides = array<i32>} : memref<16x128xf32, #tpu.memory_space<vmem>>, vector<16xf32>,
      %add3A_754 = arith.addf %add3A_744, %get3A_753 : vector<16xf32>
      %get3A_755 = arith.constant 10 : i32
      %get3A_756 = arith.index_cast %get3A_755 : i32 to index
      %get3A_757 = arith.constant 16 : index
      %get3A_758 = tpu.vector_load %arg11[%get3A_756, %get3A_757] {strides = array<i32>} : memref<16x128xf32, #tpu.memory_space<vmem>>, vector<16xf32>,
      %add3A_759 = arith.addf %add3A_749, %get3A_758 : vector<16xf32>
      %get3A_760 = arith.constant 10 : i32
      %get3A_761 = arith.index_cast %get3A_760 : i32 to index
      %get3A_762 = arith.constant 16 : index
      %get3A_763 = tpu.vector_load %arg12[%get3A_761, %get3A_762] {strides = array<i32>} : memref<16x128xf32, #tpu.memory_space<vmem>>, vector<16xf32>,
      %add3A_764 = arith.addf %add3A_754, %get3A_763 : vector<16xf32>
      %get3A_765 = arith.constant 11 : i32
      %get3A_766 = arith.index_cast %get3A_765 : i32 to index
      %get3A_767 = arith.constant 16 : index
      %get3A_768 = tpu.vector_load %arg11[%get3A_766, %get3A_767] {strides = array<i32>} : memref<16x128xf32, #tpu.memory_space<vmem>>, vector<16xf32>,
      %add3A_769 = arith.addf %add3A_759, %get3A_768 : vector<16xf32>
      %get3A_770 = arith.constant 11 : i32
      %get3A_771 = arith.index_cast %get3A_770 : i32 to index
      %get3A_772 = arith.constant 16 : index
      %get3A_773 = tpu.vector_load %arg12[%get3A_771, %get3A_772] {strides = array<i32>} : memref<16x128xf32, #tpu.memory_space<vmem>>, vector<16xf32>,
      %add3A_774 = arith.addf %add3A_764, %get3A_773 : vector<16xf32>
      %get3A_775 = arith.constant 12 : i32
      %get3A_776 = arith.index_cast %get3A_775 : i32 to index
      %get3A_777 = arith.constant 16 : index
      %get3A_778 = tpu.vector_load %arg11[%get3A_776, %get3A_777] {strides = array<i32>} : memref<16x128xf32, #tpu.memory_space<vmem>>, vector<16xf32>,
      %add3A_779 = arith.addf %add3A_769, %get3A_778 : vector<16xf32>
      %get3A_780 = arith.constant 12 : i32
      %get3A_781 = arith.index_cast %get3A_780 : i32 to index
      %get3A_782 = arith.constant 16 : index
      %get3A_783 = tpu.vector_load %arg12[%get3A_781, %get3A_782] {strides = array<i32>} : memref<16x128xf32, #tpu.memory_space<vmem>>, vector<16xf32>,
      %add3A_784 = arith.addf %add3A_774, %get3A_783 : vector<16xf32>
      %get3A_785 = arith.constant 13 : i32
      %get3A_786 = arith.index_cast %get3A_785 : i32 to index
      %get3A_787 = arith.constant 16 : index
      %get3A_788 = tpu.vector_load %arg11[%get3A_786, %get3A_787] {strides = array<i32>} : memref<16x128xf32, #tpu.memory_space<vmem>>, vector<16xf32>,
      %add3A_789 = arith.addf %add3A_779, %get3A_788 : vector<16xf32>
      %get3A_790 = arith.constant 13 : i32
      %get3A_791 = arith.index_cast %get3A_790 : i32 to index
      %get3A_792 = arith.constant 16 : index
      %get3A_793 = tpu.vector_load %arg12[%get3A_791, %get3A_792] {strides = array<i32>} : memref<16x128xf32, #tpu.memory_space<vmem>>, vector<16xf32>,
      %add3A_794 = arith.addf %add3A_784, %get3A_793 : vector<16xf32>
      %get3A_795 = arith.constant 14 : i32
      %get3A_796 = arith.index_cast %get3A_795 : i32 to index
      %get3A_797 = arith.constant 16 : index
      %get3A_798 = tpu.vector_load %arg11[%get3A_796, %get3A_797] {strides = array<i32>} : memref<16x128xf32, #tpu.memory_space<vmem>>, vector<16xf32>,
      %add3A_799 = arith.addf %add3A_789, %get3A_798 : vector<16xf32>
      %get3A_800 = arith.constant 14 : i32
      %get3A_801 = arith.index_cast %get3A_800 : i32 to index
      %get3A_802 = arith.constant 16 : index
      %get3A_803 = tpu.vector_load %arg12[%get3A_801, %get3A_802] {strides = array<i32>} : memref<16x128xf32, #tpu.memory_space<vmem>>, vector<16xf32>,
      %add3A_804 = arith.addf %add3A_794, %get3A_803 : vector<16xf32>
      %get3A_805 = arith.constant 15 : i32
      %get3A_806 = arith.index_cast %get3A_805 : i32 to index
      %get3A_807 = arith.constant 16 : index
      %get3A_808 = tpu.vector_load %arg11[%get3A_806, %get3A_807] {strides = array<i32>} : memref<16x128xf32, #tpu.memory_space<vmem>>, vector<16xf32>,
      %add3A_809 = arith.addf %add3A_799, %get3A_808 : vector<16xf32>
      %get3A_810 = arith.constant 15 : i32
      %get3A_811 = arith.index_cast %get3A_810 : i32 to index
      %get3A_812 = arith.constant 16 : index
      %get3A_813 = tpu.vector_load %arg12[%get3A_811, %get3A_812] {strides = array<i32>} : memref<16x128xf32, #tpu.memory_space<vmem>>, vector<16xf32>,
      %add3A_814 = arith.addf %add3A_804, %get3A_813 : vector<16xf32>
      %max3A_815 = arith.constant 1.000000e+00 : f32
      %max3A_816 = vector.broadcast %max3A_815 : f32 to vector<16xf32>
      %max3A_817 = arith.maximumf %add3A_814, %max3A_816 : vector<16xf32>
      %div3A_818 = arith.divf %max3A_817, %add3A_809 : vector<16xf32>
      %swap3A_819 = arith.constant 16 : index
      %swap3A_820 = tpu.vector_load %arg13[%swap3A_819] {strides = array<i32>} : memref<1024xf32, #tpu.memory_space<vmem>>, vector<16xf32>,
      tpu.vector_store %arg13[%swap3A_819], %div3A_818 {strides = array<i32>} : memref<1024xf32, #tpu.memory_space<vmem>>, vector<16xf32>,
      %broadcast_in_dim3A_821 = arith.constant 0.000000e+00 : f32
      %broadcast_in_dim3A_822 = vector.broadcast %broadcast_in_dim3A_821 : f32 to vector<16xf32>
      %broadcast_in_dim3A_823 = arith.constant 0.000000e+00 : f32
      %broadcast_in_dim3A_824 = vector.broadcast %broadcast_in_dim3A_823 : f32 to vector<16xf32>
      %get3A_825 = arith.constant 0 : i32
      %get3A_826 = arith.index_cast %get3A_825 : i32 to index
      %get3A_827 = arith.constant 32 : index
      %get3A_828 = tpu.vector_load %arg11[%get3A_826, %get3A_827] {strides = array<i32>} : memref<16x128xf32, #tpu.memory_space<vmem>>, vector<16xf32>,
      %add3A_829 = arith.addf %broadcast_in_dim3A_822, %get3A_828 : vector<16xf32>
      %get3A_830 = arith.constant 0 : i32
      %get3A_831 = arith.index_cast %get3A_830 : i32 to index
      %get3A_832 = arith.constant 32 : index
      %get3A_833 = tpu.vector_load %arg12[%get3A_831, %get3A_832] {strides = array<i32>} : memref<16x128xf32, #tpu.memory_space<vmem>>, vector<16xf32>,
      %add3A_834 = arith.addf %broadcast_in_dim3A_824, %get3A_833 : vector<16xf32>
      %get3A_835 = arith.constant 1 : i32
      %get3A_836 = arith.index_cast %get3A_835 : i32 to index
      %get3A_837 = arith.constant 32 : index
      %get3A_838 = tpu.vector_load %arg11[%get3A_836, %get3A_837] {strides = array<i32>} : memref<16x128xf32, #tpu.memory_space<vmem>>, vector<16xf32>,
      %add3A_839 = arith.addf %add3A_829, %get3A_838 : vector<16xf32>
      %get3A_840 = arith.constant 1 : i32
      %get3A_841 = arith.index_cast %get3A_840 : i32 to index
      %get3A_842 = arith.constant 32 : index
      %get3A_843 = tpu.vector_load %arg12[%get3A_841, %get3A_842] {strides = array<i32>} : memref<16x128xf32, #tpu.memory_space<vmem>>, vector<16xf32>,
      %add3A_844 = arith.addf %add3A_834, %get3A_843 : vector<16xf32>
      %get3A_845 = arith.constant 2 : i32
      %get3A_846 = arith.index_cast %get3A_845 : i32 to index
      %get3A_847 = arith.constant 32 : index
      %get3A_848 = tpu.vector_load %arg11[%get3A_846, %get3A_847] {strides = array<i32>} : memref<16x128xf32, #tpu.memory_space<vmem>>, vector<16xf32>,
      %add3A_849 = arith.addf %add3A_839, %get3A_848 : vector<16xf32>
      %get3A_850 = arith.constant 2 : i32
      %get3A_851 = arith.index_cast %get3A_850 : i32 to index
      %get3A_852 = arith.constant 32 : index
      %get3A_853 = tpu.vector_load %arg12[%get3A_851, %get3A_852] {strides = array<i32>} : memref<16x128xf32, #tpu.memory_space<vmem>>, vector<16xf32>,
      %add3A_854 = arith.addf %add3A_844, %get3A_853 : vector<16xf32>
      %get3A_855 = arith.constant 3 : i32
      %get3A_856 = arith.index_cast %get3A_855 : i32 to index
      %get3A_857 = arith.constant 32 : index
      %get3A_858 = tpu.vector_load %arg11[%get3A_856, %get3A_857] {strides = array<i32>} : memref<16x128xf32, #tpu.memory_space<vmem>>, vector<16xf32>,
      %add3A_859 = arith.addf %add3A_849, %get3A_858 : vector<16xf32>
      %get3A_860 = arith.constant 3 : i32
      %get3A_861 = arith.index_cast %get3A_860 : i32 to index
      %get3A_862 = arith.constant 32 : index
      %get3A_863 = tpu.vector_load %arg12[%get3A_861, %get3A_862] {strides = array<i32>} : memref<16x128xf32, #tpu.memory_space<vmem>>, vector<16xf32>,
      %add3A_864 = arith.addf %add3A_854, %get3A_863 : vector<16xf32>
      %get3A_865 = arith.constant 4 : i32
      %get3A_866 = arith.index_cast %get3A_865 : i32 to index
      %get3A_867 = arith.constant 32 : index
      %get3A_868 = tpu.vector_load %arg11[%get3A_866, %get3A_867] {strides = array<i32>} : memref<16x128xf32, #tpu.memory_space<vmem>>, vector<16xf32>,
      %add3A_869 = arith.addf %add3A_859, %get3A_868 : vector<16xf32>
      %get3A_870 = arith.constant 4 : i32
      %get3A_871 = arith.index_cast %get3A_870 : i32 to index
      %get3A_872 = arith.constant 32 : index
      %get3A_873 = tpu.vector_load %arg12[%get3A_871, %get3A_872] {strides = array<i32>} : memref<16x128xf32, #tpu.memory_space<vmem>>, vector<16xf32>,
      %add3A_874 = arith.addf %add3A_864, %get3A_873 : vector<16xf32>
      %get3A_875 = arith.constant 5 : i32
      %get3A_876 = arith.index_cast %get3A_875 : i32 to index
      %get3A_877 = arith.constant 32 : index
      %get3A_878 = tpu.vector_load %arg11[%get3A_876, %get3A_877] {strides = array<i32>} : memref<16x128xf32, #tpu.memory_space<vmem>>, vector<16xf32>,
      %add3A_879 = arith.addf %add3A_869, %get3A_878 : vector<16xf32>
      %get3A_880 = arith.constant 5 : i32
      %get3A_881 = arith.index_cast %get3A_880 : i32 to index
      %get3A_882 = arith.constant 32 : index
      %get3A_883 = tpu.vector_load %arg12[%get3A_881, %get3A_882] {strides = array<i32>} : memref<16x128xf32, #tpu.memory_space<vmem>>, vector<16xf32>,
      %add3A_884 = arith.addf %add3A_874, %get3A_883 : vector<16xf32>
      %get3A_885 = arith.constant 6 : i32
      %get3A_886 = arith.index_cast %get3A_885 : i32 to index
      %get3A_887 = arith.constant 32 : index
      %get3A_888 = tpu.vector_load %arg11[%get3A_886, %get3A_887] {strides = array<i32>} : memref<16x128xf32, #tpu.memory_space<vmem>>, vector<16xf32>,
      %add3A_889 = arith.addf %add3A_879, %get3A_888 : vector<16xf32>
      %get3A_890 = arith.constant 6 : i32
      %get3A_891 = arith.index_cast %get3A_890 : i32 to index
      %get3A_892 = arith.constant 32 : index
      %get3A_893 = tpu.vector_load %arg12[%get3A_891, %get3A_892] {strides = array<i32>} : memref<16x128xf32, #tpu.memory_space<vmem>>, vector<16xf32>,
      %add3A_894 = arith.addf %add3A_884, %get3A_893 : vector<16xf32>
      %get3A_895 = arith.constant 7 : i32
      %get3A_896 = arith.index_cast %get3A_895 : i32 to index
      %get3A_897 = arith.constant 32 : index
      %get3A_898 = tpu.vector_load %arg11[%get3A_896, %get3A_897] {strides = array<i32>} : memref<16x128xf32, #tpu.memory_space<vmem>>, vector<16xf32>,
      %add3A_899 = arith.addf %add3A_889, %get3A_898 : vector<16xf32>
      %get3A_900 = arith.constant 7 : i32
      %get3A_901 = arith.index_cast %get3A_900 : i32 to index
      %get3A_902 = arith.constant 32 : index
      %get3A_903 = tpu.vector_load %arg12[%get3A_901, %get3A_902] {strides = array<i32>} : memref<16x128xf32, #tpu.memory_space<vmem>>, vector<16xf32>,
      %add3A_904 = arith.addf %add3A_894, %get3A_903 : vector<16xf32>
      %get3A_905 = arith.constant 8 : i32
      %get3A_906 = arith.index_cast %get3A_905 : i32 to index
      %get3A_907 = arith.constant 32 : index
      %get3A_908 = tpu.vector_load %arg11[%get3A_906, %get3A_907] {strides = array<i32>} : memref<16x128xf32, #tpu.memory_space<vmem>>, vector<16xf32>,
      %add3A_909 = arith.addf %add3A_899, %get3A_908 : vector<16xf32>
      %get3A_910 = arith.constant 8 : i32
      %get3A_911 = arith.index_cast %get3A_910 : i32 to index
      %get3A_912 = arith.constant 32 : index
      %get3A_913 = tpu.vector_load %arg12[%get3A_911, %get3A_912] {strides = array<i32>} : memref<16x128xf32, #tpu.memory_space<vmem>>, vector<16xf32>,
      %add3A_914 = arith.addf %add3A_904, %get3A_913 : vector<16xf32>
      %get3A_915 = arith.constant 9 : i32
      %get3A_916 = arith.index_cast %get3A_915 : i32 to index
      %get3A_917 = arith.constant 32 : index
      %get3A_918 = tpu.vector_load %arg11[%get3A_916, %get3A_917] {strides = array<i32>} : memref<16x128xf32, #tpu.memory_space<vmem>>, vector<16xf32>,
      %add3A_919 = arith.addf %add3A_909, %get3A_918 : vector<16xf32>
      %get3A_920 = arith.constant 9 : i32
      %get3A_921 = arith.index_cast %get3A_920 : i32 to index
      %get3A_922 = arith.constant 32 : index
      %get3A_923 = tpu.vector_load %arg12[%get3A_921, %get3A_922] {strides = array<i32>} : memref<16x128xf32, #tpu.memory_space<vmem>>, vector<16xf32>,
      %add3A_924 = arith.addf %add3A_914, %get3A_923 : vector<16xf32>
      %get3A_925 = arith.constant 10 : i32
      %get3A_926 = arith.index_cast %get3A_925 : i32 to index
      %get3A_927 = arith.constant 32 : index
      %get3A_928 = tpu.vector_load %arg11[%get3A_926, %get3A_927] {strides = array<i32>} : memref<16x128xf32, #tpu.memory_space<vmem>>, vector<16xf32>,
      %add3A_929 = arith.addf %add3A_919, %get3A_928 : vector<16xf32>
      %get3A_930 = arith.constant 10 : i32
      %get3A_931 = arith.index_cast %get3A_930 : i32 to index
      %get3A_932 = arith.constant 32 : index
      %get3A_933 = tpu.vector_load %arg12[%get3A_931, %get3A_932] {strides = array<i32>} : memref<16x128xf32, #tpu.memory_space<vmem>>, vector<16xf32>,
      %add3A_934 = arith.addf %add3A_924, %get3A_933 : vector<16xf32>
      %get3A_935 = arith.constant 11 : i32
      %get3A_936 = arith.index_cast %get3A_935 : i32 to index
      %get3A_937 = arith.constant 32 : index
      %get3A_938 = tpu.vector_load %arg11[%get3A_936, %get3A_937] {strides = array<i32>} : memref<16x128xf32, #tpu.memory_space<vmem>>, vector<16xf32>,
      %add3A_939 = arith.addf %add3A_929, %get3A_938 : vector<16xf32>
      %get3A_940 = arith.constant 11 : i32
      %get3A_941 = arith.index_cast %get3A_940 : i32 to index
      %get3A_942 = arith.constant 32 : index
      %get3A_943 = tpu.vector_load %arg12[%get3A_941, %get3A_942] {strides = array<i32>} : memref<16x128xf32, #tpu.memory_space<vmem>>, vector<16xf32>,
      %add3A_944 = arith.addf %add3A_934, %get3A_943 : vector<16xf32>
      %get3A_945 = arith.constant 12 : i32
      %get3A_946 = arith.index_cast %get3A_945 : i32 to index
      %get3A_947 = arith.constant 32 : index
      %get3A_948 = tpu.vector_load %arg11[%get3A_946, %get3A_947] {strides = array<i32>} : memref<16x128xf32, #tpu.memory_space<vmem>>, vector<16xf32>,
      %add3A_949 = arith.addf %add3A_939, %get3A_948 : vector<16xf32>
      %get3A_950 = arith.constant 12 : i32
      %get3A_951 = arith.index_cast %get3A_950 : i32 to index
      %get3A_952 = arith.constant 32 : index
      %get3A_953 = tpu.vector_load %arg12[%get3A_951, %get3A_952] {strides = array<i32>} : memref<16x128xf32, #tpu.memory_space<vmem>>, vector<16xf32>,
      %add3A_954 = arith.addf %add3A_944, %get3A_953 : vector<16xf32>
      %get3A_955 = arith.constant 13 : i32
      %get3A_956 = arith.index_cast %get3A_955 : i32 to index
      %get3A_957 = arith.constant 32 : index
      %get3A_958 = tpu.vector_load %arg11[%get3A_956, %get3A_957] {strides = array<i32>} : memref<16x128xf32, #tpu.memory_space<vmem>>, vector<16xf32>,
      %add3A_959 = arith.addf %add3A_949, %get3A_958 : vector<16xf32>
      %get3A_960 = arith.constant 13 : i32
      %get3A_961 = arith.index_cast %get3A_960 : i32 to index
      %get3A_962 = arith.constant 32 : index
      %get3A_963 = tpu.vector_load %arg12[%get3A_961, %get3A_962] {strides = array<i32>} : memref<16x128xf32, #tpu.memory_space<vmem>>, vector<16xf32>,
      %add3A_964 = arith.addf %add3A_954, %get3A_963 : vector<16xf32>
      %get3A_965 = arith.constant 14 : i32
      %get3A_966 = arith.index_cast %get3A_965 : i32 to index
      %get3A_967 = arith.constant 32 : index
      %get3A_968 = tpu.vector_load %arg11[%get3A_966, %get3A_967] {strides = array<i32>} : memref<16x128xf32, #tpu.memory_space<vmem>>, vector<16xf32>,
      %add3A_969 = arith.addf %add3A_959, %get3A_968 : vector<16xf32>
      %get3A_970 = arith.constant 14 : i32
      %get3A_971 = arith.index_cast %get3A_970 : i32 to index
      %get3A_972 = arith.constant 32 : index
      %get3A_973 = tpu.vector_load %arg12[%get3A_971, %get3A_972] {strides = array<i32>} : memref<16x128xf32, #tpu.memory_space<vmem>>, vector<16xf32>,
      %add3A_974 = arith.addf %add3A_964, %get3A_973 : vector<16xf32>
      %get3A_975 = arith.constant 15 : i32
      %get3A_976 = arith.index_cast %get3A_975 : i32 to index
      %get3A_977 = arith.constant 32 : index
      %get3A_978 = tpu.vector_load %arg11[%get3A_976, %get3A_977] {strides = array<i32>} : memref<16x128xf32, #tpu.memory_space<vmem>>, vector<16xf32>,
      %add3A_979 = arith.addf %add3A_969, %get3A_978 : vector<16xf32>
      %get3A_980 = arith.constant 15 : i32
      %get3A_981 = arith.index_cast %get3A_980 : i32 to index
      %get3A_982 = arith.constant 32 : index
      %get3A_983 = tpu.vector_load %arg12[%get3A_981, %get3A_982] {strides = array<i32>} : memref<16x128xf32, #tpu.memory_space<vmem>>, vector<16xf32>,
      %add3A_984 = arith.addf %add3A_974, %get3A_983 : vector<16xf32>
      %max3A_985 = arith.constant 1.000000e+00 : f32
      %max3A_986 = vector.broadcast %max3A_985 : f32 to vector<16xf32>
      %max3A_987 = arith.maximumf %add3A_984, %max3A_986 : vector<16xf32>
      %div3A_988 = arith.divf %max3A_987, %add3A_979 : vector<16xf32>
      %swap3A_989 = arith.constant 32 : index
      %swap3A_990 = tpu.vector_load %arg13[%swap3A_989] {strides = array<i32>} : memref<1024xf32, #tpu.memory_space<vmem>>, vector<16xf32>,
      tpu.vector_store %arg13[%swap3A_989], %div3A_988 {strides = array<i32>} : memref<1024xf32, #tpu.memory_space<vmem>>, vector<16xf32>,
      %broadcast_in_dim3A_991 = arith.constant 0.000000e+00 : f32
      %broadcast_in_dim3A_992 = vector.broadcast %broadcast_in_dim3A_991 : f32 to vector<16xf32>
      %broadcast_in_dim3A_993 = arith.constant 0.000000e+00 : f32
      %broadcast_in_dim3A_994 = vector.broadcast %broadcast_in_dim3A_993 : f32 to vector<16xf32>
      %get3A_995 = arith.constant 0 : i32
      %get3A_996 = arith.index_cast %get3A_995 : i32 to index
      %get3A_997 = arith.constant 48 : index
      %get3A_998 = tpu.vector_load %arg11[%get3A_996, %get3A_997] {strides = array<i32>} : memref<16x128xf32, #tpu.memory_space<vmem>>, vector<16xf32>,
      %add3A_999 = arith.addf %broadcast_in_dim3A_992, %get3A_998 : vector<16xf32>
      %get3A_1000 = arith.constant 0 : i32
      %get3A_1001 = arith.index_cast %get3A_1000 : i32 to index
      %get3A_1002 = arith.constant 48 : index
      %get3A_1003 = tpu.vector_load %arg12[%get3A_1001, %get3A_1002] {strides = array<i32>} : memref<16x128xf32, #tpu.memory_space<vmem>>, vector<16xf32>,
      %add3A_1004 = arith.addf %broadcast_in_dim3A_994, %get3A_1003 : vector<16xf32>
      %get3A_1005 = arith.constant 1 : i32
      %get3A_1006 = arith.index_cast %get3A_1005 : i32 to index
      %get3A_1007 = arith.constant 48 : index
      %get3A_1008 = tpu.vector_load %arg11[%get3A_1006, %get3A_1007] {strides = array<i32>} : memref<16x128xf32, #tpu.memory_space<vmem>>, vector<16xf32>,
      %add3A_1009 = arith.addf %add3A_999, %get3A_1008 : vector<16xf32>
      %get3A_1010 = arith.constant 1 : i32
      %get3A_1011 = arith.index_cast %get3A_1010 : i32 to index
      %get3A_1012 = arith.constant 48 : index
      %get3A_1013 = tpu.vector_load %arg12[%get3A_1011, %get3A_1012] {strides = array<i32>} : memref<16x128xf32, #tpu.memory_space<vmem>>, vector<16xf32>,
      %add3A_1014 = arith.addf %add3A_1004, %get3A_1013 : vector<16xf32>
      %get3A_1015 = arith.constant 2 : i32
      %get3A_1016 = arith.index_cast %get3A_1015 : i32 to index
      %get3A_1017 = arith.constant 48 : index
      %get3A_1018 = tpu.vector_load %arg11[%get3A_1016, %get3A_1017] {strides = array<i32>} : memref<16x128xf32, #tpu.memory_space<vmem>>, vector<16xf32>,
      %add3A_1019 = arith.addf %add3A_1009, %get3A_1018 : vector<16xf32>
      %get3A_1020 = arith.constant 2 : i32
      %get3A_1021 = arith.index_cast %get3A_1020 : i32 to index
      %get3A_1022 = arith.constant 48 : index
      %get3A_1023 = tpu.vector_load %arg12[%get3A_1021, %get3A_1022] {strides = array<i32>} : memref<16x128xf32, #tpu.memory_space<vmem>>, vector<16xf32>,
      %add3A_1024 = arith.addf %add3A_1014, %get3A_1023 : vector<16xf32>
      %get3A_1025 = arith.constant 3 : i32
      %get3A_1026 = arith.index_cast %get3A_1025 : i32 to index
      %get3A_1027 = arith.constant 48 : index
      %get3A_1028 = tpu.vector_load %arg11[%get3A_1026, %get3A_1027] {strides = array<i32>} : memref<16x128xf32, #tpu.memory_space<vmem>>, vector<16xf32>,
      %add3A_1029 = arith.addf %add3A_1019, %get3A_1028 : vector<16xf32>
      %get3A_1030 = arith.constant 3 : i32
      %get3A_1031 = arith.index_cast %get3A_1030 : i32 to index
      %get3A_1032 = arith.constant 48 : index
      %get3A_1033 = tpu.vector_load %arg12[%get3A_1031, %get3A_1032] {strides = array<i32>} : memref<16x128xf32, #tpu.memory_space<vmem>>, vector<16xf32>,
      %add3A_1034 = arith.addf %add3A_1024, %get3A_1033 : vector<16xf32>
      %get3A_1035 = arith.constant 4 : i32
      %get3A_1036 = arith.index_cast %get3A_1035 : i32 to index
      %get3A_1037 = arith.constant 48 : index
      %get3A_1038 = tpu.vector_load %arg11[%get3A_1036, %get3A_1037] {strides = array<i32>} : memref<16x128xf32, #tpu.memory_space<vmem>>, vector<16xf32>,
      %add3A_1039 = arith.addf %add3A_1029, %get3A_1038 : vector<16xf32>
      %get3A_1040 = arith.constant 4 : i32
      %get3A_1041 = arith.index_cast %get3A_1040 : i32 to index
      %get3A_1042 = arith.constant 48 : index
      %get3A_1043 = tpu.vector_load %arg12[%get3A_1041, %get3A_1042] {strides = array<i32>} : memref<16x128xf32, #tpu.memory_space<vmem>>, vector<16xf32>,
      %add3A_1044 = arith.addf %add3A_1034, %get3A_1043 : vector<16xf32>
      %get3A_1045 = arith.constant 5 : i32
      %get3A_1046 = arith.index_cast %get3A_1045 : i32 to index
      %get3A_1047 = arith.constant 48 : index
      %get3A_1048 = tpu.vector_load %arg11[%get3A_1046, %get3A_1047] {strides = array<i32>} : memref<16x128xf32, #tpu.memory_space<vmem>>, vector<16xf32>,
      %add3A_1049 = arith.addf %add3A_1039, %get3A_1048 : vector<16xf32>
      %get3A_1050 = arith.constant 5 : i32
      %get3A_1051 = arith.index_cast %get3A_1050 : i32 to index
      %get3A_1052 = arith.constant 48 : index
      %get3A_1053 = tpu.vector_load %arg12[%get3A_1051, %get3A_1052] {strides = array<i32>} : memref<16x128xf32, #tpu.memory_space<vmem>>, vector<16xf32>,
      %add3A_1054 = arith.addf %add3A_1044, %get3A_1053 : vector<16xf32>
      %get3A_1055 = arith.constant 6 : i32
      %get3A_1056 = arith.index_cast %get3A_1055 : i32 to index
      %get3A_1057 = arith.constant 48 : index
      %get3A_1058 = tpu.vector_load %arg11[%get3A_1056, %get3A_1057] {strides = array<i32>} : memref<16x128xf32, #tpu.memory_space<vmem>>, vector<16xf32>,
      %add3A_1059 = arith.addf %add3A_1049, %get3A_1058 : vector<16xf32>
      %get3A_1060 = arith.constant 6 : i32
      %get3A_1061 = arith.index_cast %get3A_1060 : i32 to index
      %get3A_1062 = arith.constant 48 : index
      %get3A_1063 = tpu.vector_load %arg12[%get3A_1061, %get3A_1062] {strides = array<i32>} : memref<16x128xf32, #tpu.memory_space<vmem>>, vector<16xf32>,
      %add3A_1064 = arith.addf %add3A_1054, %get3A_1063 : vector<16xf32>
      %get3A_1065 = arith.constant 7 : i32
      %get3A_1066 = arith.index_cast %get3A_1065 : i32 to index
      %get3A_1067 = arith.constant 48 : index
      %get3A_1068 = tpu.vector_load %arg11[%get3A_1066, %get3A_1067] {strides = array<i32>} : memref<16x128xf32, #tpu.memory_space<vmem>>, vector<16xf32>,
      %add3A_1069 = arith.addf %add3A_1059, %get3A_1068 : vector<16xf32>
      %get3A_1070 = arith.constant 7 : i32
      %get3A_1071 = arith.index_cast %get3A_1070 : i32 to index
      %get3A_1072 = arith.constant 48 : index
      %get3A_1073 = tpu.vector_load %arg12[%get3A_1071, %get3A_1072] {strides = array<i32>} : memref<16x128xf32, #tpu.memory_space<vmem>>, vector<16xf32>,
      %add3A_1074 = arith.addf %add3A_1064, %get3A_1073 : vector<16xf32>
      %get3A_1075 = arith.constant 8 : i32
      %get3A_1076 = arith.index_cast %get3A_1075 : i32 to index
      %get3A_1077 = arith.constant 48 : index
      %get3A_1078 = tpu.vector_load %arg11[%get3A_1076, %get3A_1077] {strides = array<i32>} : memref<16x128xf32, #tpu.memory_space<vmem>>, vector<16xf32>,
      %add3A_1079 = arith.addf %add3A_1069, %get3A_1078 : vector<16xf32>
      %get3A_1080 = arith.constant 8 : i32
      %get3A_1081 = arith.index_cast %get3A_1080 : i32 to index
      %get3A_1082 = arith.constant 48 : index
      %get3A_1083 = tpu.vector_load %arg12[%get3A_1081, %get3A_1082] {strides = array<i32>} : memref<16x128xf32, #tpu.memory_space<vmem>>, vector<16xf32>,
      %add3A_1084 = arith.addf %add3A_1074, %get3A_1083 : vector<16xf32>
      %get3A_1085 = arith.constant 9 : i32
      %get3A_1086 = arith.index_cast %get3A_1085 : i32 to index
      %get3A_1087 = arith.constant 48 : index
      %get3A_1088 = tpu.vector_load %arg11[%get3A_1086, %get3A_1087] {strides = array<i32>} : memref<16x128xf32, #tpu.memory_space<vmem>>, vector<16xf32>,
      %add3A_1089 = arith.addf %add3A_1079, %get3A_1088 : vector<16xf32>
      %get3A_1090 = arith.constant 9 : i32
      %get3A_1091 = arith.index_cast %get3A_1090 : i32 to index
      %get3A_1092 = arith.constant 48 : index
      %get3A_1093 = tpu.vector_load %arg12[%get3A_1091, %get3A_1092] {strides = array<i32>} : memref<16x128xf32, #tpu.memory_space<vmem>>, vector<16xf32>,
      %add3A_1094 = arith.addf %add3A_1084, %get3A_1093 : vector<16xf32>
      %get3A_1095 = arith.constant 10 : i32
      %get3A_1096 = arith.index_cast %get3A_1095 : i32 to index
      %get3A_1097 = arith.constant 48 : index
      %get3A_1098 = tpu.vector_load %arg11[%get3A_1096, %get3A_1097] {strides = array<i32>} : memref<16x128xf32, #tpu.memory_space<vmem>>, vector<16xf32>,
      %add3A_1099 = arith.addf %add3A_1089, %get3A_1098 : vector<16xf32>
      %get3A_1100 = arith.constant 10 : i32
      %get3A_1101 = arith.index_cast %get3A_1100 : i32 to index
      %get3A_1102 = arith.constant 48 : index
      %get3A_1103 = tpu.vector_load %arg12[%get3A_1101, %get3A_1102] {strides = array<i32>} : memref<16x128xf32, #tpu.memory_space<vmem>>, vector<16xf32>,
      %add3A_1104 = arith.addf %add3A_1094, %get3A_1103 : vector<16xf32>
      %get3A_1105 = arith.constant 11 : i32
      %get3A_1106 = arith.index_cast %get3A_1105 : i32 to index
      %get3A_1107 = arith.constant 48 : index
      %get3A_1108 = tpu.vector_load %arg11[%get3A_1106, %get3A_1107] {strides = array<i32>} : memref<16x128xf32, #tpu.memory_space<vmem>>, vector<16xf32>,
      %add3A_1109 = arith.addf %add3A_1099, %get3A_1108 : vector<16xf32>
      %get3A_1110 = arith.constant 11 : i32
      %get3A_1111 = arith.index_cast %get3A_1110 : i32 to index
      %get3A_1112 = arith.constant 48 : index
      %get3A_1113 = tpu.vector_load %arg12[%get3A_1111, %get3A_1112] {strides = array<i32>} : memref<16x128xf32, #tpu.memory_space<vmem>>, vector<16xf32>,
      %add3A_1114 = arith.addf %add3A_1104, %get3A_1113 : vector<16xf32>
      %get3A_1115 = arith.constant 12 : i32
      %get3A_1116 = arith.index_cast %get3A_1115 : i32 to index
      %get3A_1117 = arith.constant 48 : index
      %get3A_1118 = tpu.vector_load %arg11[%get3A_1116, %get3A_1117] {strides = array<i32>} : memref<16x128xf32, #tpu.memory_space<vmem>>, vector<16xf32>,
      %add3A_1119 = arith.addf %add3A_1109, %get3A_1118 : vector<16xf32>
      %get3A_1120 = arith.constant 12 : i32
      %get3A_1121 = arith.index_cast %get3A_1120 : i32 to index
      %get3A_1122 = arith.constant 48 : index
      %get3A_1123 = tpu.vector_load %arg12[%get3A_1121, %get3A_1122] {strides = array<i32>} : memref<16x128xf32, #tpu.memory_space<vmem>>, vector<16xf32>,
      %add3A_1124 = arith.addf %add3A_1114, %get3A_1123 : vector<16xf32>
      %get3A_1125 = arith.constant 13 : i32
      %get3A_1126 = arith.index_cast %get3A_1125 : i32 to index
      %get3A_1127 = arith.constant 48 : index
      %get3A_1128 = tpu.vector_load %arg11[%get3A_1126, %get3A_1127] {strides = array<i32>} : memref<16x128xf32, #tpu.memory_space<vmem>>, vector<16xf32>,
      %add3A_1129 = arith.addf %add3A_1119, %get3A_1128 : vector<16xf32>
      %get3A_1130 = arith.constant 13 : i32
      %get3A_1131 = arith.index_cast %get3A_1130 : i32 to index
      %get3A_1132 = arith.constant 48 : index
      %get3A_1133 = tpu.vector_load %arg12[%get3A_1131, %get3A_1132] {strides = array<i32>} : memref<16x128xf32, #tpu.memory_space<vmem>>, vector<16xf32>,
      %add3A_1134 = arith.addf %add3A_1124, %get3A_1133 : vector<16xf32>
      %get3A_1135 = arith.constant 14 : i32
      %get3A_1136 = arith.index_cast %get3A_1135 : i32 to index
      %get3A_1137 = arith.constant 48 : index
      %get3A_1138 = tpu.vector_load %arg11[%get3A_1136, %get3A_1137] {strides = array<i32>} : memref<16x128xf32, #tpu.memory_space<vmem>>, vector<16xf32>,
      %add3A_1139 = arith.addf %add3A_1129, %get3A_1138 : vector<16xf32>
      %get3A_1140 = arith.constant 14 : i32
      %get3A_1141 = arith.index_cast %get3A_1140 : i32 to index
      %get3A_1142 = arith.constant 48 : index
      %get3A_1143 = tpu.vector_load %arg12[%get3A_1141, %get3A_1142] {strides = array<i32>} : memref<16x128xf32, #tpu.memory_space<vmem>>, vector<16xf32>,
      %add3A_1144 = arith.addf %add3A_1134, %get3A_1143 : vector<16xf32>
      %get3A_1145 = arith.constant 15 : i32
      %get3A_1146 = arith.index_cast %get3A_1145 : i32 to index
      %get3A_1147 = arith.constant 48 : index
      %get3A_1148 = tpu.vector_load %arg11[%get3A_1146, %get3A_1147] {strides = array<i32>} : memref<16x128xf32, #tpu.memory_space<vmem>>, vector<16xf32>,
      %add3A_1149 = arith.addf %add3A_1139, %get3A_1148 : vector<16xf32>
      %get3A_1150 = arith.constant 15 : i32
      %get3A_1151 = arith.index_cast %get3A_1150 : i32 to index
      %get3A_1152 = arith.constant 48 : index
      %get3A_1153 = tpu.vector_load %arg12[%get3A_1151, %get3A_1152] {strides = array<i32>} : memref<16x128xf32, #tpu.memory_space<vmem>>, vector<16xf32>,
      %add3A_1154 = arith.addf %add3A_1144, %get3A_1153 : vector<16xf32>
      %max3A_1155 = arith.constant 1.000000e+00 : f32
      %max3A_1156 = vector.broadcast %max3A_1155 : f32 to vector<16xf32>
      %max3A_1157 = arith.maximumf %add3A_1154, %max3A_1156 : vector<16xf32>
      %div3A_1158 = arith.divf %max3A_1157, %add3A_1149 : vector<16xf32>
      %swap3A_1159 = arith.constant 48 : index
      %swap3A_1160 = tpu.vector_load %arg13[%swap3A_1159] {strides = array<i32>} : memref<1024xf32, #tpu.memory_space<vmem>>, vector<16xf32>,
      tpu.vector_store %arg13[%swap3A_1159], %div3A_1158 {strides = array<i32>} : memref<1024xf32, #tpu.memory_space<vmem>>, vector<16xf32>,
      %broadcast_in_dim3A_1161 = arith.constant 0.000000e+00 : f32
      %broadcast_in_dim3A_1162 = vector.broadcast %broadcast_in_dim3A_1161 : f32 to vector<16xf32>
      %broadcast_in_dim3A_1163 = arith.constant 0.000000e+00 : f32
      %broadcast_in_dim3A_1164 = vector.broadcast %broadcast_in_dim3A_1163 : f32 to vector<16xf32>
      %get3A_1165 = arith.constant 0 : i32
      %get3A_1166 = arith.index_cast %get3A_1165 : i32 to index
      %get3A_1167 = arith.constant 64 : index
      %get3A_1168 = tpu.vector_load %arg11[%get3A_1166, %get3A_1167] {strides = array<i32>} : memref<16x128xf32, #tpu.memory_space<vmem>>, vector<16xf32>,
      %add3A_1169 = arith.addf %broadcast_in_dim3A_1162, %get3A_1168 : vector<16xf32>
      %get3A_1170 = arith.constant 0 : i32
      %get3A_1171 = arith.index_cast %get3A_1170 : i32 to index
      %get3A_1172 = arith.constant 64 : index
      %get3A_1173 = tpu.vector_load %arg12[%get3A_1171, %get3A_1172] {strides = array<i32>} : memref<16x128xf32, #tpu.memory_space<vmem>>, vector<16xf32>,
      %add3A_1174 = arith.addf %broadcast_in_dim3A_1164, %get3A_1173 : vector<16xf32>
      %get3A_1175 = arith.constant 1 : i32
      %get3A_1176 = arith.index_cast %get3A_1175 : i32 to index
      %get3A_1177 = arith.constant 64 : index
      %get3A_1178 = tpu.vector_load %arg11[%get3A_1176, %get3A_1177] {strides = array<i32>} : memref<16x128xf32, #tpu.memory_space<vmem>>, vector<16xf32>,
      %add3A_1179 = arith.addf %add3A_1169, %get3A_1178 : vector<16xf32>
      %get3A_1180 = arith.constant 1 : i32
      %get3A_1181 = arith.index_cast %get3A_1180 : i32 to index
      %get3A_1182 = arith.constant 64 : index
      %get3A_1183 = tpu.vector_load %arg12[%get3A_1181, %get3A_1182] {strides = array<i32>} : memref<16x128xf32, #tpu.memory_space<vmem>>, vector<16xf32>,
      %add3A_1184 = arith.addf %add3A_1174, %get3A_1183 : vector<16xf32>
      %get3A_1185 = arith.constant 2 : i32
      %get3A_1186 = arith.index_cast %get3A_1185 : i32 to index
      %get3A_1187 = arith.constant 64 : index
      %get3A_1188 = tpu.vector_load %arg11[%get3A_1186, %get3A_1187] {strides = array<i32>} : memref<16x128xf32, #tpu.memory_space<vmem>>, vector<16xf32>,
      %add3A_1189 = arith.addf %add3A_1179, %get3A_1188 : vector<16xf32>
      %get3A_1190 = arith.constant 2 : i32
      %get3A_1191 = arith.index_cast %get3A_1190 : i32 to index
      %get3A_1192 = arith.constant 64 : index
      %get3A_1193 = tpu.vector_load %arg12[%get3A_1191, %get3A_1192] {strides = array<i32>} : memref<16x128xf32, #tpu.memory_space<vmem>>, vector<16xf32>,
      %add3A_1194 = arith.addf %add3A_1184, %get3A_1193 : vector<16xf32>
      %get3A_1195 = arith.constant 3 : i32
      %get3A_1196 = arith.index_cast %get3A_1195 : i32 to index
      %get3A_1197 = arith.constant 64 : index
      %get3A_1198 = tpu.vector_load %arg11[%get3A_1196, %get3A_1197] {strides = array<i32>} : memref<16x128xf32, #tpu.memory_space<vmem>>, vector<16xf32>,
      %add3A_1199 = arith.addf %add3A_1189, %get3A_1198 : vector<16xf32>
      %get3A_1200 = arith.constant 3 : i32
      %get3A_1201 = arith.index_cast %get3A_1200 : i32 to index
      %get3A_1202 = arith.constant 64 : index
      %get3A_1203 = tpu.vector_load %arg12[%get3A_1201, %get3A_1202] {strides = array<i32>} : memref<16x128xf32, #tpu.memory_space<vmem>>, vector<16xf32>,
      %add3A_1204 = arith.addf %add3A_1194, %get3A_1203 : vector<16xf32>
      %get3A_1205 = arith.constant 4 : i32
      %get3A_1206 = arith.index_cast %get3A_1205 : i32 to index
      %get3A_1207 = arith.constant 64 : index
      %get3A_1208 = tpu.vector_load %arg11[%get3A_1206, %get3A_1207] {strides = array<i32>} : memref<16x128xf32, #tpu.memory_space<vmem>>, vector<16xf32>,
      %add3A_1209 = arith.addf %add3A_1199, %get3A_1208 : vector<16xf32>
      %get3A_1210 = arith.constant 4 : i32
      %get3A_1211 = arith.index_cast %get3A_1210 : i32 to index
      %get3A_1212 = arith.constant 64 : index
      %get3A_1213 = tpu.vector_load %arg12[%get3A_1211, %get3A_1212] {strides = array<i32>} : memref<16x128xf32, #tpu.memory_space<vmem>>, vector<16xf32>,
      %add3A_1214 = arith.addf %add3A_1204, %get3A_1213 : vector<16xf32>
      %get3A_1215 = arith.constant 5 : i32
      %get3A_1216 = arith.index_cast %get3A_1215 : i32 to index
      %get3A_1217 = arith.constant 64 : index
      %get3A_1218 = tpu.vector_load %arg11[%get3A_1216, %get3A_1217] {strides = array<i32>} : memref<16x128xf32, #tpu.memory_space<vmem>>, vector<16xf32>,
      %add3A_1219 = arith.addf %add3A_1209, %get3A_1218 : vector<16xf32>
      %get3A_1220 = arith.constant 5 : i32
      %get3A_1221 = arith.index_cast %get3A_1220 : i32 to index
      %get3A_1222 = arith.constant 64 : index
      %get3A_1223 = tpu.vector_load %arg12[%get3A_1221, %get3A_1222] {strides = array<i32>} : memref<16x128xf32, #tpu.memory_space<vmem>>, vector<16xf32>,
      %add3A_1224 = arith.addf %add3A_1214, %get3A_1223 : vector<16xf32>
      %get3A_1225 = arith.constant 6 : i32
      %get3A_1226 = arith.index_cast %get3A_1225 : i32 to index
      %get3A_1227 = arith.constant 64 : index
      %get3A_1228 = tpu.vector_load %arg11[%get3A_1226, %get3A_1227] {strides = array<i32>} : memref<16x128xf32, #tpu.memory_space<vmem>>, vector<16xf32>,
      %add3A_1229 = arith.addf %add3A_1219, %get3A_1228 : vector<16xf32>
      %get3A_1230 = arith.constant 6 : i32
      %get3A_1231 = arith.index_cast %get3A_1230 : i32 to index
      %get3A_1232 = arith.constant 64 : index
      %get3A_1233 = tpu.vector_load %arg12[%get3A_1231, %get3A_1232] {strides = array<i32>} : memref<16x128xf32, #tpu.memory_space<vmem>>, vector<16xf32>,
      %add3A_1234 = arith.addf %add3A_1224, %get3A_1233 : vector<16xf32>
      %get3A_1235 = arith.constant 7 : i32
      %get3A_1236 = arith.index_cast %get3A_1235 : i32 to index
      %get3A_1237 = arith.constant 64 : index
      %get3A_1238 = tpu.vector_load %arg11[%get3A_1236, %get3A_1237] {strides = array<i32>} : memref<16x128xf32, #tpu.memory_space<vmem>>, vector<16xf32>,
      %add3A_1239 = arith.addf %add3A_1229, %get3A_1238 : vector<16xf32>
      %get3A_1240 = arith.constant 7 : i32
      %get3A_1241 = arith.index_cast %get3A_1240 : i32 to index
      %get3A_1242 = arith.constant 64 : index
      %get3A_1243 = tpu.vector_load %arg12[%get3A_1241, %get3A_1242] {strides = array<i32>} : memref<16x128xf32, #tpu.memory_space<vmem>>, vector<16xf32>,
      %add3A_1244 = arith.addf %add3A_1234, %get3A_1243 : vector<16xf32>
      %get3A_1245 = arith.constant 8 : i32
      %get3A_1246 = arith.index_cast %get3A_1245 : i32 to index
      %get3A_1247 = arith.constant 64 : index
      %get3A_1248 = tpu.vector_load %arg11[%get3A_1246, %get3A_1247] {strides = array<i32>} : memref<16x128xf32, #tpu.memory_space<vmem>>, vector<16xf32>,
      %add3A_1249 = arith.addf %add3A_1239, %get3A_1248 : vector<16xf32>
      %get3A_1250 = arith.constant 8 : i32
      %get3A_1251 = arith.index_cast %get3A_1250 : i32 to index
      %get3A_1252 = arith.constant 64 : index
      %get3A_1253 = tpu.vector_load %arg12[%get3A_1251, %get3A_1252] {strides = array<i32>} : memref<16x128xf32, #tpu.memory_space<vmem>>, vector<16xf32>,
      %add3A_1254 = arith.addf %add3A_1244, %get3A_1253 : vector<16xf32>
      %get3A_1255 = arith.constant 9 : i32
      %get3A_1256 = arith.index_cast %get3A_1255 : i32 to index
      %get3A_1257 = arith.constant 64 : index
      %get3A_1258 = tpu.vector_load %arg11[%get3A_1256, %get3A_1257] {strides = array<i32>} : memref<16x128xf32, #tpu.memory_space<vmem>>, vector<16xf32>,
      %add3A_1259 = arith.addf %add3A_1249, %get3A_1258 : vector<16xf32>
      %get3A_1260 = arith.constant 9 : i32
      %get3A_1261 = arith.index_cast %get3A_1260 : i32 to index
      %get3A_1262 = arith.constant 64 : index
      %get3A_1263 = tpu.vector_load %arg12[%get3A_1261, %get3A_1262] {strides = array<i32>} : memref<16x128xf32, #tpu.memory_space<vmem>>, vector<16xf32>,
      %add3A_1264 = arith.addf %add3A_1254, %get3A_1263 : vector<16xf32>
      %get3A_1265 = arith.constant 10 : i32
      %get3A_1266 = arith.index_cast %get3A_1265 : i32 to index
      %get3A_1267 = arith.constant 64 : index
      %get3A_1268 = tpu.vector_load %arg11[%get3A_1266, %get3A_1267] {strides = array<i32>} : memref<16x128xf32, #tpu.memory_space<vmem>>, vector<16xf32>,
      %add3A_1269 = arith.addf %add3A_1259, %get3A_1268 : vector<16xf32>
      %get3A_1270 = arith.constant 10 : i32
      %get3A_1271 = arith.index_cast %get3A_1270 : i32 to index
      %get3A_1272 = arith.constant 64 : index
      %get3A_1273 = tpu.vector_load %arg12[%get3A_1271, %get3A_1272] {strides = array<i32>} : memref<16x128xf32, #tpu.memory_space<vmem>>, vector<16xf32>,
      %add3A_1274 = arith.addf %add3A_1264, %get3A_1273 : vector<16xf32>
      %get3A_1275 = arith.constant 11 : i32
      %get3A_1276 = arith.index_cast %get3A_1275 : i32 to index
      %get3A_1277 = arith.constant 64 : index
      %get3A_1278 = tpu.vector_load %arg11[%get3A_1276, %get3A_1277] {strides = array<i32>} : memref<16x128xf32, #tpu.memory_space<vmem>>, vector<16xf32>,
      %add3A_1279 = arith.addf %add3A_1269, %get3A_1278 : vector<16xf32>
      %get3A_1280 = arith.constant 11 : i32
      %get3A_1281 = arith.index_cast %get3A_1280 : i32 to index
      %get3A_1282 = arith.constant 64 : index
      %get3A_1283 = tpu.vector_load %arg12[%get3A_1281, %get3A_1282] {strides = array<i32>} : memref<16x128xf32, #tpu.memory_space<vmem>>, vector<16xf32>,
      %add3A_1284 = arith.addf %add3A_1274, %get3A_1283 : vector<16xf32>
      %get3A_1285 = arith.constant 12 : i32
      %get3A_1286 = arith.index_cast %get3A_1285 : i32 to index
      %get3A_1287 = arith.constant 64 : index
      %get3A_1288 = tpu.vector_load %arg11[%get3A_1286, %get3A_1287] {strides = array<i32>} : memref<16x128xf32, #tpu.memory_space<vmem>>, vector<16xf32>,
      %add3A_1289 = arith.addf %add3A_1279, %get3A_1288 : vector<16xf32>
      %get3A_1290 = arith.constant 12 : i32
      %get3A_1291 = arith.index_cast %get3A_1290 : i32 to index
      %get3A_1292 = arith.constant 64 : index
      %get3A_1293 = tpu.vector_load %arg12[%get3A_1291, %get3A_1292] {strides = array<i32>} : memref<16x128xf32, #tpu.memory_space<vmem>>, vector<16xf32>,
      %add3A_1294 = arith.addf %add3A_1284, %get3A_1293 : vector<16xf32>
      %get3A_1295 = arith.constant 13 : i32
      %get3A_1296 = arith.index_cast %get3A_1295 : i32 to index
      %get3A_1297 = arith.constant 64 : index
      %get3A_1298 = tpu.vector_load %arg11[%get3A_1296, %get3A_1297] {strides = array<i32>} : memref<16x128xf32, #tpu.memory_space<vmem>>, vector<16xf32>,
      %add3A_1299 = arith.addf %add3A_1289, %get3A_1298 : vector<16xf32>
      %get3A_1300 = arith.constant 13 : i32
      %get3A_1301 = arith.index_cast %get3A_1300 : i32 to index
      %get3A_1302 = arith.constant 64 : index
      %get3A_1303 = tpu.vector_load %arg12[%get3A_1301, %get3A_1302] {strides = array<i32>} : memref<16x128xf32, #tpu.memory_space<vmem>>, vector<16xf32>,
      %add3A_1304 = arith.addf %add3A_1294, %get3A_1303 : vector<16xf32>
      %get3A_1305 = arith.constant 14 : i32
      %get3A_1306 = arith.index_cast %get3A_1305 : i32 to index
      %get3A_1307 = arith.constant 64 : index
      %get3A_1308 = tpu.vector_load %arg11[%get3A_1306, %get3A_1307] {strides = array<i32>} : memref<16x128xf32, #tpu.memory_space<vmem>>, vector<16xf32>,
      %add3A_1309 = arith.addf %add3A_1299, %get3A_1308 : vector<16xf32>
      %get3A_1310 = arith.constant 14 : i32
      %get3A_1311 = arith.index_cast %get3A_1310 : i32 to index
      %get3A_1312 = arith.constant 64 : index
      %get3A_1313 = tpu.vector_load %arg12[%get3A_1311, %get3A_1312] {strides = array<i32>} : memref<16x128xf32, #tpu.memory_space<vmem>>, vector<16xf32>,
      %add3A_1314 = arith.addf %add3A_1304, %get3A_1313 : vector<16xf32>
      %get3A_1315 = arith.constant 15 : i32
      %get3A_1316 = arith.index_cast %get3A_1315 : i32 to index
      %get3A_1317 = arith.constant 64 : index
      %get3A_1318 = tpu.vector_load %arg11[%get3A_1316, %get3A_1317] {strides = array<i32>} : memref<16x128xf32, #tpu.memory_space<vmem>>, vector<16xf32>,
      %add3A_1319 = arith.addf %add3A_1309, %get3A_1318 : vector<16xf32>
      %get3A_1320 = arith.constant 15 : i32
      %get3A_1321 = arith.index_cast %get3A_1320 : i32 to index
      %get3A_1322 = arith.constant 64 : index
      %get3A_1323 = tpu.vector_load %arg12[%get3A_1321, %get3A_1322] {strides = array<i32>} : memref<16x128xf32, #tpu.memory_space<vmem>>, vector<16xf32>,
      %add3A_1324 = arith.addf %add3A_1314, %get3A_1323 : vector<16xf32>
      %max3A_1325 = arith.constant 1.000000e+00 : f32
      %max3A_1326 = vector.broadcast %max3A_1325 : f32 to vector<16xf32>
      %max3A_1327 = arith.maximumf %add3A_1324, %max3A_1326 : vector<16xf32>
      %div3A_1328 = arith.divf %max3A_1327, %add3A_1319 : vector<16xf32>
      %swap3A_1329 = arith.constant 64 : index
      %swap3A_1330 = tpu.vector_load %arg13[%swap3A_1329] {strides = array<i32>} : memref<1024xf32, #tpu.memory_space<vmem>>, vector<16xf32>,
      tpu.vector_store %arg13[%swap3A_1329], %div3A_1328 {strides = array<i32>} : memref<1024xf32, #tpu.memory_space<vmem>>, vector<16xf32>,
      %broadcast_in_dim3A_1331 = arith.constant 0.000000e+00 : f32
      %broadcast_in_dim3A_1332 = vector.broadcast %broadcast_in_dim3A_1331 : f32 to vector<16xf32>
      %broadcast_in_dim3A_1333 = arith.constant 0.000000e+00 : f32
      %broadcast_in_dim3A_1334 = vector.broadcast %broadcast_in_dim3A_1333 : f32 to vector<16xf32>
      %get3A_1335 = arith.constant 0 : i32
      %get3A_1336 = arith.index_cast %get3A_1335 : i32 to index
      %get3A_1337 = arith.constant 80 : index
      %get3A_1338 = tpu.vector_load %arg11[%get3A_1336, %get3A_1337] {strides = array<i32>} : memref<16x128xf32, #tpu.memory_space<vmem>>, vector<16xf32>,
      %add3A_1339 = arith.addf %broadcast_in_dim3A_1332, %get3A_1338 : vector<16xf32>
      %get3A_1340 = arith.constant 0 : i32
      %get3A_1341 = arith.index_cast %get3A_1340 : i32 to index
      %get3A_1342 = arith.constant 80 : index
      %get3A_1343 = tpu.vector_load %arg12[%get3A_1341, %get3A_1342] {strides = array<i32>} : memref<16x128xf32, #tpu.memory_space<vmem>>, vector<16xf32>,
      %add3A_1344 = arith.addf %broadcast_in_dim3A_1334, %get3A_1343 : vector<16xf32>
      %get3A_1345 = arith.constant 1 : i32
      %get3A_1346 = arith.index_cast %get3A_1345 : i32 to index
      %get3A_1347 = arith.constant 80 : index
      %get3A_1348 = tpu.vector_load %arg11[%get3A_1346, %get3A_1347] {strides = array<i32>} : memref<16x128xf32, #tpu.memory_space<vmem>>, vector<16xf32>,
      %add3A_1349 = arith.addf %add3A_1339, %get3A_1348 : vector<16xf32>
      %get3A_1350 = arith.constant 1 : i32
      %get3A_1351 = arith.index_cast %get3A_1350 : i32 to index
      %get3A_1352 = arith.constant 80 : index
      %get3A_1353 = tpu.vector_load %arg12[%get3A_1351, %get3A_1352] {strides = array<i32>} : memref<16x128xf32, #tpu.memory_space<vmem>>, vector<16xf32>,
      %add3A_1354 = arith.addf %add3A_1344, %get3A_1353 : vector<16xf32>
      %get3A_1355 = arith.constant 2 : i32
      %get3A_1356 = arith.index_cast %get3A_1355 : i32 to index
      %get3A_1357 = arith.constant 80 : index
      %get3A_1358 = tpu.vector_load %arg11[%get3A_1356, %get3A_1357] {strides = array<i32>} : memref<16x128xf32, #tpu.memory_space<vmem>>, vector<16xf32>,
      %add3A_1359 = arith.addf %add3A_1349, %get3A_1358 : vector<16xf32>
      %get3A_1360 = arith.constant 2 : i32
      %get3A_1361 = arith.index_cast %get3A_1360 : i32 to index
      %get3A_1362 = arith.constant 80 : index
      %get3A_1363 = tpu.vector_load %arg12[%get3A_1361, %get3A_1362] {strides = array<i32>} : memref<16x128xf32, #tpu.memory_space<vmem>>, vector<16xf32>,
      %add3A_1364 = arith.addf %add3A_1354, %get3A_1363 : vector<16xf32>
      %get3A_1365 = arith.constant 3 : i32
      %get3A_1366 = arith.index_cast %get3A_1365 : i32 to index
      %get3A_1367 = arith.constant 80 : index
      %get3A_1368 = tpu.vector_load %arg11[%get3A_1366, %get3A_1367] {strides = array<i32>} : memref<16x128xf32, #tpu.memory_space<vmem>>, vector<16xf32>,
      %add3A_1369 = arith.addf %add3A_1359, %get3A_1368 : vector<16xf32>
      %get3A_1370 = arith.constant 3 : i32
      %get3A_1371 = arith.index_cast %get3A_1370 : i32 to index
      %get3A_1372 = arith.constant 80 : index
      %get3A_1373 = tpu.vector_load %arg12[%get3A_1371, %get3A_1372] {strides = array<i32>} : memref<16x128xf32, #tpu.memory_space<vmem>>, vector<16xf32>,
      %add3A_1374 = arith.addf %add3A_1364, %get3A_1373 : vector<16xf32>
      %get3A_1375 = arith.constant 4 : i32
      %get3A_1376 = arith.index_cast %get3A_1375 : i32 to index
      %get3A_1377 = arith.constant 80 : index
      %get3A_1378 = tpu.vector_load %arg11[%get3A_1376, %get3A_1377] {strides = array<i32>} : memref<16x128xf32, #tpu.memory_space<vmem>>, vector<16xf32>,
      %add3A_1379 = arith.addf %add3A_1369, %get3A_1378 : vector<16xf32>
      %get3A_1380 = arith.constant 4 : i32
      %get3A_1381 = arith.index_cast %get3A_1380 : i32 to index
      %get3A_1382 = arith.constant 80 : index
      %get3A_1383 = tpu.vector_load %arg12[%get3A_1381, %get3A_1382] {strides = array<i32>} : memref<16x128xf32, #tpu.memory_space<vmem>>, vector<16xf32>,
      %add3A_1384 = arith.addf %add3A_1374, %get3A_1383 : vector<16xf32>
      %get3A_1385 = arith.constant 5 : i32
      %get3A_1386 = arith.index_cast %get3A_1385 : i32 to index
      %get3A_1387 = arith.constant 80 : index
      %get3A_1388 = tpu.vector_load %arg11[%get3A_1386, %get3A_1387] {strides = array<i32>} : memref<16x128xf32, #tpu.memory_space<vmem>>, vector<16xf32>,
      %add3A_1389 = arith.addf %add3A_1379, %get3A_1388 : vector<16xf32>
      %get3A_1390 = arith.constant 5 : i32
      %get3A_1391 = arith.index_cast %get3A_1390 : i32 to index
      %get3A_1392 = arith.constant 80 : index
      %get3A_1393 = tpu.vector_load %arg12[%get3A_1391, %get3A_1392] {strides = array<i32>} : memref<16x128xf32, #tpu.memory_space<vmem>>, vector<16xf32>,
      %add3A_1394 = arith.addf %add3A_1384, %get3A_1393 : vector<16xf32>
      %get3A_1395 = arith.constant 6 : i32
      %get3A_1396 = arith.index_cast %get3A_1395 : i32 to index
      %get3A_1397 = arith.constant 80 : index
      %get3A_1398 = tpu.vector_load %arg11[%get3A_1396, %get3A_1397] {strides = array<i32>} : memref<16x128xf32, #tpu.memory_space<vmem>>, vector<16xf32>,
      %add3A_1399 = arith.addf %add3A_1389, %get3A_1398 : vector<16xf32>
      %get3A_1400 = arith.constant 6 : i32
      %get3A_1401 = arith.index_cast %get3A_1400 : i32 to index
      %get3A_1402 = arith.constant 80 : index
      %get3A_1403 = tpu.vector_load %arg12[%get3A_1401, %get3A_1402] {strides = array<i32>} : memref<16x128xf32, #tpu.memory_space<vmem>>, vector<16xf32>,
      %add3A_1404 = arith.addf %add3A_1394, %get3A_1403 : vector<16xf32>
      %get3A_1405 = arith.constant 7 : i32
      %get3A_1406 = arith.index_cast %get3A_1405 : i32 to index
      %get3A_1407 = arith.constant 80 : index
      %get3A_1408 = tpu.vector_load %arg11[%get3A_1406, %get3A_1407] {strides = array<i32>} : memref<16x128xf32, #tpu.memory_space<vmem>>, vector<16xf32>,
      %add3A_1409 = arith.addf %add3A_1399, %get3A_1408 : vector<16xf32>
      %get3A_1410 = arith.constant 7 : i32
      %get3A_1411 = arith.index_cast %get3A_1410 : i32 to index
      %get3A_1412 = arith.constant 80 : index
      %get3A_1413 = tpu.vector_load %arg12[%get3A_1411, %get3A_1412] {strides = array<i32>} : memref<16x128xf32, #tpu.memory_space<vmem>>, vector<16xf32>,
      %add3A_1414 = arith.addf %add3A_1404, %get3A_1413 : vector<16xf32>
      %get3A_1415 = arith.constant 8 : i32
      %get3A_1416 = arith.index_cast %get3A_1415 : i32 to index
      %get3A_1417 = arith.constant 80 : index
      %get3A_1418 = tpu.vector_load %arg11[%get3A_1416, %get3A_1417] {strides = array<i32>} : memref<16x128xf32, #tpu.memory_space<vmem>>, vector<16xf32>,
      %add3A_1419 = arith.addf %add3A_1409, %get3A_1418 : vector<16xf32>
      %get3A_1420 = arith.constant 8 : i32
      %get3A_1421 = arith.index_cast %get3A_1420 : i32 to index
      %get3A_1422 = arith.constant 80 : index
      %get3A_1423 = tpu.vector_load %arg12[%get3A_1421, %get3A_1422] {strides = array<i32>} : memref<16x128xf32, #tpu.memory_space<vmem>>, vector<16xf32>,
      %add3A_1424 = arith.addf %add3A_1414, %get3A_1423 : vector<16xf32>
      %get3A_1425 = arith.constant 9 : i32
      %get3A_1426 = arith.index_cast %get3A_1425 : i32 to index
      %get3A_1427 = arith.constant 80 : index
      %get3A_1428 = tpu.vector_load %arg11[%get3A_1426, %get3A_1427] {strides = array<i32>} : memref<16x128xf32, #tpu.memory_space<vmem>>, vector<16xf32>,
      %add3A_1429 = arith.addf %add3A_1419, %get3A_1428 : vector<16xf32>
      %get3A_1430 = arith.constant 9 : i32
      %get3A_1431 = arith.index_cast %get3A_1430 : i32 to index
      %get3A_1432 = arith.constant 80 : index
      %get3A_1433 = tpu.vector_load %arg12[%get3A_1431, %get3A_1432] {strides = array<i32>} : memref<16x128xf32, #tpu.memory_space<vmem>>, vector<16xf32>,
      %add3A_1434 = arith.addf %add3A_1424, %get3A_1433 : vector<16xf32>
      %get3A_1435 = arith.constant 10 : i32
      %get3A_1436 = arith.index_cast %get3A_1435 : i32 to index
      %get3A_1437 = arith.constant 80 : index
      %get3A_1438 = tpu.vector_load %arg11[%get3A_1436, %get3A_1437] {strides = array<i32>} : memref<16x128xf32, #tpu.memory_space<vmem>>, vector<16xf32>,
      %add3A_1439 = arith.addf %add3A_1429, %get3A_1438 : vector<16xf32>
      %get3A_1440 = arith.constant 10 : i32
      %get3A_1441 = arith.index_cast %get3A_1440 : i32 to index
      %get3A_1442 = arith.constant 80 : index
      %get3A_1443 = tpu.vector_load %arg12[%get3A_1441, %get3A_1442] {strides = array<i32>} : memref<16x128xf32, #tpu.memory_space<vmem>>, vector<16xf32>,
      %add3A_1444 = arith.addf %add3A_1434, %get3A_1443 : vector<16xf32>
      %get3A_1445 = arith.constant 11 : i32
      %get3A_1446 = arith.index_cast %get3A_1445 : i32 to index
      %get3A_1447 = arith.constant 80 : index
      %get3A_1448 = tpu.vector_load %arg11[%get3A_1446, %get3A_1447] {strides = array<i32>} : memref<16x128xf32, #tpu.memory_space<vmem>>, vector<16xf32>,
      %add3A_1449 = arith.addf %add3A_1439, %get3A_1448 : vector<16xf32>
      %get3A_1450 = arith.constant 11 : i32
      %get3A_1451 = arith.index_cast %get3A_1450 : i32 to index
      %get3A_1452 = arith.constant 80 : index
      %get3A_1453 = tpu.vector_load %arg12[%get3A_1451, %get3A_1452] {strides = array<i32>} : memref<16x128xf32, #tpu.memory_space<vmem>>, vector<16xf32>,
      %add3A_1454 = arith.addf %add3A_1444, %get3A_1453 : vector<16xf32>
      %get3A_1455 = arith.constant 12 : i32
      %get3A_1456 = arith.index_cast %get3A_1455 : i32 to index
      %get3A_1457 = arith.constant 80 : index
      %get3A_1458 = tpu.vector_load %arg11[%get3A_1456, %get3A_1457] {strides = array<i32>} : memref<16x128xf32, #tpu.memory_space<vmem>>, vector<16xf32>,
      %add3A_1459 = arith.addf %add3A_1449, %get3A_1458 : vector<16xf32>
      %get3A_1460 = arith.constant 12 : i32
      %get3A_1461 = arith.index_cast %get3A_1460 : i32 to index
      %get3A_1462 = arith.constant 80 : index
      %get3A_1463 = tpu.vector_load %arg12[%get3A_1461, %get3A_1462] {strides = array<i32>} : memref<16x128xf32, #tpu.memory_space<vmem>>, vector<16xf32>,
      %add3A_1464 = arith.addf %add3A_1454, %get3A_1463 : vector<16xf32>
      %get3A_1465 = arith.constant 13 : i32
      %get3A_1466 = arith.index_cast %get3A_1465 : i32 to index
      %get3A_1467 = arith.constant 80 : index
      %get3A_1468 = tpu.vector_load %arg11[%get3A_1466, %get3A_1467] {strides = array<i32>} : memref<16x128xf32, #tpu.memory_space<vmem>>, vector<16xf32>,
      %add3A_1469 = arith.addf %add3A_1459, %get3A_1468 : vector<16xf32>
      %get3A_1470 = arith.constant 13 : i32
      %get3A_1471 = arith.index_cast %get3A_1470 : i32 to index
      %get3A_1472 = arith.constant 80 : index
      %get3A_1473 = tpu.vector_load %arg12[%get3A_1471, %get3A_1472] {strides = array<i32>} : memref<16x128xf32, #tpu.memory_space<vmem>>, vector<16xf32>,
      %add3A_1474 = arith.addf %add3A_1464, %get3A_1473 : vector<16xf32>
      %get3A_1475 = arith.constant 14 : i32
      %get3A_1476 = arith.index_cast %get3A_1475 : i32 to index
      %get3A_1477 = arith.constant 80 : index
      %get3A_1478 = tpu.vector_load %arg11[%get3A_1476, %get3A_1477] {strides = array<i32>} : memref<16x128xf32, #tpu.memory_space<vmem>>, vector<16xf32>,
      %add3A_1479 = arith.addf %add3A_1469, %get3A_1478 : vector<16xf32>
      %get3A_1480 = arith.constant 14 : i32
      %get3A_1481 = arith.index_cast %get3A_1480 : i32 to index
      %get3A_1482 = arith.constant 80 : index
      %get3A_1483 = tpu.vector_load %arg12[%get3A_1481, %get3A_1482] {strides = array<i32>} : memref<16x128xf32, #tpu.memory_space<vmem>>, vector<16xf32>,
      %add3A_1484 = arith.addf %add3A_1474, %get3A_1483 : vector<16xf32>
      %get3A_1485 = arith.constant 15 : i32
      %get3A_1486 = arith.index_cast %get3A_1485 : i32 to index
      %get3A_1487 = arith.constant 80 : index
      %get3A_1488 = tpu.vector_load %arg11[%get3A_1486, %get3A_1487] {strides = array<i32>} : memref<16x128xf32, #tpu.memory_space<vmem>>, vector<16xf32>,
      %add3A_1489 = arith.addf %add3A_1479, %get3A_1488 : vector<16xf32>
      %get3A_1490 = arith.constant 15 : i32
      %get3A_1491 = arith.index_cast %get3A_1490 : i32 to index
      %get3A_1492 = arith.constant 80 : index
      %get3A_1493 = tpu.vector_load %arg12[%get3A_1491, %get3A_1492] {strides = array<i32>} : memref<16x128xf32, #tpu.memory_space<vmem>>, vector<16xf32>,
      %add3A_1494 = arith.addf %add3A_1484, %get3A_1493 : vector<16xf32>
      %max3A_1495 = arith.constant 1.000000e+00 : f32
      %max3A_1496 = vector.broadcast %max3A_1495 : f32 to vector<16xf32>
      %max3A_1497 = arith.maximumf %add3A_1494, %max3A_1496 : vector<16xf32>
      %div3A_1498 = arith.divf %max3A_1497, %add3A_1489 : vector<16xf32>
      %swap3A_1499 = arith.constant 80 : index
      %swap3A_1500 = tpu.vector_load %arg13[%swap3A_1499] {strides = array<i32>} : memref<1024xf32, #tpu.memory_space<vmem>>, vector<16xf32>,
      tpu.vector_store %arg13[%swap3A_1499], %div3A_1498 {strides = array<i32>} : memref<1024xf32, #tpu.memory_space<vmem>>, vector<16xf32>,
      %broadcast_in_dim3A_1501 = arith.constant 0.000000e+00 : f32
      %broadcast_in_dim3A_1502 = vector.broadcast %broadcast_in_dim3A_1501 : f32 to vector<16xf32>
      %broadcast_in_dim3A_1503 = arith.constant 0.000000e+00 : f32
      %broadcast_in_dim3A_1504 = vector.broadcast %broadcast_in_dim3A_1503 : f32 to vector<16xf32>
      %get3A_1505 = arith.constant 0 : i32
      %get3A_1506 = arith.index_cast %get3A_1505 : i32 to index
      %get3A_1507 = arith.constant 96 : index
      %get3A_1508 = tpu.vector_load %arg11[%get3A_1506, %get3A_1507] {strides = array<i32>} : memref<16x128xf32, #tpu.memory_space<vmem>>, vector<16xf32>,
      %add3A_1509 = arith.addf %broadcast_in_dim3A_1502, %get3A_1508 : vector<16xf32>
      %get3A_1510 = arith.constant 0 : i32
      %get3A_1511 = arith.index_cast %get3A_1510 : i32 to index
      %get3A_1512 = arith.constant 96 : index
      %get3A_1513 = tpu.vector_load %arg12[%get3A_1511, %get3A_1512] {strides = array<i32>} : memref<16x128xf32, #tpu.memory_space<vmem>>, vector<16xf32>,
      %add3A_1514 = arith.addf %broadcast_in_dim3A_1504, %get3A_1513 : vector<16xf32>
      %get3A_1515 = arith.constant 1 : i32
      %get3A_1516 = arith.index_cast %get3A_1515 : i32 to index
      %get3A_1517 = arith.constant 96 : index
      %get3A_1518 = tpu.vector_load %arg11[%get3A_1516, %get3A_1517] {strides = array<i32>} : memref<16x128xf32, #tpu.memory_space<vmem>>, vector<16xf32>,
      %add3A_1519 = arith.addf %add3A_1509, %get3A_1518 : vector<16xf32>
      %get3A_1520 = arith.constant 1 : i32
      %get3A_1521 = arith.index_cast %get3A_1520 : i32 to index
      %get3A_1522 = arith.constant 96 : index
      %get3A_1523 = tpu.vector_load %arg12[%get3A_1521, %get3A_1522] {strides = array<i32>} : memref<16x128xf32, #tpu.memory_space<vmem>>, vector<16xf32>,
      %add3A_1524 = arith.addf %add3A_1514, %get3A_1523 : vector<16xf32>
      %get3A_1525 = arith.constant 2 : i32
      %get3A_1526 = arith.index_cast %get3A_1525 : i32 to index
      %get3A_1527 = arith.constant 96 : index
      %get3A_1528 = tpu.vector_load %arg11[%get3A_1526, %get3A_1527] {strides = array<i32>} : memref<16x128xf32, #tpu.memory_space<vmem>>, vector<16xf32>,
      %add3A_1529 = arith.addf %add3A_1519, %get3A_1528 : vector<16xf32>
      %get3A_1530 = arith.constant 2 : i32
      %get3A_1531 = arith.index_cast %get3A_1530 : i32 to index
      %get3A_1532 = arith.constant 96 : index
      %get3A_1533 = tpu.vector_load %arg12[%get3A_1531, %get3A_1532] {strides = array<i32>} : memref<16x128xf32, #tpu.memory_space<vmem>>, vector<16xf32>,
      %add3A_1534 = arith.addf %add3A_1524, %get3A_1533 : vector<16xf32>
      %get3A_1535 = arith.constant 3 : i32
      %get3A_1536 = arith.index_cast %get3A_1535 : i32 to index
      %get3A_1537 = arith.constant 96 : index
      %get3A_1538 = tpu.vector_load %arg11[%get3A_1536, %get3A_1537] {strides = array<i32>} : memref<16x128xf32, #tpu.memory_space<vmem>>, vector<16xf32>,
      %add3A_1539 = arith.addf %add3A_1529, %get3A_1538 : vector<16xf32>
      %get3A_1540 = arith.constant 3 : i32
      %get3A_1541 = arith.index_cast %get3A_1540 : i32 to index
      %get3A_1542 = arith.constant 96 : index
      %get3A_1543 = tpu.vector_load %arg12[%get3A_1541, %get3A_1542] {strides = array<i32>} : memref<16x128xf32, #tpu.memory_space<vmem>>, vector<16xf32>,
      %add3A_1544 = arith.addf %add3A_1534, %get3A_1543 : vector<16xf32>
      %get3A_1545 = arith.constant 4 : i32
      %get3A_1546 = arith.index_cast %get3A_1545 : i32 to index
      %get3A_1547 = arith.constant 96 : index
      %get3A_1548 = tpu.vector_load %arg11[%get3A_1546, %get3A_1547] {strides = array<i32>} : memref<16x128xf32, #tpu.memory_space<vmem>>, vector<16xf32>,
      %add3A_1549 = arith.addf %add3A_1539, %get3A_1548 : vector<16xf32>
      %get3A_1550 = arith.constant 4 : i32
      %get3A_1551 = arith.index_cast %get3A_1550 : i32 to index
      %get3A_1552 = arith.constant 96 : index
      %get3A_1553 = tpu.vector_load %arg12[%get3A_1551, %get3A_1552] {strides = array<i32>} : memref<16x128xf32, #tpu.memory_space<vmem>>, vector<16xf32>,
      %add3A_1554 = arith.addf %add3A_1544, %get3A_1553 : vector<16xf32>
      %get3A_1555 = arith.constant 5 : i32
      %get3A_1556 = arith.index_cast %get3A_1555 : i32 to index
      %get3A_1557 = arith.constant 96 : index
      %get3A_1558 = tpu.vector_load %arg11[%get3A_1556, %get3A_1557] {strides = array<i32>} : memref<16x128xf32, #tpu.memory_space<vmem>>, vector<16xf32>,
      %add3A_1559 = arith.addf %add3A_1549, %get3A_1558 : vector<16xf32>
      %get3A_1560 = arith.constant 5 : i32
      %get3A_1561 = arith.index_cast %get3A_1560 : i32 to index
      %get3A_1562 = arith.constant 96 : index
      %get3A_1563 = tpu.vector_load %arg12[%get3A_1561, %get3A_1562] {strides = array<i32>} : memref<16x128xf32, #tpu.memory_space<vmem>>, vector<16xf32>,
      %add3A_1564 = arith.addf %add3A_1554, %get3A_1563 : vector<16xf32>
      %get3A_1565 = arith.constant 6 : i32
      %get3A_1566 = arith.index_cast %get3A_1565 : i32 to index
      %get3A_1567 = arith.constant 96 : index
      %get3A_1568 = tpu.vector_load %arg11[%get3A_1566, %get3A_1567] {strides = array<i32>} : memref<16x128xf32, #tpu.memory_space<vmem>>, vector<16xf32>,
      %add3A_1569 = arith.addf %add3A_1559, %get3A_1568 : vector<16xf32>
      %get3A_1570 = arith.constant 6 : i32
      %get3A_1571 = arith.index_cast %get3A_1570 : i32 to index
      %get3A_1572 = arith.constant 96 : index
      %get3A_1573 = tpu.vector_load %arg12[%get3A_1571, %get3A_1572] {strides = array<i32>} : memref<16x128xf32, #tpu.memory_space<vmem>>, vector<16xf32>,
      %add3A_1574 = arith.addf %add3A_1564, %get3A_1573 : vector<16xf32>
      %get3A_1575 = arith.constant 7 : i32
      %get3A_1576 = arith.index_cast %get3A_1575 : i32 to index
      %get3A_1577 = arith.constant 96 : index
      %get3A_1578 = tpu.vector_load %arg11[%get3A_1576, %get3A_1577] {strides = array<i32>} : memref<16x128xf32, #tpu.memory_space<vmem>>, vector<16xf32>,
      %add3A_1579 = arith.addf %add3A_1569, %get3A_1578 : vector<16xf32>
      %get3A_1580 = arith.constant 7 : i32
      %get3A_1581 = arith.index_cast %get3A_1580 : i32 to index
      %get3A_1582 = arith.constant 96 : index
      %get3A_1583 = tpu.vector_load %arg12[%get3A_1581, %get3A_1582] {strides = array<i32>} : memref<16x128xf32, #tpu.memory_space<vmem>>, vector<16xf32>,
      %add3A_1584 = arith.addf %add3A_1574, %get3A_1583 : vector<16xf32>
      %get3A_1585 = arith.constant 8 : i32
      %get3A_1586 = arith.index_cast %get3A_1585 : i32 to index
      %get3A_1587 = arith.constant 96 : index
      %get3A_1588 = tpu.vector_load %arg11[%get3A_1586, %get3A_1587] {strides = array<i32>} : memref<16x128xf32, #tpu.memory_space<vmem>>, vector<16xf32>,
      %add3A_1589 = arith.addf %add3A_1579, %get3A_1588 : vector<16xf32>
      %get3A_1590 = arith.constant 8 : i32
      %get3A_1591 = arith.index_cast %get3A_1590 : i32 to index
      %get3A_1592 = arith.constant 96 : index
      %get3A_1593 = tpu.vector_load %arg12[%get3A_1591, %get3A_1592] {strides = array<i32>} : memref<16x128xf32, #tpu.memory_space<vmem>>, vector<16xf32>,
      %add3A_1594 = arith.addf %add3A_1584, %get3A_1593 : vector<16xf32>
      %get3A_1595 = arith.constant 9 : i32
      %get3A_1596 = arith.index_cast %get3A_1595 : i32 to index
      %get3A_1597 = arith.constant 96 : index
      %get3A_1598 = tpu.vector_load %arg11[%get3A_1596, %get3A_1597] {strides = array<i32>} : memref<16x128xf32, #tpu.memory_space<vmem>>, vector<16xf32>,
      %add3A_1599 = arith.addf %add3A_1589, %get3A_1598 : vector<16xf32>
      %get3A_1600 = arith.constant 9 : i32
      %get3A_1601 = arith.index_cast %get3A_1600 : i32 to index
      %get3A_1602 = arith.constant 96 : index
      %get3A_1603 = tpu.vector_load %arg12[%get3A_1601, %get3A_1602] {strides = array<i32>} : memref<16x128xf32, #tpu.memory_space<vmem>>, vector<16xf32>,
      %add3A_1604 = arith.addf %add3A_1594, %get3A_1603 : vector<16xf32>
      %get3A_1605 = arith.constant 10 : i32
      %get3A_1606 = arith.index_cast %get3A_1605 : i32 to index
      %get3A_1607 = arith.constant 96 : index
      %get3A_1608 = tpu.vector_load %arg11[%get3A_1606, %get3A_1607] {strides = array<i32>} : memref<16x128xf32, #tpu.memory_space<vmem>>, vector<16xf32>,
      %add3A_1609 = arith.addf %add3A_1599, %get3A_1608 : vector<16xf32>
      %get3A_1610 = arith.constant 10 : i32
      %get3A_1611 = arith.index_cast %get3A_1610 : i32 to index
      %get3A_1612 = arith.constant 96 : index
      %get3A_1613 = tpu.vector_load %arg12[%get3A_1611, %get3A_1612] {strides = array<i32>} : memref<16x128xf32, #tpu.memory_space<vmem>>, vector<16xf32>,
      %add3A_1614 = arith.addf %add3A_1604, %get3A_1613 : vector<16xf32>
      %get3A_1615 = arith.constant 11 : i32
      %get3A_1616 = arith.index_cast %get3A_1615 : i32 to index
      %get3A_1617 = arith.constant 96 : index
      %get3A_1618 = tpu.vector_load %arg11[%get3A_1616, %get3A_1617] {strides = array<i32>} : memref<16x128xf32, #tpu.memory_space<vmem>>, vector<16xf32>,
      %add3A_1619 = arith.addf %add3A_1609, %get3A_1618 : vector<16xf32>
      %get3A_1620 = arith.constant 11 : i32
      %get3A_1621 = arith.index_cast %get3A_1620 : i32 to index
      %get3A_1622 = arith.constant 96 : index
      %get3A_1623 = tpu.vector_load %arg12[%get3A_1621, %get3A_1622] {strides = array<i32>} : memref<16x128xf32, #tpu.memory_space<vmem>>, vector<16xf32>,
      %add3A_1624 = arith.addf %add3A_1614, %get3A_1623 : vector<16xf32>
      %get3A_1625 = arith.constant 12 : i32
      %get3A_1626 = arith.index_cast %get3A_1625 : i32 to index
      %get3A_1627 = arith.constant 96 : index
      %get3A_1628 = tpu.vector_load %arg11[%get3A_1626, %get3A_1627] {strides = array<i32>} : memref<16x128xf32, #tpu.memory_space<vmem>>, vector<16xf32>,
      %add3A_1629 = arith.addf %add3A_1619, %get3A_1628 : vector<16xf32>
      %get3A_1630 = arith.constant 12 : i32
      %get3A_1631 = arith.index_cast %get3A_1630 : i32 to index
      %get3A_1632 = arith.constant 96 : index
      %get3A_1633 = tpu.vector_load %arg12[%get3A_1631, %get3A_1632] {strides = array<i32>} : memref<16x128xf32, #tpu.memory_space<vmem>>, vector<16xf32>,
      %add3A_1634 = arith.addf %add3A_1624, %get3A_1633 : vector<16xf32>
      %get3A_1635 = arith.constant 13 : i32
      %get3A_1636 = arith.index_cast %get3A_1635 : i32 to index
      %get3A_1637 = arith.constant 96 : index
      %get3A_1638 = tpu.vector_load %arg11[%get3A_1636, %get3A_1637] {strides = array<i32>} : memref<16x128xf32, #tpu.memory_space<vmem>>, vector<16xf32>,
      %add3A_1639 = arith.addf %add3A_1629, %get3A_1638 : vector<16xf32>
      %get3A_1640 = arith.constant 13 : i32
      %get3A_1641 = arith.index_cast %get3A_1640 : i32 to index
      %get3A_1642 = arith.constant 96 : index
      %get3A_1643 = tpu.vector_load %arg12[%get3A_1641, %get3A_1642] {strides = array<i32>} : memref<16x128xf32, #tpu.memory_space<vmem>>, vector<16xf32>,
      %add3A_1644 = arith.addf %add3A_1634, %get3A_1643 : vector<16xf32>
      %get3A_1645 = arith.constant 14 : i32
      %get3A_1646 = arith.index_cast %get3A_1645 : i32 to index
      %get3A_1647 = arith.constant 96 : index
      %get3A_1648 = tpu.vector_load %arg11[%get3A_1646, %get3A_1647] {strides = array<i32>} : memref<16x128xf32, #tpu.memory_space<vmem>>, vector<16xf32>,
      %add3A_1649 = arith.addf %add3A_1639, %get3A_1648 : vector<16xf32>
      %get3A_1650 = arith.constant 14 : i32
      %get3A_1651 = arith.index_cast %get3A_1650 : i32 to index
      %get3A_1652 = arith.constant 96 : index
      %get3A_1653 = tpu.vector_load %arg12[%get3A_1651, %get3A_1652] {strides = array<i32>} : memref<16x128xf32, #tpu.memory_space<vmem>>, vector<16xf32>,
      %add3A_1654 = arith.addf %add3A_1644, %get3A_1653 : vector<16xf32>
      %get3A_1655 = arith.constant 15 : i32
      %get3A_1656 = arith.index_cast %get3A_1655 : i32 to index
      %get3A_1657 = arith.constant 96 : index
      %get3A_1658 = tpu.vector_load %arg11[%get3A_1656, %get3A_1657] {strides = array<i32>} : memref<16x128xf32, #tpu.memory_space<vmem>>, vector<16xf32>,
      %add3A_1659 = arith.addf %add3A_1649, %get3A_1658 : vector<16xf32>
      %get3A_1660 = arith.constant 15 : i32
      %get3A_1661 = arith.index_cast %get3A_1660 : i32 to index
      %get3A_1662 = arith.constant 96 : index
      %get3A_1663 = tpu.vector_load %arg12[%get3A_1661, %get3A_1662] {strides = array<i32>} : memref<16x128xf32, #tpu.memory_space<vmem>>, vector<16xf32>,
      %add3A_1664 = arith.addf %add3A_1654, %get3A_1663 : vector<16xf32>
      %max3A_1665 = arith.constant 1.000000e+00 : f32
      %max3A_1666 = vector.broadcast %max3A_1665 : f32 to vector<16xf32>
      %max3A_1667 = arith.maximumf %add3A_1664, %max3A_1666 : vector<16xf32>
      %div3A_1668 = arith.divf %max3A_1667, %add3A_1659 : vector<16xf32>
      %swap3A_1669 = arith.constant 96 : index
      %swap3A_1670 = tpu.vector_load %arg13[%swap3A_1669] {strides = array<i32>} : memref<1024xf32, #tpu.memory_space<vmem>>, vector<16xf32>,
      tpu.vector_store %arg13[%swap3A_1669], %div3A_1668 {strides = array<i32>} : memref<1024xf32, #tpu.memory_space<vmem>>, vector<16xf32>,
      %broadcast_in_dim3A_1671 = arith.constant 0.000000e+00 : f32
      %broadcast_in_dim3A_1672 = vector.broadcast %broadcast_in_dim3A_1671 : f32 to vector<16xf32>
      %broadcast_in_dim3A_1673 = arith.constant 0.000000e+00 : f32
      %broadcast_in_dim3A_1674 = vector.broadcast %broadcast_in_dim3A_1673 : f32 to vector<16xf32>
      %get3A_1675 = arith.constant 0 : i32
      %get3A_1676 = arith.index_cast %get3A_1675 : i32 to index
      %get3A_1677 = arith.constant 112 : index
      %get3A_1678 = tpu.vector_load %arg11[%get3A_1676, %get3A_1677] {strides = array<i32>} : memref<16x128xf32, #tpu.memory_space<vmem>>, vector<16xf32>,
      %add3A_1679 = arith.addf %broadcast_in_dim3A_1672, %get3A_1678 : vector<16xf32>
      %get3A_1680 = arith.constant 0 : i32
      %get3A_1681 = arith.index_cast %get3A_1680 : i32 to index
      %get3A_1682 = arith.constant 112 : index
      %get3A_1683 = tpu.vector_load %arg12[%get3A_1681, %get3A_1682] {strides = array<i32>} : memref<16x128xf32, #tpu.memory_space<vmem>>, vector<16xf32>,
      %add3A_1684 = arith.addf %broadcast_in_dim3A_1674, %get3A_1683 : vector<16xf32>
      %get3A_1685 = arith.constant 1 : i32
      %get3A_1686 = arith.index_cast %get3A_1685 : i32 to index
      %get3A_1687 = arith.constant 112 : index
      %get3A_1688 = tpu.vector_load %arg11[%get3A_1686, %get3A_1687] {strides = array<i32>} : memref<16x128xf32, #tpu.memory_space<vmem>>, vector<16xf32>,
      %add3A_1689 = arith.addf %add3A_1679, %get3A_1688 : vector<16xf32>
      %get3A_1690 = arith.constant 1 : i32
      %get3A_1691 = arith.index_cast %get3A_1690 : i32 to index
      %get3A_1692 = arith.constant 112 : index
      %get3A_1693 = tpu.vector_load %arg12[%get3A_1691, %get3A_1692] {strides = array<i32>} : memref<16x128xf32, #tpu.memory_space<vmem>>, vector<16xf32>,
      %add3A_1694 = arith.addf %add3A_1684, %get3A_1693 : vector<16xf32>
      %get3A_1695 = arith.constant 2 : i32
      %get3A_1696 = arith.index_cast %get3A_1695 : i32 to index
      %get3A_1697 = arith.constant 112 : index
      %get3A_1698 = tpu.vector_load %arg11[%get3A_1696, %get3A_1697] {strides = array<i32>} : memref<16x128xf32, #tpu.memory_space<vmem>>, vector<16xf32>,
      %add3A_1699 = arith.addf %add3A_1689, %get3A_1698 : vector<16xf32>
      %get3A_1700 = arith.constant 2 : i32
      %get3A_1701 = arith.index_cast %get3A_1700 : i32 to index
      %get3A_1702 = arith.constant 112 : index
      %get3A_1703 = tpu.vector_load %arg12[%get3A_1701, %get3A_1702] {strides = array<i32>} : memref<16x128xf32, #tpu.memory_space<vmem>>, vector<16xf32>,
      %add3A_1704 = arith.addf %add3A_1694, %get3A_1703 : vector<16xf32>
      %get3A_1705 = arith.constant 3 : i32
      %get3A_1706 = arith.index_cast %get3A_1705 : i32 to index
      %get3A_1707 = arith.constant 112 : index
      %get3A_1708 = tpu.vector_load %arg11[%get3A_1706, %get3A_1707] {strides = array<i32>} : memref<16x128xf32, #tpu.memory_space<vmem>>, vector<16xf32>,
      %add3A_1709 = arith.addf %add3A_1699, %get3A_1708 : vector<16xf32>
      %get3A_1710 = arith.constant 3 : i32
      %get3A_1711 = arith.index_cast %get3A_1710 : i32 to index
      %get3A_1712 = arith.constant 112 : index
      %get3A_1713 = tpu.vector_load %arg12[%get3A_1711, %get3A_1712] {strides = array<i32>} : memref<16x128xf32, #tpu.memory_space<vmem>>, vector<16xf32>,
      %add3A_1714 = arith.addf %add3A_1704, %get3A_1713 : vector<16xf32>
      %get3A_1715 = arith.constant 4 : i32
      %get3A_1716 = arith.index_cast %get3A_1715 : i32 to index
      %get3A_1717 = arith.constant 112 : index
      %get3A_1718 = tpu.vector_load %arg11[%get3A_1716, %get3A_1717] {strides = array<i32>} : memref<16x128xf32, #tpu.memory_space<vmem>>, vector<16xf32>,
      %add3A_1719 = arith.addf %add3A_1709, %get3A_1718 : vector<16xf32>
      %get3A_1720 = arith.constant 4 : i32
      %get3A_1721 = arith.index_cast %get3A_1720 : i32 to index
      %get3A_1722 = arith.constant 112 : index
      %get3A_1723 = tpu.vector_load %arg12[%get3A_1721, %get3A_1722] {strides = array<i32>} : memref<16x128xf32, #tpu.memory_space<vmem>>, vector<16xf32>,
      %add3A_1724 = arith.addf %add3A_1714, %get3A_1723 : vector<16xf32>
      %get3A_1725 = arith.constant 5 : i32
      %get3A_1726 = arith.index_cast %get3A_1725 : i32 to index
      %get3A_1727 = arith.constant 112 : index
      %get3A_1728 = tpu.vector_load %arg11[%get3A_1726, %get3A_1727] {strides = array<i32>} : memref<16x128xf32, #tpu.memory_space<vmem>>, vector<16xf32>,
      %add3A_1729 = arith.addf %add3A_1719, %get3A_1728 : vector<16xf32>
      %get3A_1730 = arith.constant 5 : i32
      %get3A_1731 = arith.index_cast %get3A_1730 : i32 to index
      %get3A_1732 = arith.constant 112 : index
      %get3A_1733 = tpu.vector_load %arg12[%get3A_1731, %get3A_1732] {strides = array<i32>} : memref<16x128xf32, #tpu.memory_space<vmem>>, vector<16xf32>,
      %add3A_1734 = arith.addf %add3A_1724, %get3A_1733 : vector<16xf32>
      %get3A_1735 = arith.constant 6 : i32
      %get3A_1736 = arith.index_cast %get3A_1735 : i32 to index
      %get3A_1737 = arith.constant 112 : index
      %get3A_1738 = tpu.vector_load %arg11[%get3A_1736, %get3A_1737] {strides = array<i32>} : memref<16x128xf32, #tpu.memory_space<vmem>>, vector<16xf32>,
      %add3A_1739 = arith.addf %add3A_1729, %get3A_1738 : vector<16xf32>
      %get3A_1740 = arith.constant 6 : i32
      %get3A_1741 = arith.index_cast %get3A_1740 : i32 to index
      %get3A_1742 = arith.constant 112 : index
      %get3A_1743 = tpu.vector_load %arg12[%get3A_1741, %get3A_1742] {strides = array<i32>} : memref<16x128xf32, #tpu.memory_space<vmem>>, vector<16xf32>,
      %add3A_1744 = arith.addf %add3A_1734, %get3A_1743 : vector<16xf32>
      %get3A_1745 = arith.constant 7 : i32
      %get3A_1746 = arith.index_cast %get3A_1745 : i32 to index
      %get3A_1747 = arith.constant 112 : index
      %get3A_1748 = tpu.vector_load %arg11[%get3A_1746, %get3A_1747] {strides = array<i32>} : memref<16x128xf32, #tpu.memory_space<vmem>>, vector<16xf32>,
      %add3A_1749 = arith.addf %add3A_1739, %get3A_1748 : vector<16xf32>
      %get3A_1750 = arith.constant 7 : i32
      %get3A_1751 = arith.index_cast %get3A_1750 : i32 to index
      %get3A_1752 = arith.constant 112 : index
      %get3A_1753 = tpu.vector_load %arg12[%get3A_1751, %get3A_1752] {strides = array<i32>} : memref<16x128xf32, #tpu.memory_space<vmem>>, vector<16xf32>,
      %add3A_1754 = arith.addf %add3A_1744, %get3A_1753 : vector<16xf32>
      %get3A_1755 = arith.constant 8 : i32
      %get3A_1756 = arith.index_cast %get3A_1755 : i32 to index
      %get3A_1757 = arith.constant 112 : index
      %get3A_1758 = tpu.vector_load %arg11[%get3A_1756, %get3A_1757] {strides = array<i32>} : memref<16x128xf32, #tpu.memory_space<vmem>>, vector<16xf32>,
      %add3A_1759 = arith.addf %add3A_1749, %get3A_1758 : vector<16xf32>
      %get3A_1760 = arith.constant 8 : i32
      %get3A_1761 = arith.index_cast %get3A_1760 : i32 to index
      %get3A_1762 = arith.constant 112 : index
      %get3A_1763 = tpu.vector_load %arg12[%get3A_1761, %get3A_1762] {strides = array<i32>} : memref<16x128xf32, #tpu.memory_space<vmem>>, vector<16xf32>,
      %add3A_1764 = arith.addf %add3A_1754, %get3A_1763 : vector<16xf32>
      %get3A_1765 = arith.constant 9 : i32
      %get3A_1766 = arith.index_cast %get3A_1765 : i32 to index
      %get3A_1767 = arith.constant 112 : index
      %get3A_1768 = tpu.vector_load %arg11[%get3A_1766, %get3A_1767] {strides = array<i32>} : memref<16x128xf32, #tpu.memory_space<vmem>>, vector<16xf32>,
      %add3A_1769 = arith.addf %add3A_1759, %get3A_1768 : vector<16xf32>
      %get3A_1770 = arith.constant 9 : i32
      %get3A_1771 = arith.index_cast %get3A_1770 : i32 to index
      %get3A_1772 = arith.constant 112 : index
      %get3A_1773 = tpu.vector_load %arg12[%get3A_1771, %get3A_1772] {strides = array<i32>} : memref<16x128xf32, #tpu.memory_space<vmem>>, vector<16xf32>,
      %add3A_1774 = arith.addf %add3A_1764, %get3A_1773 : vector<16xf32>
      %get3A_1775 = arith.constant 10 : i32
      %get3A_1776 = arith.index_cast %get3A_1775 : i32 to index
      %get3A_1777 = arith.constant 112 : index
      %get3A_1778 = tpu.vector_load %arg11[%get3A_1776, %get3A_1777] {strides = array<i32>} : memref<16x128xf32, #tpu.memory_space<vmem>>, vector<16xf32>,
      %add3A_1779 = arith.addf %add3A_1769, %get3A_1778 : vector<16xf32>
      %get3A_1780 = arith.constant 10 : i32
      %get3A_1781 = arith.index_cast %get3A_1780 : i32 to index
      %get3A_1782 = arith.constant 112 : index
      %get3A_1783 = tpu.vector_load %arg12[%get3A_1781, %get3A_1782] {strides = array<i32>} : memref<16x128xf32, #tpu.memory_space<vmem>>, vector<16xf32>,
      %add3A_1784 = arith.addf %add3A_1774, %get3A_1783 : vector<16xf32>
      %get3A_1785 = arith.constant 11 : i32
      %get3A_1786 = arith.index_cast %get3A_1785 : i32 to index
      %get3A_1787 = arith.constant 112 : index
      %get3A_1788 = tpu.vector_load %arg11[%get3A_1786, %get3A_1787] {strides = array<i32>} : memref<16x128xf32, #tpu.memory_space<vmem>>, vector<16xf32>,
      %add3A_1789 = arith.addf %add3A_1779, %get3A_1788 : vector<16xf32>
      %get3A_1790 = arith.constant 11 : i32
      %get3A_1791 = arith.index_cast %get3A_1790 : i32 to index
      %get3A_1792 = arith.constant 112 : index
      %get3A_1793 = tpu.vector_load %arg12[%get3A_1791, %get3A_1792] {strides = array<i32>} : memref<16x128xf32, #tpu.memory_space<vmem>>, vector<16xf32>,
      %add3A_1794 = arith.addf %add3A_1784, %get3A_1793 : vector<16xf32>
      %get3A_1795 = arith.constant 12 : i32
      %get3A_1796 = arith.index_cast %get3A_1795 : i32 to index
      %get3A_1797 = arith.constant 112 : index
      %get3A_1798 = tpu.vector_load %arg11[%get3A_1796, %get3A_1797] {strides = array<i32>} : memref<16x128xf32, #tpu.memory_space<vmem>>, vector<16xf32>,
      %add3A_1799 = arith.addf %add3A_1789, %get3A_1798 : vector<16xf32>
      %get3A_1800 = arith.constant 12 : i32
      %get3A_1801 = arith.index_cast %get3A_1800 : i32 to index
      %get3A_1802 = arith.constant 112 : index
      %get3A_1803 = tpu.vector_load %arg12[%get3A_1801, %get3A_1802] {strides = array<i32>} : memref<16x128xf32, #tpu.memory_space<vmem>>, vector<16xf32>,
      %add3A_1804 = arith.addf %add3A_1794, %get3A_1803 : vector<16xf32>
      %get3A_1805 = arith.constant 13 : i32
      %get3A_1806 = arith.index_cast %get3A_1805 : i32 to index
      %get3A_1807 = arith.constant 112 : index
      %get3A_1808 = tpu.vector_load %arg11[%get3A_1806, %get3A_1807] {strides = array<i32>} : memref<16x128xf32, #tpu.memory_space<vmem>>, vector<16xf32>,
      %add3A_1809 = arith.addf %add3A_1799, %get3A_1808 : vector<16xf32>
      %get3A_1810 = arith.constant 13 : i32
      %get3A_1811 = arith.index_cast %get3A_1810 : i32 to index
      %get3A_1812 = arith.constant 112 : index
      %get3A_1813 = tpu.vector_load %arg12[%get3A_1811, %get3A_1812] {strides = array<i32>} : memref<16x128xf32, #tpu.memory_space<vmem>>, vector<16xf32>,
      %add3A_1814 = arith.addf %add3A_1804, %get3A_1813 : vector<16xf32>
      %get3A_1815 = arith.constant 14 : i32
      %get3A_1816 = arith.index_cast %get3A_1815 : i32 to index
      %get3A_1817 = arith.constant 112 : index
      %get3A_1818 = tpu.vector_load %arg11[%get3A_1816, %get3A_1817] {strides = array<i32>} : memref<16x128xf32, #tpu.memory_space<vmem>>, vector<16xf32>,
      %add3A_1819 = arith.addf %add3A_1809, %get3A_1818 : vector<16xf32>
      %get3A_1820 = arith.constant 14 : i32
      %get3A_1821 = arith.index_cast %get3A_1820 : i32 to index
      %get3A_1822 = arith.constant 112 : index
      %get3A_1823 = tpu.vector_load %arg12[%get3A_1821, %get3A_1822] {strides = array<i32>} : memref<16x128xf32, #tpu.memory_space<vmem>>, vector<16xf32>,
      %add3A_1824 = arith.addf %add3A_1814, %get3A_1823 : vector<16xf32>
      %get3A_1825 = arith.constant 15 : i32
      %get3A_1826 = arith.index_cast %get3A_1825 : i32 to index
      %get3A_1827 = arith.constant 112 : index
      %get3A_1828 = tpu.vector_load %arg11[%get3A_1826, %get3A_1827] {strides = array<i32>} : memref<16x128xf32, #tpu.memory_space<vmem>>, vector<16xf32>,
      %add3A_1829 = arith.addf %add3A_1819, %get3A_1828 : vector<16xf32>
      %get3A_1830 = arith.constant 15 : i32
      %get3A_1831 = arith.index_cast %get3A_1830 : i32 to index
      %get3A_1832 = arith.constant 112 : index
      %get3A_1833 = tpu.vector_load %arg12[%get3A_1831, %get3A_1832] {strides = array<i32>} : memref<16x128xf32, #tpu.memory_space<vmem>>, vector<16xf32>,
      %add3A_1834 = arith.addf %add3A_1824, %get3A_1833 : vector<16xf32>
      %max3A_1835 = arith.constant 1.000000e+00 : f32
      %max3A_1836 = vector.broadcast %max3A_1835 : f32 to vector<16xf32>
      %max3A_1837 = arith.maximumf %add3A_1834, %max3A_1836 : vector<16xf32>
      %div3A_1838 = arith.divf %max3A_1837, %add3A_1829 : vector<16xf32>
      %swap3A_1839 = arith.constant 112 : index
      %swap3A_1840 = tpu.vector_load %arg13[%swap3A_1839] {strides = array<i32>} : memref<1024xf32, #tpu.memory_space<vmem>>, vector<16xf32>,
      tpu.vector_store %arg13[%swap3A_1839], %div3A_1838 {strides = array<i32>} : memref<1024xf32, #tpu.memory_space<vmem>>, vector<16xf32>,
      "tpu.region"() ({
        %run_scoped3A = tpu.sem_alloc : memref<!tpu.dma_semaphore, #tpu.memory_space<semaphore_mem>>
        %dma_start3A_1841 = arith.constant 0 : i32
        %dma_start3A_1842 = tpu.memref_slice %arg13[%dma_start3A_1841] : memref<1024xf32, #tpu.memory_space<vmem>> -> memref<128xf32, #tpu.memory_space<vmem>>
        %dma_start3A_1843 = tpu.memref_slice %arg15[%mul3A_479] : memref<1024xf32, #tpu.memory_space<vmem_shared>> -> memref<128xf32, #tpu.memory_space<vmem_shared>>
        %dma_start3A_1844 = tpu.memref_slice %arg15[%mul3A_479] : memref<1024xf32, #tpu.memory_space<vmem_shared>> -> memref<128xf32, #tpu.memory_space<vmem_shared>>
        %dma_start3A_1845 = arith.constant 0 : i32
        %dma_start3A_1846 = tpu.memref_slice %arg13[%dma_start3A_1845] : memref<1024xf32, #tpu.memory_space<vmem>> -> memref<128xf32, #tpu.memory_space<vmem>>
        tpu.enqueue_dma source(%dma_start3A_1846 : memref<128xf32, #tpu.memory_space<vmem>>) target(%dma_start3A_1844 : memref<128xf32, #tpu.memory_space<vmem_shared>>) target_semaphore(%run_scoped3A : memref<!tpu.dma_semaphore, #tpu.memory_space<semaphore_mem>>)
        %dma_wait3A_1847 = arith.constant 0 : i32
        %dma_wait3A_1848 = tpu.memref_slice %arg13[%dma_wait3A_1847] : memref<1024xf32, #tpu.memory_space<vmem>> -> memref<128xf32, #tpu.memory_space<vmem>>
        %dma_wait3A_1849 = tpu.memref_slice %arg15[%mul3A_479] : memref<1024xf32, #tpu.memory_space<vmem_shared>> -> memref<128xf32, #tpu.memory_space<vmem_shared>>
        %dma_wait3A_1850 = tpu.memref_slice %arg15[%mul3A_479] : memref<1024xf32, #tpu.memory_space<vmem_shared>> -> memref<128xf32, #tpu.memory_space<vmem_shared>>
        %dma_wait3A_1851 = arith.constant 0 : i32
        %dma_wait3A_1852 = tpu.memref_slice %arg13[%dma_wait3A_1851] : memref<1024xf32, #tpu.memory_space<vmem>> -> memref<128xf32, #tpu.memory_space<vmem>>
        tpu.wait_dma2 semaphore(%run_scoped3A : memref<!tpu.dma_semaphore, #tpu.memory_space<semaphore_mem>>) src(%dma_wait3A_1852 : memref<128xf32, #tpu.memory_space<vmem>>) dst(%dma_wait3A_1850 : memref<128xf32, #tpu.memory_space<vmem_shared>>)
        tpu.yield
      }) : () -> ()
    } else {
    }
    %barrier3A_450 = arith.constant 0 : index
    tpu.barrier barrier_id(%barrier3A_450)
    "tpu.region"() ({
      %run_scoped3A = tpu.sem_alloc : memref<!tpu.dma_semaphore, #tpu.memory_space<semaphore_mem>>
      tpu.enqueue_dma source(%arg15 : memref<1024xf32, #tpu.memory_space<vmem_shared>>) target(%arg13 : memref<1024xf32, #tpu.memory_space<vmem>>) target_semaphore(%run_scoped3A : memref<!tpu.dma_semaphore, #tpu.memory_space<semaphore_mem>>)
      tpu.wait_dma2 semaphore(%run_scoped3A : memref<!tpu.dma_semaphore, #tpu.memory_space<semaphore_mem>>) src(%arg15 : memref<1024xf32, #tpu.memory_space<vmem_shared>>) dst(%arg13 : memref<1024xf32, #tpu.memory_space<vmem>>)
      tpu.yield
    }) : () -> ()
    %parallel_loop3A_451 = arith.constant 0 : i32
    %parallel_loop3A_452 = arith.constant 3136 : i32
    %parallel_loop3A_453 = arith.constant 16 : i32
    scf.for %parallel_loop3A_478 = %parallel_loop3A_451 to %parallel_loop3A_452 step %parallel_loop3A_453  : i32 {
      %parallel_loop3A_479 = arith.index_cast %parallel_loop3A_478 : i32 to index
      %parallel_loop3A_480 = tpu.vector_load %arg7[%parallel_loop3A_479] {strides = array<i32>} : memref<6272xi32, #tpu.memory_space<vmem>>, vector<16xi32>,
      %parallel_loop3A_481 = arith.index_cast %parallel_loop3A_478 : i32 to index
      %parallel_loop3A_482 = tpu.vector_load %arg8[%parallel_loop3A_481] {strides = array<i32>} : memref<6256xf32, #tpu.memory_space<vmem>>, vector<16xf32>,
      %parallel_loop3A_483 = tpu.vector_load_idx %arg13[%parallel_loop3A_480] : memref<1024xf32, #tpu.memory_space<vmem>>[vector<16xi32>], vector<16xf32>,
      %parallel_loop3A_484 = arith.mulf %parallel_loop3A_482, %parallel_loop3A_483 : vector<16xf32>
      %parallel_loop3A_485 = arith.index_cast %parallel_loop3A_478 : i32 to index
      %parallel_loop3A_486 = tpu.vector_load %arg8[%parallel_loop3A_485] {strides = array<i32>} : memref<6256xf32, #tpu.memory_space<vmem>>, vector<16xf32>,
      tpu.vector_store %arg8[%parallel_loop3A_485], %parallel_loop3A_484 {strides = array<i32>} : memref<6256xf32, #tpu.memory_space<vmem>>, vector<16xf32>,
    } {sc.loop_unroll_factor = 4 : i64, sc.parallel_access}
    %dma_start3A_454 = arith.constant 0 : i32
    %dma_start3A_455 = tpu.memref_slice %arg8[%dma_start3A_454] : memref<6256xf32, #tpu.memory_space<vmem>> -> memref<3136xf32, #tpu.memory_space<vmem>>
    %dma_start3A_456 = tpu.memref_slice %arg5[%mul3A_0] : memref<100000xf32, #tpu.memory_space<hbm>> -> memref<3136xf32, #tpu.memory_space<hbm>>
    %dma_start3A_457 = tpu.memref_slice %arg5[%mul3A_0] : memref<100000xf32, #tpu.memory_space<hbm>> -> memref<3136xf32, #tpu.memory_space<hbm>>
    %dma_start3A_458 = arith.constant 0 : i32
    %dma_start3A_459 = tpu.memref_slice %arg8[%dma_start3A_458] : memref<6256xf32, #tpu.memory_space<vmem>> -> memref<3136xf32, #tpu.memory_space<vmem>>
    tpu.enqueue_dma source(%dma_start3A_459 : memref<3136xf32, #tpu.memory_space<vmem>>) target(%dma_start3A_457 : memref<3136xf32, #tpu.memory_space<hbm>>) target_semaphore(%arg16 : memref<!tpu.dma_semaphore, #tpu.memory_space<semaphore_mem>>)
    %parallel_loop3A_460 = arith.constant 3136 : i32
    %parallel_loop3A_461 = arith.constant 16 : i32
    scf.for %parallel_loop3A_478 = %parallel_loop3A_460 to %select_n3A step %parallel_loop3A_461  : i32 {
      %parallel_loop3A_479 = arith.index_cast %parallel_loop3A_478 : i32 to index
      %parallel_loop3A_480 = tpu.vector_load %arg7[%parallel_loop3A_479] {strides = array<i32>} : memref<6272xi32, #tpu.memory_space<vmem>>, vector<16xi32>,
      %parallel_loop3A_481 = arith.index_cast %parallel_loop3A_478 : i32 to index
      %parallel_loop3A_482 = tpu.vector_load %arg8[%parallel_loop3A_481] {strides = array<i32>} : memref<6256xf32, #tpu.memory_space<vmem>>, vector<16xf32>,
      %parallel_loop3A_483 = tpu.vector_load_idx %arg13[%parallel_loop3A_480] : memref<1024xf32, #tpu.memory_space<vmem>>[vector<16xi32>], vector<16xf32>,
      %parallel_loop3A_484 = arith.mulf %parallel_loop3A_482, %parallel_loop3A_483 : vector<16xf32>
      %parallel_loop3A_485 = arith.index_cast %parallel_loop3A_478 : i32 to index
      %parallel_loop3A_486 = tpu.vector_load %arg8[%parallel_loop3A_485] {strides = array<i32>} : memref<6256xf32, #tpu.memory_space<vmem>>, vector<16xf32>,
      tpu.vector_store %arg8[%parallel_loop3A_485], %parallel_loop3A_484 {strides = array<i32>} : memref<6256xf32, #tpu.memory_space<vmem>>, vector<16xf32>,
    } {sc.loop_unroll_factor = 4 : i64, sc.parallel_access}
    %lt3A_462 = arith.constant 15 : i32
    %lt3A_463 = arith.cmpi slt, %arg1, %lt3A_462 : i32
    %convert_element_type3A_464 = arith.extui %lt3A_463 : i1 to i32
    %cond3A_465 = arith.constant 0 : i32
    %cond3A_466 = arith.cmpi ne, %convert_element_type3A_464, %cond3A_465 : i32
    scf.if %cond3A_466 {
      %add3A_478 = arith.constant 3136 : i32
      %add3A_479 = arith.addi %mul3A_0, %add3A_478 : i32
      "tpu.region"() ({
        %run_scoped3A = tpu.sem_alloc : memref<!tpu.dma_semaphore, #tpu.memory_space<semaphore_mem>>
        %dma_start3A_480 = arith.constant 3136 : i32
        %dma_start3A_481 = tpu.memref_slice %arg8[%dma_start3A_480] : memref<6256xf32, #tpu.memory_space<vmem>> -> memref<3120xf32, #tpu.memory_space<vmem>>
        %dma_start3A_482 = tpu.memref_slice %arg5[%add3A_479] : memref<100000xf32, #tpu.memory_space<hbm>> -> memref<3120xf32, #tpu.memory_space<hbm>>
        %dma_start3A_483 = tpu.memref_slice %arg5[%add3A_479] : memref<100000xf32, #tpu.memory_space<hbm>> -> memref<3120xf32, #tpu.memory_space<hbm>>
        %dma_start3A_484 = arith.constant 3136 : i32
        %dma_start3A_485 = tpu.memref_slice %arg8[%dma_start3A_484] : memref<6256xf32, #tpu.memory_space<vmem>> -> memref<3120xf32, #tpu.memory_space<vmem>>
        tpu.enqueue_dma source(%dma_start3A_485 : memref<3120xf32, #tpu.memory_space<vmem>>) target(%dma_start3A_483 : memref<3120xf32, #tpu.memory_space<hbm>>) target_semaphore(%run_scoped3A : memref<!tpu.dma_semaphore, #tpu.memory_space<semaphore_mem>>)
        %dma_wait3A_486 = arith.constant 3136 : i32
        %dma_wait3A_487 = tpu.memref_slice %arg8[%dma_wait3A_486] : memref<6256xf32, #tpu.memory_space<vmem>> -> memref<3120xf32, #tpu.memory_space<vmem>>
        %dma_wait3A_488 = tpu.memref_slice %arg5[%add3A_479] : memref<100000xf32, #tpu.memory_space<hbm>> -> memref<3120xf32, #tpu.memory_space<hbm>>
        %dma_wait3A_489 = tpu.memref_slice %arg5[%add3A_479] : memref<100000xf32, #tpu.memory_space<hbm>> -> memref<3120xf32, #tpu.memory_space<hbm>>
        %dma_wait3A_490 = arith.constant 3136 : i32
        %dma_wait3A_491 = tpu.memref_slice %arg8[%dma_wait3A_490] : memref<6256xf32, #tpu.memory_space<vmem>> -> memref<3120xf32, #tpu.memory_space<vmem>>
        tpu.wait_dma2 semaphore(%run_scoped3A : memref<!tpu.dma_semaphore, #tpu.memory_space<semaphore_mem>>) src(%dma_wait3A_491 : memref<3120xf32, #tpu.memory_space<vmem>>) dst(%dma_wait3A_489 : memref<3120xf32, #tpu.memory_space<hbm>>)
        tpu.yield
      }) : () -> ()
    } else {
    }
    %eq3A_467 = arith.constant 15 : i32
    %eq3A_468 = arith.cmpi eq, %arg1, %eq3A_467 : i32
    %convert_element_type3A_469 = arith.extui %eq3A_468 : i1 to i32
    %cond3A_470 = arith.constant 0 : i32
    %cond3A_471 = arith.cmpi ne, %convert_element_type3A_469, %cond3A_470 : i32
    scf.if %cond3A_471 {
      %add3A_478 = arith.constant 3136 : i32
      %add3A_479 = arith.addi %mul3A_0, %add3A_478 : i32
      "tpu.region"() ({
        %run_scoped3A = tpu.sem_alloc : memref<!tpu.dma_semaphore, #tpu.memory_space<semaphore_mem>>
        %dma_start3A_480 = arith.constant 3136 : i32
        %dma_start3A_481 = tpu.memref_slice %arg8[%dma_start3A_480] : memref<6256xf32, #tpu.memory_space<vmem>> -> memref<3024xf32, #tpu.memory_space<vmem>>
        %dma_start3A_482 = tpu.memref_slice %arg5[%add3A_479] : memref<100000xf32, #tpu.memory_space<hbm>> -> memref<3024xf32, #tpu.memory_space<hbm>>
        %dma_start3A_483 = tpu.memref_slice %arg5[%add3A_479] : memref<100000xf32, #tpu.memory_space<hbm>> -> memref<3024xf32, #tpu.memory_space<hbm>>
        %dma_start3A_484 = arith.constant 3136 : i32
        %dma_start3A_485 = tpu.memref_slice %arg8[%dma_start3A_484] : memref<6256xf32, #tpu.memory_space<vmem>> -> memref<3024xf32, #tpu.memory_space<vmem>>
        tpu.enqueue_dma source(%dma_start3A_485 : memref<3024xf32, #tpu.memory_space<vmem>>) target(%dma_start3A_483 : memref<3024xf32, #tpu.memory_space<hbm>>) target_semaphore(%run_scoped3A : memref<!tpu.dma_semaphore, #tpu.memory_space<semaphore_mem>>)
        %dma_wait3A_486 = arith.constant 3136 : i32
        %dma_wait3A_487 = tpu.memref_slice %arg8[%dma_wait3A_486] : memref<6256xf32, #tpu.memory_space<vmem>> -> memref<3024xf32, #tpu.memory_space<vmem>>
        %dma_wait3A_488 = tpu.memref_slice %arg5[%add3A_479] : memref<100000xf32, #tpu.memory_space<hbm>> -> memref<3024xf32, #tpu.memory_space<hbm>>
        %dma_wait3A_489 = tpu.memref_slice %arg5[%add3A_479] : memref<100000xf32, #tpu.memory_space<hbm>> -> memref<3024xf32, #tpu.memory_space<hbm>>
        %dma_wait3A_490 = arith.constant 3136 : i32
        %dma_wait3A_491 = tpu.memref_slice %arg8[%dma_wait3A_490] : memref<6256xf32, #tpu.memory_space<vmem>> -> memref<3024xf32, #tpu.memory_space<vmem>>
        tpu.wait_dma2 semaphore(%run_scoped3A : memref<!tpu.dma_semaphore, #tpu.memory_space<semaphore_mem>>) src(%dma_wait3A_491 : memref<3024xf32, #tpu.memory_space<vmem>>) dst(%dma_wait3A_489 : memref<3024xf32, #tpu.memory_space<hbm>>)
        tpu.yield
      }) : () -> ()
    } else {
    }
    %dma_wait3A_472 = arith.constant 0 : i32
    %dma_wait3A_473 = tpu.memref_slice %arg8[%dma_wait3A_472] : memref<6256xf32, #tpu.memory_space<vmem>> -> memref<3136xf32, #tpu.memory_space<vmem>>
    %dma_wait3A_474 = tpu.memref_slice %arg5[%mul3A_0] : memref<100000xf32, #tpu.memory_space<hbm>> -> memref<3136xf32, #tpu.memory_space<hbm>>
    %dma_wait3A_475 = tpu.memref_slice %arg5[%mul3A_0] : memref<100000xf32, #tpu.memory_space<hbm>> -> memref<3136xf32, #tpu.memory_space<hbm>>
    %dma_wait3A_476 = arith.constant 0 : i32
    %dma_wait3A_477 = tpu.memref_slice %arg8[%dma_wait3A_476] : memref<6256xf32, #tpu.memory_space<vmem>> -> memref<3136xf32, #tpu.memory_space<vmem>>
    tpu.wait_dma2 semaphore(%arg16 : memref<!tpu.dma_semaphore, #tpu.memory_space<semaphore_mem>>) src(%dma_wait3A_477 : memref<3136xf32, #tpu.memory_space<vmem>>) dst(%dma_wait3A_475 : memref<3136xf32, #tpu.memory_space<hbm>>)
    return
  }
}

</mosaic_0001>

<sc_bundles>
// kernel: kernel.3.cloned.1.call-start
scs
__scs_entry_jumppad:
0x0: {  	(pc) =	sbr.rel $0x88, $3  }
0x1: {  	(tag) =	ssettag $0x0;
	lr =	simm.s32 $0x1  }
0x2: {  	[smem:$0x3F9E] =	sst lr;
	_ =	strace $0xD0000000  }
0x3: {  	_ = 	snop  }
0x4: {  	_ = 	snop  }
0x5: {  	_ = 	snop  }
0x6: {  	_ = 	snop  }
0x7: {  	_ = 	snop  }
__scs_overlays_trampoline_lowered:
0x8: {  	[smem:$0x3FAD] =	sst s0  }
0x9: {  	[smem:$0x3FAE] =	sst s1  }
0xa: {  	[smem:$0x3FAF] =	sst s2  }
0xb: {  	[smem:$0x3FB0] =	sst s3  }
0xc: {  	[smem:$0x3FB1] =	sst s4  }
0xd: {  	[smem:$0x3FB2] =	sst s5  }
0xe: {  	[smem:$0x3FB3] =	sst s6  }
0xf: {  	[smem:$0x3FB4] =	sst s7  }
0x10: {  	[smem:$0x3FB5] =	sst s8  }
0x11: {  	[smem:$0x3FB6] =	sst s9;
	s0 =	simm.s32 @!p0 $0x0  }
0x12: {  	s1 =	sld [smem:$0x3F9C];
	s0 =	simm.s32 @p0 $0x1  }
0x13: {  	[smem:$0x3FB7] =	sst s0;
	s0 =	simm.s32 @!p1 $0x0  }
0x14: {  	s2 =	sld [smem:$0x3F9B];
	s0 =	simm.s32 @p1 $0x1  }
0x15: {  	[smem:$0x3FB8] =	sst s0;
	s0 =	simm.s32 @!p2 $0x0  }
0x16: {  	s3 =	sld [smem:$0x3FDB];
	s0 =	simm.s32 @p2 $0x1  }
0x17: {  	s4 =	simm.s32 $0x1BF5;
	[smem:$0x3FBA] =	sst s0  }
0x18: {  	s0 =	sld [smem:$0x3F9D];
	_ =	swait.ge [sflag:s4], $0x0  }
0x19: {  	s7 =	sld [smem:$0x3F9E]  }
0x1a: {  	s8 =	sadd.s32 $0xFFFFE003, lr  }
0x1b: {  	s9 =	sadd.s32 $0xFFFFFEF7, lr;
	s5 =	simm.s32 $0xFFFFFFFF;
	p2 =	slt.u32 s8, $0xFFFFF086  }
0x1c: {  	p1 =	slt.u32 s9, $0xF7A;
	s5 =	simm.s32 @!p2 $0x0  }
0x1d: {  	s5 =	simm.s32 @p1 $0x1;
	p0 =	seq.s32 s7, s2  }
0x1e: {  	s7 =	smul.u32 @!p0 $0xF7A, s2;
	p2 =	seq.s32 @!p0 s5, $0x0  }
0x1f: {  	s9 =	smul.u32 $0xF7A, s1;
	s8 =	simm.s32 @!p0 $0x1BF5;
	p2 =	por !p2, p0  }
0x20: {  	[sflag:s8] =	ssyncset.s32 @!p0 $0xFFFFF086;
	s6 =	sadd.s32 @!p0 s3, s7;
	s7 =	simm.s32 @!p0 $0x108  }
0x21: {  	s3 =	sadd.s32 s3, s9;
	s6 =	sadd.s32 @!p0 $0x88, s6;
	s7 =	simm.s32 @p2 $0x1082  }
0x22: {  	[simem:s7], [sflag:s8] =	dma.local @!p0 [hbm:s6], $0xF7A  }
0x23: {  	s9 =	sor.u32 $0xD0000000, s2;
	s6 =	simm.s32 $0x108;
	_ =	swait.ge @!p0 [sflag:s8], $0x0  }
0x24: {  	s3 =	sadd.s32 $0x88, s3;
	s6 =	simm.s32 @!p1 $0x1082;
	[sflag:s4] =	ssyncset.s32 $0xFFFFF086  }
0x25: {  	[simem:s6], [sflag:s4] =	dma.local [hbm:s3], $0xF7A  }
0x26: {  	[smem:$0x3F9E] =	sst s1;
	(tag) =	ssettag s2;
	_ =	strace s9  }
0x27: {  	s1 =	sld [smem:$0x3FAE]  }
0x28: {  	s2 =	sld [smem:$0x3FAF]  }
0x29: {  	s4 =	sld [smem:$0x3FB1]  }
0x2a: {  	p0 =	seq.s32 s5, $0x0;
	s5 =	sld [smem:$0x3FB2]  }
0x2b: {  	s6 =	sld [smem:$0x3FB3]  }
0x2c: {  	s7 =	sld [smem:$0x3FB4]  }
0x2d: {  	s3 =	simm.s32 $0x108;
	s8 =	sld [smem:$0x3FB5]  }
0x2e: {  	s3 =	simm.s32 @!p0 $0x1082;
	s9 =	sld [smem:$0x3FB6]  }
0x2f: {  	lr =	sadd.s32 s0, s3;
	s0 =	sld [smem:$0x3FAD]  }
0x30: {  	s3 =	sld [smem:$0x3FB0]  }
0x31: {  	[smem:$0x3FB9] =	sst s10  }
0x32: {  	s10 =	sld [smem:$0x3FB7];
	_ =	sdelay $0x3  }
0x33: {  	p0 =	seq.s32 s10, $0x1;
	s10 =	sld [smem:$0x3FB9];
	_ =	sdelay $0x3  }
0x34: {  	[smem:$0x3FB9] =	sst s10  }
0x35: {  	s10 =	sld [smem:$0x3FB8];
	_ =	sdelay $0x3  }
0x36: {  	p1 =	seq.s32 s10, $0x1;
	s10 =	sld [smem:$0x3FB9];
	_ =	sdelay $0x3  }
0x37: {  	[smem:$0x3FB9] =	sst s10  }
0x38: {  	s10 =	sld [smem:$0x3FBA]  }
0x39: {  	_ = 	snop;
	(pc) =	sbr.ind lr, $3  }
0x3a: {  	_ = 	snop  }
0x3b: {  	_ = 	snop  }
0x3c: {  	p2 =	seq.s32 s10, $0x1;
	s10 =	sld [smem:$0x3FB9]  }
0x3d: {  	_ =	shalt  }
0x3e: {  	_ =	shalt  }
0x3f: {  	_ =	shalt  }
0x40: {  	_ =	shalt  }
0x41: {  	_ =	shalt  }
0x42: {  	_ =	shalt  }
0x43: {  	_ =	shalt  }
0x44: {  	_ =	shalt  }
0x45: {  	_ =	shalt  }
0x46: {  	_ =	shalt  }
0x47: {  	_ =	shalt  }
0x48: {  	_ =	shalt  }
0x49: {  	_ =	shalt  }
0x4a: {  	_ =	shalt  }
0x4b: {  	_ =	shalt  }
0x4c: {  	_ =	shalt  }
0x4d: {  	_ =	shalt  }
0x4e: {  	_ =	shalt  }
0x4f: {  	_ =	shalt  }
0x50: {  	_ =	shalt  }
0x51: {  	_ =	shalt  }
0x52: {  	_ =	shalt  }
0x53: {  	_ =	shalt  }
0x54: {  	_ =	shalt  }
0x55: {  	_ =	shalt  }
0x56: {  	_ =	shalt  }
0x57: {  	_ =	shalt  }
0x58: {  	_ =	shalt  }
0x59: {  	_ =	shalt  }
0x5a: {  	_ =	shalt  }
0x5b: {  	_ =	shalt  }
0x5c: {  	_ =	shalt  }
0x5d: {  	_ =	shalt  }
0x5e: {  	_ =	shalt  }
0x5f: {  	_ =	shalt  }
0x60: {  	_ =	shalt  }
0x61: {  	_ =	shalt  }
0x62: {  	_ =	shalt  }
0x63: {  	_ =	shalt  }
0x64: {  	_ =	shalt  }
0x65: {  	_ =	shalt  }
0x66: {  	_ =	shalt  }
0x67: {  	_ =	shalt  }
0x68: {  	_ =	shalt  }
0x69: {  	_ =	shalt  }
0x6a: {  	_ =	shalt  }
0x6b: {  	_ =	shalt  }
0x6c: {  	_ =	shalt  }
0x6d: {  	_ =	shalt  }
0x6e: {  	_ =	shalt  }
0x6f: {  	_ =	shalt  }
0x70: {  	_ =	shalt  }
0x71: {  	_ =	shalt  }
0x72: {  	_ =	shalt  }
0x73: {  	_ =	shalt  }
0x74: {  	_ =	shalt  }
0x75: {  	_ =	shalt  }
0x76: {  	_ =	shalt  }
0x77: {  	_ =	shalt  }
0x78: {  	_ =	shalt  }
0x79: {  	_ =	shalt  }
0x7a: {  	_ =	shalt  }
0x7b: {  	_ =	shalt  }
0x7c: {  	_ =	shalt  }
0x7d: {  	_ =	shalt  }
0x7e: {  	_ =	shalt  }
0x7f: {  	_ =	shalt  }
0x80: {  	_ =	shalt  }
0x81: {  	_ =	shalt  }
0x82: {  	_ =	shalt  }
0x83: {  	_ =	shalt  }
0x84: {  	_ =	shalt  }
0x85: {  	_ =	shalt  }
0x86: {  	_ =	shalt  }
0x87: {  	_ =	shalt  }
.Lfunc_end0:
.L_simem_size_0:
called_computation_lowered:
.L_overlay_start_0:
0x88: {  	s0 =	sld [smem:$0x3FD9]  }
0x89: {  	s1 =	sld [smem:$0x3FFE];
	_ =	sdelay $0x3  }
0x8a: {  	s0 =	sadd.s32 s1, s0  }
0x8b: {  	[smem:$0x3FC5] =	sst s0  }
0x8c: {  	_ = 	snop  }
0x8d: {  	s0 =	sld [smem:$0x3FC9]  }
0x8e: {  	s17 =	sld [smem:$0x3FC8]  }
0x8f: {  	s2 =	sld [smem:$0x3FC7]  }
0x90: {  	s3 =	sld [smem:$0x3FD0];
	(tm) =	ssettm $0x1  }
0x91: {  	s4 =	sld [smem:$0x3FFB];
	_ =	sdelay $0x3  }
0x92: {  	_ =	strace s4  }
0x93: {  	s4 =	sld [smem:$0x3FFC];
	_ =	sdelay $0x3  }
0x94: {  	_ =	strace s4  }
0x95: {  	s4 =	sld [smem:$0x3FFD];
	_ =	sdelay $0x3  }
0x96: {  	_ =	strace s4  }
0x97: {  	_ =	strace $0x8FFFFFFF  }
0x98: {  	s18 =	sld [smem:$0x3FDB];
	_ =	sdelay $0x1  }
0x99: {  	s5 =	simm.s32 $_scs_section_size  }
0x9a: {  	s6 =	simm.s32 $_size__tile_overlayer_lowered;
	s7 =	simm.s32 $_tile_overlayer_lowered  }
0x9b: {  	s21 =	simm.s32 $0x1BFF;
	s20 =	sshll.u32 s7, $0x1;
	s4 =	sadd.s32 s5, s18  }
0x9c: {  	s8 =	simm.s32 $0x0;
	s19 =	sshll.u32 s6, $0x1;
	s6 =	sadd.s32 s20, s4  }
0x9d: {  	[timem:s8], [sflag:s21] =	dma.local [hbm:s6], s19  }
0x9e: {  	_ =	swait.ge [sflag:s21], s19  }
0x9f: {  	s5 =	ssub.s32 $0x0, s19;
	[sflag:s21] =	ssyncset.done $0x0  }
0xa0: {  	[sflag:s21] =	ssyncadd.s32 s5;
	_ =	sdelay $0x1  }
0xa1: {  	s22 =	simm.s32 $0x1B8B  }
0xa2: {  	_ =	swait.ge [sflag:s22], $0x1  }
0xa3: {  	[sflag:s22] =	ssyncset.done $0x0  }
0xa4: {  	s23 =	simm.s32 $0x1B8E;
	[sflag:s22] =	ssyncadd.s32 $0xFFFFFFFF  }
0xa5: {  	s24 =	simm.s32 $execute0_lowered;
	[smem:$0x3FD2] =	sst s23  }
0xa6: {  	s5 =	sshll.u32 s24, $0x1;
	_ =	strace $0x80000046;
	[dreg:$0x1] =	wrdreg $0xFFFFFFFF  }
0xa7: {  	s25 =	simm.s32 $_size_execute0_lowered;
	s4 =	sadd.s32 s4, s5;
	[dreg:$0x0] =	wrdreg $0x0  }
0xa8: {  	s5 =	sshll.u32 s25, $0x1;
	[dreg:$0x2] =	wrdreg s4  }
0xa9: {  	[dreg:$0x3] =	wrdreg s5  }
0xaa: {  	[dreg:$0x4] =	wrdreg $0xC0  }
0xab: {  	_ =	task [dreg:s8], $0x5FFFF  }
0xac: {  	[dreg:$0x1] =	wrdreg $0xFFFFFFFF  }
0xad: {  	[dreg:$0x0] =	wrdreg $0x60  }
0xae: {  	[dreg:$0x2] =	wrdreg s0  }
0xaf: {  	[dreg:$0x3] =	wrdreg s17  }
0xb0: {  	[dreg:$0x4] =	wrdreg s2  }
0xb1: {  	[dreg:$0x5] =	wrdreg s3  }
0xb2: {  	[dreg:$0x6] =	wrdreg $0x66000  }
0xb3: {  	[dreg:$0x7] =	wrdreg $0x6E000  }
0xb4: {  	[dreg:$0x8] =	wrdreg $0x9  }
0xb5: {  	_ =	task.clear_ibuf [dreg:s8], $0x9FFFF;
	_ =	strace $0x90000046  }
0xb6: {  	s26 =	simm.s32 $0x9;
	_ =	strace $0x80000048  }
0xb7: {  	_ =	swait.ge [sflag:s26], $0x1  }
0xb8: {  	[sflag:s26] =	ssyncadd.s32 $0xFFFFFFFF  }
0xb9: {  	_ =	strace $0x90000048  }
0xba: {  	_ =	sfence  }
0xbb: {  	s28 =	sld [smem:$0x0];
	_ =	sdelay $0x1  }
0xbc: {  	s29 =	srdreg.scid  }
0xbd: {  	s30 =	sshll.u32 s29, $0xD;
	s31 =	sshrl.u32 s29, $0x2  }
0xbe: {  	s1 =	sand.u32 $0x1, s29;
	s2 =	sand.u32 $0x4000, s30;
	s0 =	sadd.s32 s31, s28  }
0xbf: {  	s1 =	sor.u32 s2, s1;
	s0 =	sshll.u32 s0, $0x11  }
0xc0: {  	s0 =	sor.u32 s0, s1  }
0xc1: {  	s0 =	sadd.s32 $0x8F2B, s0  }
0xc2: {  	[sflag:s0] =	ssyncadd.remote.s32 $0x1  }
0xc3: {  	_ =	sfence.sel $0xFFFF  }
0xc4: {  	[dreg:$0x0] =	wrdreg $0xFFFFFFFF;
	(pc) =	sbr.abs _section_cstart, $3  }
0xc5: {  	[dreg:$0x1] =	wrdreg $0xFFFFFFFF  }
0xc6: {  	_ =	task.clear_ibuf [dreg:s8], $0x2FFFF;
	_ =	strace $0x9FFFFFFF  }
0xc7: {  	(tm) =	ssettm $0x7FFFFFFF  }
tec
execute0_lowered:
.L_overlay_start_1:
0x0: {  	(tag) =	ssettag $0x1  }
0x1: {  	s6 =	rddreg [dreg:$0x0]  }
0x2: {  	s8 =	rddreg [dreg:$0x1]  }
0x3: {  	s9 =	rddreg [dreg:$0x2]  }
0x4: {  	s2 =	rddreg [dreg:$0x3]  }
0x5: {  	s7 =	rddreg [dreg:$0x4];
	s0 =	stileid.u32  }
0x6: {  	s5 =	rddreg [dreg:$0x5];
	s3 =	smul.u32 $0x1870, s0  }
0x7: {  	s1 =	rddreg [dreg:$0x6];
	s10 =	simm.s32 $0x0  }
0x8: {  	[smem:$0x7FF] =	sst s10;
	s3 =	sshrl.u32 s3, $0x3  }
0x9: {  	s12 =	simm.s32 $0x1880;
	_ =	strace $0x80000047;
	s4 =	sadd.s32 s6, s3  }
0xa: {  	[tilespmem:s10], [sflag:$0x1] =	stream.linear.gather [hbm4b:s4+s10], $0xC40, $0x38;
	[tilespmem:$0x6E40] =	vst v63  }
0xb: {  	s13 =	simm.s32 $0xC40;
	s11 =	sadd.s32 s8, s3;
	s4 =	sadd.s32 $0x188, s3  }
0xc: {  	[tilespmem:s12], [sflag:$0x2] =	stream.linear.gather [hbm4b:s11+s10], $0xC40, $0x38;
	[tilespmem:$0x6E40] =	vst v63  }
0xd: {  	p0 =	seq.s32 s0, $0xF;
	s21 =	sadd.s32 s6, s4;
	s12 =	sadd.s32 $0x302, s3  }
0xe: {  	[tilespmem:s13], [sflag:$0x1] =	stream.linear.gather [hbm4b:s21+s10], $0xBD0, $0x38;
	[tilespmem:$0x6E40] =	vst v63  }
0xf: {  	s23 =	simm.s32 $0x24C0;
	s22 =	sadd.s32 s8, s4;
	s12 =	simm.s32 @p0 $0x0  }
0x10: {  	[tilespmem:s23], [sflag:$0x2] =	stream.linear.gather [hbm4b:s22+s10], $0xBD0, $0x38;
	[tilespmem:$0x6E40] =	vst v63  }
0x11: {  	s24 =	simm.s32 $0x1810;
	s6 =	sadd.s32 s6, s12  }
0x12: {  	[tilespmem:s24], [sflag:$0x1] =	stream.linear.gather [hbm4b:s6+s10], $0x60, $0x38;
	[tilespmem:$0x6E40] =	vst v63  }
0x13: {  	s26 =	simm.s32 $0x3090;
	s25 =	sadd.s32 s8, s12  }
0x14: {  	[tilespmem:s26], [sflag:$0x2] =	stream.linear.gather [hbm4b:s25+s10], $0x60, $0x38;
	[tilespmem:$0x6E40] =	vst v63  }
0x15: {  	s6 =	simm.s32 $0x4980  }
0x16: {  	v0 =	vimm.f32 $0.0e+00;
	[tilespmem:s6], [sflag:$0x3] =	stream.linear.gather [hbm4b:s9+s10], $0x77, $0x38;
	[tilespmem:$0x6E40] =	vst v63  }
0x17: {  	[tilespmem:$0x4A00] =	vst v0  }
0x18: {  	[tilespmem:$0x4A10] =	vst v0  }
0x19: {  	[tilespmem:$0x4A20] =	vst v0  }
0x1a: {  	[tilespmem:$0x4A30] =	vst v0  }
0x1b: {  	[tilespmem:$0x4A40] =	vst v0  }
0x1c: {  	[tilespmem:$0x4A50] =	vst v0  }
0x1d: {  	[tilespmem:$0x4A60] =	vst v0  }
0x1e: {  	[tilespmem:$0x4A70] =	vst v0  }
0x1f: {  	[tilespmem:$0x4A80] =	vst v0  }
0x20: {  	[tilespmem:$0x4A90] =	vst v0  }
0x21: {  	[tilespmem:$0x4AA0] =	vst v0  }
0x22: {  	[tilespmem:$0x4AB0] =	vst v0  }
0x23: {  	[tilespmem:$0x4AC0] =	vst v0  }
0x24: {  	[tilespmem:$0x4AD0] =	vst v0  }
0x25: {  	[tilespmem:$0x4AE0] =	vst v0  }
0x26: {  	[tilespmem:$0x4AF0] =	vst v0  }
0x27: {  	[tilespmem:$0x4B00] =	vst v0  }
0x28: {  	[tilespmem:$0x4B10] =	vst v0  }
0x29: {  	[tilespmem:$0x4B20] =	vst v0  }
0x2a: {  	[tilespmem:$0x4B30] =	vst v0  }
0x2b: {  	[tilespmem:$0x4B40] =	vst v0  }
0x2c: {  	[tilespmem:$0x4B50] =	vst v0  }
0x2d: {  	[tilespmem:$0x4B60] =	vst v0  }
0x2e: {  	[tilespmem:$0x4B70] =	vst v0  }
0x2f: {  	[tilespmem:$0x4B80] =	vst v0  }
0x30: {  	[tilespmem:$0x4B90] =	vst v0  }
0x31: {  	[tilespmem:$0x4BA0] =	vst v0  }
0x32: {  	[tilespmem:$0x4BB0] =	vst v0  }
0x33: {  	[tilespmem:$0x4BC0] =	vst v0  }
0x34: {  	[tilespmem:$0x4BD0] =	vst v0  }
0x35: {  	[tilespmem:$0x4BE0] =	vst v0  }
0x36: {  	[tilespmem:$0x4BF0] =	vst v0  }
0x37: {  	[tilespmem:$0x4C00] =	vst v0  }
0x38: {  	[tilespmem:$0x4C10] =	vst v0  }
0x39: {  	[tilespmem:$0x4C20] =	vst v0  }
0x3a: {  	[tilespmem:$0x4C30] =	vst v0  }
0x3b: {  	[tilespmem:$0x4C40] =	vst v0  }
0x3c: {  	[tilespmem:$0x4C50] =	vst v0  }
0x3d: {  	[tilespmem:$0x4C60] =	vst v0  }
0x3e: {  	[tilespmem:$0x4C70] =	vst v0  }
0x3f: {  	[tilespmem:$0x4C80] =	vst v0  }
0x40: {  	[tilespmem:$0x4C90] =	vst v0  }
0x41: {  	[tilespmem:$0x4CA0] =	vst v0  }
0x42: {  	[tilespmem:$0x4CB0] =	vst v0  }
0x43: {  	[tilespmem:$0x4CC0] =	vst v0  }
0x44: {  	[tilespmem:$0x4CD0] =	vst v0  }
0x45: {  	[tilespmem:$0x4CE0] =	vst v0  }
0x46: {  	[tilespmem:$0x4CF0] =	vst v0  }
0x47: {  	[tilespmem:$0x4D00] =	vst v0  }
0x48: {  	[tilespmem:$0x4D10] =	vst v0  }
0x49: {  	[tilespmem:$0x4D20] =	vst v0  }
0x4a: {  	[tilespmem:$0x4D30] =	vst v0  }
0x4b: {  	[tilespmem:$0x4D40] =	vst v0  }
0x4c: {  	[tilespmem:$0x4D50] =	vst v0  }
0x4d: {  	[tilespmem:$0x4D60] =	vst v0  }
0x4e: {  	[tilespmem:$0x4D70] =	vst v0  }
0x4f: {  	[tilespmem:$0x4D80] =	vst v0  }
0x50: {  	[tilespmem:$0x4D90] =	vst v0  }
0x51: {  	[tilespmem:$0x4DA0] =	vst v0  }
0x52: {  	[tilespmem:$0x4DB0] =	vst v0  }
0x53: {  	[tilespmem:$0x4DC0] =	vst v0  }
0x54: {  	[tilespmem:$0x4DD0] =	vst v0  }
0x55: {  	[tilespmem:$0x4DE0] =	vst v0  }
0x56: {  	[tilespmem:$0x4DF0] =	vst v0  }
0x57: {  	[tilespmem:$0x4E00] =	vst v0  }
0x58: {  	[tilespmem:$0x4E10] =	vst v0  }
0x59: {  	[tilespmem:$0x4E20] =	vst v0  }
0x5a: {  	[tilespmem:$0x4E30] =	vst v0  }
0x5b: {  	[tilespmem:$0x4E40] =	vst v0  }
0x5c: {  	[tilespmem:$0x4E50] =	vst v0  }
0x5d: {  	[tilespmem:$0x4E60] =	vst v0  }
0x5e: {  	[tilespmem:$0x4E70] =	vst v0  }
0x5f: {  	[tilespmem:$0x4E80] =	vst v0  }
0x60: {  	[tilespmem:$0x4E90] =	vst v0  }
0x61: {  	[tilespmem:$0x4EA0] =	vst v0  }
0x62: {  	[tilespmem:$0x4EB0] =	vst v0  }
0x63: {  	[tilespmem:$0x4EC0] =	vst v0  }
0x64: {  	[tilespmem:$0x4ED0] =	vst v0  }
0x65: {  	[tilespmem:$0x4EE0] =	vst v0  }
0x66: {  	[tilespmem:$0x4EF0] =	vst v0  }
0x67: {  	[tilespmem:$0x4F00] =	vst v0  }
0x68: {  	[tilespmem:$0x4F10] =	vst v0  }
0x69: {  	[tilespmem:$0x4F20] =	vst v0  }
0x6a: {  	[tilespmem:$0x4F30] =	vst v0  }
0x6b: {  	[tilespmem:$0x4F40] =	vst v0  }
0x6c: {  	[tilespmem:$0x4F50] =	vst v0  }
0x6d: {  	[tilespmem:$0x4F60] =	vst v0  }
0x6e: {  	[tilespmem:$0x4F70] =	vst v0  }
0x6f: {  	[tilespmem:$0x4F80] =	vst v0  }
0x70: {  	[tilespmem:$0x4F90] =	vst v0  }
0x71: {  	[tilespmem:$0x4FA0] =	vst v0  }
0x72: {  	[tilespmem:$0x4FB0] =	vst v0  }
0x73: {  	[tilespmem:$0x4FC0] =	vst v0  }
0x74: {  	[tilespmem:$0x4FD0] =	vst v0  }
0x75: {  	[tilespmem:$0x4FE0] =	vst v0  }
0x76: {  	[tilespmem:$0x4FF0] =	vst v0  }
0x77: {  	[tilespmem:$0x5000] =	vst v0  }
0x78: {  	[tilespmem:$0x5010] =	vst v0  }
0x79: {  	[tilespmem:$0x5020] =	vst v0  }
0x7a: {  	[tilespmem:$0x5030] =	vst v0  }
0x7b: {  	[tilespmem:$0x5040] =	vst v0  }
0x7c: {  	[tilespmem:$0x5050] =	vst v0  }
0x7d: {  	[tilespmem:$0x5060] =	vst v0  }
0x7e: {  	[tilespmem:$0x5070] =	vst v0  }
0x7f: {  	[tilespmem:$0x5080] =	vst v0  }
0x80: {  	[tilespmem:$0x5090] =	vst v0  }
0x81: {  	[tilespmem:$0x50A0] =	vst v0  }
0x82: {  	[tilespmem:$0x50B0] =	vst v0  }
0x83: {  	[tilespmem:$0x50C0] =	vst v0  }
0x84: {  	[tilespmem:$0x50D0] =	vst v0  }
0x85: {  	[tilespmem:$0x50E0] =	vst v0  }
0x86: {  	[tilespmem:$0x50F0] =	vst v0  }
0x87: {  	[tilespmem:$0x5100] =	vst v0  }
0x88: {  	[tilespmem:$0x5110] =	vst v0  }
0x89: {  	[tilespmem:$0x5120] =	vst v0  }
0x8a: {  	[tilespmem:$0x5130] =	vst v0  }
0x8b: {  	[tilespmem:$0x5140] =	vst v0  }
0x8c: {  	[tilespmem:$0x5150] =	vst v0  }
0x8d: {  	[tilespmem:$0x5160] =	vst v0  }
0x8e: {  	[tilespmem:$0x5170] =	vst v0  }
0x8f: {  	[tilespmem:$0x5180] =	vst v0  }
0x90: {  	[tilespmem:$0x5190] =	vst v0  }
0x91: {  	[tilespmem:$0x51A0] =	vst v0  }
0x92: {  	[tilespmem:$0x51B0] =	vst v0  }
0x93: {  	[tilespmem:$0x51C0] =	vst v0  }
0x94: {  	[tilespmem:$0x51D0] =	vst v0  }
0x95: {  	[tilespmem:$0x51E0] =	vst v0  }
0x96: {  	s28 =	simm.s32 $0x3;
	[tilespmem:$0x51F0] =	vst v0  }
0x97: {  	_ =	swait.ge [sflag:s28], $0x77  }
0x98: {  	[sflag:s28] =	ssyncset.done $0x0  }
0x99: {  	[sflag:s28] =	ssyncadd.s32 $0xFFFFFF89  }
0x9a: {  	v0 =	vld [tilespmem:$0x4980]  }
0x9b: {  	v1 =	vld [tilespmem:$0x4990]  }
0x9c: {  	v2 =	vld [tilespmem:$0x49A0]  }
0x9d: {  	v3 =	vld [tilespmem:$0x49B0]  }
0x9e: {  	v4 =	vld [tilespmem:$0x49C0]  }
0x9f: {  	v5 =	vld [tilespmem:$0x49D0];
	v0 =	vadd.f32 $9.999999930e-09, v0  }
0xa0: {  	v6 =	vld [tilespmem:$0x49E0];
	v1 =	vadd.f32 $9.999999930e-09, v1  }
0xa1: {  	(erf) = vrcp.f32 v0;
	v0 =	vadd.f32 $9.999999930e-09, v2;
	v2 =	vld [tilespmem:$0x49F0]  }
0xa2: {  	(erf) = vrcp.f32 v1;
	v1 =	vadd.f32 $9.999999930e-09, v3  }
0xa3: {  	(erf) = vrcp.f32 v0;
	v0 =	vadd.f32 $9.999999930e-09, v4  }
0xa4: {  	(erf) = vrcp.f32 v1;
	v1 =	vadd.f32 $9.999999930e-09, v5  }
0xa5: {  	(erf) = vrcp.f32 v0;
	v0 =	vadd.f32 $9.999999930e-09, v6  }
0xa6: {  	(erf) = vrcp.f32 v1;
	v1 =	vadd.f32 $9.999999930e-09, v2  }
0xa7: {  	(erf) = vrcp.f32 v0  }
0xa8: {  	(erf) = vrcp.f32 v1;
	_ =	sdelay $0x1  }
0xa9: {  	v0 =	vpop (erf)  }
0xaa: {  	v1 =	vpop (erf);
	[tilespmem:$0x4980] =	vst v0  }
0xab: {  	v0 =	vpop (erf);
	[tilespmem:$0x4990] =	vst v1  }
0xac: {  	v1 =	vpop (erf);
	[tilespmem:$0x49A0] =	vst v0  }
0xad: {  	v0 =	vpop (erf);
	[tilespmem:$0x49B0] =	vst v1  }
0xae: {  	v1 =	vpop (erf);
	[tilespmem:$0x49C0] =	vst v0  }
0xaf: {  	v0 =	vpop (erf);
	[tilespmem:$0x49D0] =	vst v1  }
0xb0: {  	[tilespmem:$0x49E0] =	vst v0;
	v0 =	vpop (erf)  }
0xb1: {  	s29 =	simm.s32 $0x1;
	[tilespmem:$0x49F0] =	vst v0  }
0xb2: {  	_ =	swait.ge [sflag:s29], $0xC40  }
0xb3: {  	[sflag:s29] =	ssyncset.done $0x0  }
0xb4: {  	s30 =	simm.s32 $0x2;
	[sflag:s29] =	ssyncadd.s32 $0xFFFFF3C0  }
0xb5: {  	_ =	swait.ge [sflag:s30], $0xC40  }
0xb6: {  	[sflag:s30] =	ssyncset.done $0x0  }
0xb7: {  	s31 =	simm.s32 $0x20;
	[sflag:s30] =	ssyncadd.s32 $0xFFFFF3C0  }
0xb8: {  	vm0 =	vcmask $0x300;
	v1 =	vimm.f32 $-1.600000000e+01;
	v0 =	vimm.f32 $1.600000000e+01;
	v3 =	vld [tilespmem:s31+$0xFFFFFFE0]  }
0xb9: {  	vm1 =	vcmask $0x704;
	s9 =	simm.s32 $0x18A0;
	v1 =	vsel vm0, $0xBF800000, v1;
	v0 =	vsel vm0, $0x3F800000, v0  }
0xba: {  	v2 =	vsel vm1, $0xC0000000, v1;
	vm0 =	vcmask $0xB08;
	v0 =	vsel vm1, $0x40000000, v0;
	v1 =	vld [tilespmem:s9+$0xFFFFFFE0]  }
0xbb: {  	vm1 =	vcmask $0xF0C;
	v4 =	vsel vm0, $0xC0400000, v2;
	v0 =	vsel vm0, $0x40400000, v0;
	v7 =	vld [tilespmem:s31+$0xFFFFFFF0]  }
0xbc: {  	vm0 =	vcmask $0x1310;
	v4 =	vsel vm1, $0xC0800000, v4;
	v0 =	vsel vm1, $0x40800000, v0;
	v2 =	vld [tilespmem:s9+$0x1]  }
0xbd: {  	vm1 =	vcmask $0x1714;
	v4 =	vsel vm0, $0xC0A00000, v4;
	v5 =	vsel vm0, $0x40A00000, v0;
	v0 =	vld [tilespmem:s9+$0xFFFFFFE1]  }
0xbe: {  	vm0 =	vcmask $0x1B18;
	v4 =	vsel vm1, $0xC0C00000, v4;
	v5 =	vsel vm1, $0x40C00000, v5;
	v8 =	vld [tilespmem:s31+$0x10]  }
0xbf: {  	vm1 =	vcmask $0x1F1C;
	v4 =	vsel vm0, $0xC0E00000, v4;
	v5 =	vsel vm0, $0x40E00000, v5;
	v10 =	vld [tilespmem:s31+$0x0]  }
0xc0: {  	vm0 =	vcmask $0x2320;
	v4 =	vsel vm1, $0xC1000000, v4;
	v5 =	vsel vm1, $0x41000000, v5;
	v12 =	vld.idx.msk [tilespmem:v3+s6+$0x0], $0xffff  }
0xc1: {  	v6 =	vld [tilespmem:s9+$0xFFFFFFF1];
	vm1 =	vcmask $0x2724;
	v4 =	vsel vm0, $0xC1100000, v4;
	v9 =	vsel vm0, $0x41100000, v5  }
0xc2: {  	vm13 =	vcmask $0x2B28;
	v5 =	vld [tilespmem:s9+$0x0];
	v4 =	vsel vm1, $0xC1200000, v4;
	v11 =	vsel vm1, $0x41200000, v9  }
0xc3: {  	vm15 =	vcmask $0x2F2C;
	v4 =	vsel vm13, $0xC1300000, v4;
	v11 =	vsel vm13, $0x41300000, v11;
	v13 =	vld.idx.msk [tilespmem:v7+s6+$0x0], $0xffff  }
0xc4: {  	vm0 =	vcmask $0x3330;
	v9 =	vld [tilespmem:s9+$0xFFFFFFF0];
	v4 =	vsel vm15, $0xC1400000, v4;
	v3 =	vsel vm15, $0x41400000, v11  }
0xc5: {  	vm14 =	vcmask $0x3734;
	v4 =	vsel vm0, $0xC1500000, v4;
	v3 =	vsel vm0, $0x41500000, v3;
	(xrf2) =	vadd.scan.msk.f32 $0xffff, v12  }
0xc6: {  	vm1 =	vcmask $0x3B38;
	v7 =	vsel vm14, $0xC1600000, v4;
	v3 =	vsel vm14, $0x41600000, v3  }
0xc7: {  	v4 =	vsel vm1, $0x41700000, v3;
	v3 =	vsel vm1, $0xC1700000, v7;
	v7 =	vld.idx.msk [tilespmem:v8+s6+$0x0], $0xffff  }
0xc8: {  	vm4 =	vmmov $0x7fff;
	s11 =	simm.s32 $0x3120;
	vm6 =	vne.s32 v5, v2;
	v11 =	vld.idx.msk [tilespmem:v10+s6+$0x0], $0xffff;
	vm1 =	vne.s32 v1, v0;
	(xrf2) =	vadd.scan.msk.f32 $0xffff, v13  }
0xc9: {  	s8 =	simm.s32 $0x4A00;
	vm3 =	vne.s32 v9, v6;
	v10 =	vld [tilespmem:s9+$0x10];
	vm2 =	vmmov vm1;
	vm1 =	vcmask $0x3F3C;
	[tilespmem:s11+$0xFFFFFFE0] =	vst v12  }
0xca: {  	s12 =	simm.s32 $0x0;
	s13 =	simm.s32 $0x60;
	s10 =	simm.s32 $0x3120;
	vm5 =	vmand vm3, vm4;
	v8 =	vld [tilespmem:s9+$0x11];
	[tilespmem:s11+$0xFFFFFFF0] =	vst v13;
	vm7 =	vmor vm3, vm1;
	vm3 =	vmor vm6, vm1  }
.LBB2_1:
0xcb: {  	v12 =	vld [tilespmem:s13+$0xFFFFFFE0];
	s12 =	sadd.s32 $0x40, s12;
	s9 =	sadd.s32 $0x40, s9;
	s11 =	sadd.s32 $0x40, s11  }
0xcc: {  	vm6 =	vmand vm6, vm4;
	v13 =	vld [tilespmem:s9+$0xFFFFFFE0];
	p1 =	slt.u32 s12, $0xBC0;
	(xrf2) =	vadd.scan.msk.f32 $0xffff, v7  }
0xcd: {  	v14 =	vld [tilespmem:s9+$0x1]  }
0xce: {  	v15 =	vld [tilespmem:s9+$0xFFFFFFE1];
	[tilespmem:s10+$0x0] =	vst v11  }
0xcf: {  	v16 =	vld [tilespmem:s9+$0xFFFFFFF1];
	vm11 =	vne.s32 v10, v8;
	v17, _, _ =	vpop (xrf2)  }
0xd0: {  	v18 =	vld [tilespmem:s9+$0x0]  }
0xd1: {  	v19 =	vld [tilespmem:s9+$0xFFFFFFF0];
	(xrf2) =	vadd.scan.msk.f32 $0xffff, v11  }
0xd2: {  	vm8 =	vmor vm2, vm1;
	v11 =	vld [tilespmem:s13+$0x0];
	v20, _, _ =	vpop (xrf2)  }
0xd3: {  	vm12 =	vne.s32 v13, v15;
	[tilespmem:v9+s8+$0x0] =	vst.idx.add.f32.msk vm7, v20  }
0xd4: {  	v22 =	vadd.s32 $0x400, v9;
	vm10 =	vmor vm11, vm1;
	v25 =	vsub.f32 $0.0e+00, v20;
	v21 =	vld [tilespmem:s13+$0xFFFFFFF0]  }
0xd5: {  	vm9 =	vmand vm2, vm4;
	vm2 =	vmmov vm12;
	v23 =	vld [tilespmem:s13+$0x10]  }
0xd6: {  	v24 =	vsub.f32 $0.0e+00, v17;
	[tilespmem:v6+s8+$0x0] =	vst.idx.add.f32.msk vm5, v25;
	v20, _, _ =	vpop (xrf2);
	v9 =	vmov v19  }
0xd7: {  	v12 =	vld.idx.msk [tilespmem:v12+s6+$0x0], $0xffff;
	[tilespmem:s10+$0x10] =	vst v7;
	v19 =	vsub.f32 $0.0e+00, v20;
	s10 =	smov.u32 s11  }
0xd8: {  	[tilespmem:v1+s8+$0x0] =	vst.idx.add.f32.msk vm8, v17  }
0xd9: {  	v17 =	vadd.s32 $0x400, v6;
	v6 =	vmov v16;
	[tilespmem:v22+s8+$0x0] =	vst.idx.add.f32.msk vm7, v4  }
0xda: {  	[tilespmem:v10+s8+$0x0] =	vst.idx.add.f32.msk vm10, v20  }
0xdb: {  	v16 =	vadd.s32 $0x400, v5;
	[tilespmem:v0+s8+$0x0] =	vst.idx.add.f32.msk vm9, v24;
	v20, _, _ =	vpop (xrf2)  }
0xdc: {  	vm7 =	vmand vm11, vm4;
	[tilespmem:v5+s8+$0x0] =	vst.idx.add.f32.msk vm3, v20;
	v5 =	vmov v18  }
0xdd: {  	v18 =	vsub.f32 $0.0e+00, v20;
	[tilespmem:s11+$0xFFFFFFE0] =	vst v12;
	v7 =	vld.idx.msk [tilespmem:v23+s6+$0x0], $0xffff  }
0xde: {  	v20 =	vadd.s32 $0x400, v1;
	v1 =	vmov v13;
	[tilespmem:v17+s8+$0x0] =	vst.idx.add.f32.msk vm5, v3  }
0xdf: {  	v13 =	vadd.s32 $0x400, v2;
	[tilespmem:v2+s8+$0x0] =	vst.idx.add.f32.msk vm6, v18;
	v2 =	vmov v14  }
0xe0: {  	v10 =	vadd.s32 $0x400, v10;
	[tilespmem:v16+s8+$0x0] =	vst.idx.add.f32.msk vm3, v4  }
0xe1: {  	v17 =	vadd.s32 $0x400, v8;
	v16 =	vadd.s32 $0x400, v0;
	v0 =	vmov v15;
	v14 =	vld.idx.msk [tilespmem:v21+s6+$0x0], $0xffff  }
0xe2: {  	[tilespmem:v8+s8+$0x0] =	vst.idx.add.f32.msk vm7, v19  }
0xe3: {  	[tilespmem:v20+s8+$0x0] =	vst.idx.add.f32.msk vm8, v4  }
0xe4: {  	[tilespmem:v13+s8+$0x0] =	vst.idx.add.f32.msk vm6, v3  }
0xe5: {  	(xrf2) =	vadd.scan.msk.f32 $0xffff, v12;
	[tilespmem:v10+s8+$0x0] =	vst.idx.add.f32.msk vm10, v4  }
.Ltmp0:
0xe6: {  	vm3 =	vne.s32 v9, v6;
	[tilespmem:v16+s8+$0x0] =	vst.idx.add.f32.msk vm9, v3;
	(pc) =	sbr.rel @p1 .LBB2_1-.Ltmp0, $4  }
0xe7: {  	vm5 =	vmand vm3, vm4;
	vm6 =	vne.s32 v5, v2;
	[tilespmem:v17+s8+$0x0] =	vst.idx.add.f32.msk vm7, v3  }
0xe8: {  	[tilespmem:s11+$0xFFFFFFF0] =	vst v14;
	v11 =	vld.idx.msk [tilespmem:v11+s6+$0x0], $0xffff;
	(xrf2) =	vadd.scan.msk.f32 $0xffff, v14  }
0xe9: {  	vm7 =	vmor vm3, vm1;
	vm3 =	vmor vm6, vm1;
	v8 =	vld [tilespmem:s9+$0x11]  }
0xea: {  	s13 =	sadd.s32 $0x40, s13;
	v10 =	vld [tilespmem:s9+$0x10]  }
0xeb: {  	_ =	sdelay $0x1  }
0xec: {  	(xrf2) =	vadd.scan.msk.f32 $0xffff, v7  }
0xed: {  	(xrf2) =	vadd.scan.msk.f32 $0xffff, v11;
	_ =	sdelay $0x2  }
0xee: {  	v13 =	vadd.s32 $0x400, v9;
	v12, _, _ =	vpop (xrf2)  }
0xef: {  	v15 =	vadd.s32 $0x400, v6;
	v14, _, _ =	vpop (xrf2)  }
0xf0: {  	vm9 =	vmor vm2, vm1;
	v16 =	vsub.f32 $0.0e+00, v14  }
0xf1: {  	vm2 =	vmand vm2, vm4;
	[tilespmem:v9+s8+$0x0] =	vst.idx.add.f32.msk vm7, v14  }
0xf2: {  	vm8 =	vmand vm6, vm4;
	v50 =	vadd.s32 $0x400, v5;
	[tilespmem:v6+s8+$0x0] =	vst.idx.add.f32.msk vm5, v16  }
0xf3: {  	v51 =	vimm.f32 $1.600000000e+01;
	v52 =	vimm.f32 $-1.600000000e+01;
	v55 =	vadd.s32 $0x400, v1;
	[tilespmem:v13+s8+$0x0] =	vst.idx.add.f32.msk vm7, v4  }
0xf4: {  	vm10 =	vne.s32 v10, v8;
	v62 =	vadd.s32 $0x400, v10;
	v49, _, _ =	vpop (xrf2);
	[tilespmem:v15+s8+$0x0] =	vst.idx.add.f32.msk vm5, v3;
	vm5 =	vcmask $0x300  }
0xf5: {  	[tilespmem:s10+$0x0] =	vst v11;
	vm6 =	vmor vm10, vm1;
	v58 =	vsub.f32 $0.0e+00, v12;
	v53, _, _ =	vpop (xrf2);
	v13 =	vsel vm5, $0x3F800000, v51  }
0xf6: {  	[tilespmem:v1+s8+$0x0] =	vst.idx.add.f32.msk vm9, v12;
	v14 =	vsel vm5, $0xBF800000, v52;
	v54 =	vsub.f32 $0.0e+00, v53;
	vm5 =	vcmask $0x704  }
0xf7: {  	[tilespmem:v0+s8+$0x0] =	vst.idx.add.f32.msk vm2, v58;
	v13 =	vsel vm5, $0x40000000, v13;
	v14 =	vsel vm5, $0xC0000000, v14;
	vm5 =	vcmask $0xB08  }
0xf8: {  	[tilespmem:v5+s8+$0x0] =	vst.idx.add.f32.msk vm3, v53;
	v13 =	vsel vm5, $0x40400000, v13;
	v14 =	vsel vm5, $0xC0400000, v14;
	vm5 =	vcmask $0xF0C  }
0xf9: {  	v0 =	vadd.s32 $0x400, v0;
	[tilespmem:v2+s8+$0x0] =	vst.idx.add.f32.msk vm8, v54;
	v2 =	vadd.s32 $0x400, v2;
	v56 =	vsel vm5, $0x40800000, v13  }
0xfa: {  	v57 =	vsel vm5, $0xC0800000, v14;
	[tilespmem:v50+s8+$0x0] =	vst.idx.add.f32.msk vm3, v4;
	vm3 =	vcmask $0x1310;
	vm5 =	vcmask $0x1714  }
0xfb: {  	v11 =	vsel vm3, $0x40A00000, v56;
	v13 =	vsel vm3, $0xC0A00000, v57;
	vm3 =	vmand vm10, vm4  }
0xfc: {  	v1 =	vsel vm5, $0x40C00000, v11;
	v59 =	vsel vm5, $0xC0C00000, v13;
	vm5 =	vcmask $0x1B18  }
0xfd: {  	v1 =	vsel vm5, $0x40E00000, v1;
	v61 =	vsel vm5, $0xC0E00000, v59;
	vm5 =	vcmask $0x1F1C  }
0xfe: {  	[tilespmem:s10+$0x10] =	vst v7;
	v1 =	vsel vm5, $0x41000000, v1;
	v9 =	vsel vm5, $0xC1000000, v61;
	vm5 =	vcmask $0x2320  }
0xff: {  	[tilespmem:v2+s8+$0x0] =	vst.idx.add.f32.msk vm8, v3;
	v1 =	vsel vm5, $0x41100000, v1;
	v2 =	vsel vm5, $0xC1100000, v9;
	vm5 =	vcmask $0x2724  }
0x100: {  	v63 =	vadd.s32 $0x400, v8;
	[tilespmem:v55+s8+$0x0] =	vst.idx.add.f32.msk vm9, v4;
	v1 =	vsel vm5, $0x41200000, v1;
	v2 =	vsel vm5, $0xC1200000, v2  }
0x101: {  	v60 =	vsub.f32 $0.0e+00, v49;
	[tilespmem:v10+s8+$0x0] =	vst.idx.add.f32.msk vm6, v49;
	v1 =	vsel vm13, $0x41300000, v1;
	v2 =	vsel vm13, $0xC1300000, v2  }
0x102: {  	[tilespmem:v0+s8+$0x0] =	vst.idx.add.f32.msk vm2, v3;
	v1 =	vsel vm15, $0x41400000, v1;
	v2 =	vsel vm15, $0xC1400000, v2  }
0x103: {  	[tilespmem:v8+s8+$0x0] =	vst.idx.add.f32.msk vm3, v60;
	v1 =	vsel vm0, $0x41500000, v1;
	v2 =	vsel vm0, $0xC1500000, v2  }
0x104: {  	s6 =	simm.s32 $0xBF0;
	s9 =	simm.s32 $0x3D00;
	s11 =	simm.s32 $0x4980;
	vm2 =	vcmask $0x3B38;
	[tilespmem:v62+s8+$0x0] =	vst.idx.add.f32.msk vm6, v4;
	v0 =	vsel vm14, $0x41600000, v1;
	v1 =	vsel vm14, $0xC1600000, v2  }
0x105: {  	s12 =	simm.s32 $0x4A00;
	s10 =	simm.s32 $0x2481;
	[tilespmem:v63+s8+$0x0] =	vst.idx.add.f32.msk vm3, v3;
	s8 =	simm.s32 $0xC00;
	v0 =	vsel vm2, $0x41700000, v0;
	v1 =	vsel vm2, $0xC1700000, v1  }
.LBB2_3:
0x106: {  	v2 =	vld [tilespmem:s8+$0x0];
	_ =	sdelay $0x7  }
0x107: {  	v2 =	vld.idx.msk [tilespmem:v2+s11+$0x0], $0xffff;
	_ =	sdelay $0x3  }
0x108: {  	v3 =	vld [tilespmem:s10+$0xFFFFFFFF]  }
0x109: {  	v4 =	vld [tilespmem:s10+$0x0];
	(xrf2) =	vadd.scan.msk.f32 $0xffff, v2;
	_ =	sdelay $0x4  }
0x10a: {  	vm2 =	vne.s32 v3, v4  }
0x10b: {  	vm3 =	vmor vm2, vm1  }
0x10c: {  	vm2 =	vmand vm2, vm4;
	_ =	sdelay $0x1  }
0x10d: {  	s6 =	sadd.s32 $0x10, s6;
	v5 =	vadd.s32 $0x400, v3  }
0x10e: {  	p1 =	slt.u32 s6, $0xC20;
	v7 =	vadd.s32 $0x400, v4;
	v6, _, _ =	vpop (xrf2)  }
.Ltmp1:
0x10f: {  	[tilespmem:s9+$0x0] =	vst v2;
	v2 =	vsub.f32 $0.0e+00, v6;
	(pc) =	sbr.rel @p1 .LBB2_3-.Ltmp1, $4  }
0x110: {  	[tilespmem:v3+s12+$0x0] =	vst.idx.add.f32.msk vm3, v6  }
0x111: {  	[tilespmem:v4+s12+$0x0] =	vst.idx.add.f32.msk vm2, v2  }
0x112: {  	[tilespmem:v5+s12+$0x0] =	vst.idx.add.f32.msk vm3, v0  }
0x113: {  	s10 =	sadd.s32 $0x10, s10;
	s8 =	sadd.s32 $0x10, s8;
	s9 =	sadd.s32 $0x10, s9;
	[tilespmem:v7+s12+$0x0] =	vst.idx.add.f32.msk vm2, v1  }
0x114: {  	s8 =	simm.s32 $0x1  }
0x115: {  	_ =	swait.ge [sflag:s8], $0xBD0  }
0x116: {  	[sflag:s8] =	ssyncset.done $0x0  }
0x117: {  	s9 =	simm.s32 $0x2;
	[sflag:s8] =	ssyncadd.s32 $0xFFFFF430  }
0x118: {  	_ =	swait.ge [sflag:s9], $0xBD0  }
0x119: {  	[sflag:s9] =	ssyncset.done $0x0  }
0x11a: {  	[sflag:s9] =	ssyncadd.s32 $0xFFFFF430  }
0x11b: {  	_ =	swait.ge [sflag:s8], $0x60  }
0x11c: {  	[sflag:s8] =	ssyncset.done $0x0  }
0x11d: {  	[sflag:s8] =	ssyncadd.s32 $0xFFFFFFA0  }
0x11e: {  	v0 =	vimm.f32 $1.600000000e+01;
	_ =	swait.ge [sflag:s9], $0x60  }
0x11f: {  	v1 =	vimm.f32 $-1.600000000e+01;
	vm2 =	vcmask $0x300;
	s6 =	simm.s32 $0x1810;
	v2 =	vimm.s32 $0xFFFFFFFF;
	[sflag:s9] =	ssyncset.done $0x0  }
0x120: {  	v0 =	vsel vm2, $0x3F800000, v0;
	v1 =	vsel vm2, $0xBF800000, v1;
	vm2 =	vcmask $0x704;
	s6 =	simm.s32 @!p0 $0x1870;
	[sflag:s9] =	ssyncadd.s32 $0xFFFFFFA0  }
0x121: {  	s14 =	simm.s32 $0xC60;
	v0 =	vsel vm2, $0x40000000, v0;
	v1 =	vsel vm2, $0xC0000000, v1;
	vm2 =	vcmask $0xB08;
	[tilespmem:s6+$0x1880] =	vst v2  }
0x122: {  	v0 =	vsel vm2, $0x40400000, v0;
	v1 =	vsel vm2, $0xC0400000, v1;
	vm2 =	vcmask $0xF0C;
	v7 =	vld [tilespmem:s14+$0xFFFFFFD0]  }
0x123: {  	s12 =	simm.s32 $0x24E1;
	v0 =	vsel vm2, $0x40800000, v0;
	v1 =	vsel vm2, $0xC0800000, v1;
	vm2 =	vcmask $0x1310  }
0x124: {  	v0 =	vsel vm2, $0x40A00000, v0;
	v1 =	vsel vm2, $0xC0A00000, v1;
	vm2 =	vcmask $0x1714;
	v4 =	vld [tilespmem:s12+$0xFFFFFFCF]  }
0x125: {  	v0 =	vsel vm2, $0x40C00000, v0;
	v1 =	vsel vm2, $0xC0C00000, v1;
	vm2 =	vcmask $0x1B18;
	v9 =	vld [tilespmem:s14+$0xFFFFFFE0]  }
0x126: {  	v0 =	vsel vm2, $0x40E00000, v0;
	v1 =	vsel vm2, $0xC0E00000, v1;
	vm2 =	vcmask $0x1F1C;
	v2 =	vld [tilespmem:s12+$0xFFFFFFD0]  }
0x127: {  	v0 =	vsel vm2, $0x41000000, v0;
	v1 =	vsel vm2, $0xC1000000, v1;
	vm2 =	vcmask $0x2320;
	v10 =	vld [tilespmem:s14+$0x0]  }
0x128: {  	v0 =	vsel vm2, $0x41100000, v0;
	v1 =	vsel vm2, $0xC1100000, v1;
	vm2 =	vcmask $0x2724;
	v11 =	vld [tilespmem:s14+$0xFFFFFFF0]  }
0x129: {  	s13 =	simm.s32 $0x4980;
	v0 =	vsel vm2, $0x41200000, v0;
	v1 =	vsel vm2, $0xC1200000, v1;
	v6 =	vld [tilespmem:s12+$0xFFFFFFE0]  }
0x12a: {  	v0 =	vsel vm13, $0x41300000, v0;
	v1 =	vsel vm13, $0xC1300000, v1;
	v7 =	vld.idx.msk [tilespmem:v7+s13+$0x0], $0xffff  }
0x12b: {  	v0 =	vsel vm15, $0x41400000, v0;
	v1 =	vsel vm15, $0xC1400000, v1;
	v5 =	vld [tilespmem:s12+$0xFFFFFFEF]  }
0x12c: {  	s10 =	sadd.s32 $0x3D0, s6;
	v0 =	vsel vm0, $0x41500000, v0;
	v1 =	vsel vm0, $0xC1500000, v1;
	v8 =	vld [tilespmem:s12+$0xFFFFFFDF]  }
0x12d: {  	s31 =	sand.u32 $0xFC0, s10;
	vm2 =	vcmask $0x3B38;
	v0 =	vsel vm14, $0x41600000, v0;
	v3 =	vsel vm14, $0xC1600000, v1;
	v12 =	vld.idx.msk [tilespmem:v9+s13+$0x0], $0xffff  }
0x12e: {  	s8 =	sadd.s32 $0xC30, s31;
	v1 =	vsel vm2, $0x41700000, v0;
	v0 =	vsel vm2, $0xC1700000, v3;
	v3 =	vld [tilespmem:s12+$0xFFFFFFF0]  }
0x12f: {  	p1 =	sgt.u32 s8, $0xC70;
	(xrf2) =	vadd.scan.msk.f32 $0xffff, v7  }
.Ltmp2:
0x130: {  	_ = 	snop;
	(pc) =	sbr.rel @!p1 .LBB2_6-.Ltmp2, $4  }
0x131: {  	v9 =	vld.idx.msk [tilespmem:v10+s13+$0x0], $0xffff  }
0x132: {  	s11 =	simm.s32 $0x3D60;
	vm2 =	vne.s32 v4, v2;
	v11 =	vld.idx.msk [tilespmem:v11+s13+$0x0], $0xffff;
	(xrf2) =	vadd.scan.msk.f32 $0xffff, v12  }
0x133: {  	s15 =	simm.s32 $0xCA0;
	vm5 =	vne.s32 v8, v6;
	vm2 =	vmmov vm2;
	vm7 =	vne.s32 v5, v3;
	v10 =	vld [tilespmem:s12+$0xFFFFFFFF];
	[tilespmem:s11+$0xFFFFFFD0] =	vst v7  }
0x134: {  	s16 =	simm.s32 $0x3D60;
	s9 =	simm.s32 $0x4A00;
	s14 =	simm.s32 $0xC70;
	vm3 =	vmand vm5, vm4;
	vm6 =	vmor vm5, vm1;
	vm5 =	vmor vm7, vm1;
	v7 =	vld [tilespmem:s12+$0x0];
	[tilespmem:s11+$0xFFFFFFE0] =	vst v12  }
.LBB2_5:
0x135: {  	v12 =	vld [tilespmem:s15+$0xFFFFFFD0];
	s14 =	sadd.s32 $0x40, s14;
	s12 =	sadd.s32 $0x40, s12;
	s16 =	sadd.s32 $0x40, s16  }
0x136: {  	vm7 =	vmand vm7, vm4;
	v13 =	vld [tilespmem:s12+$0xFFFFFFCF];
	p1 =	slt.u32 s14, s8;
	(xrf2) =	vadd.scan.msk.f32 $0xffff, v9  }
0x137: {  	v14 =	vld [tilespmem:s12+$0xFFFFFFF0]  }
0x138: {  	v15 =	vld [tilespmem:s12+$0xFFFFFFD0];
	[tilespmem:s11+$0xFFFFFFF0] =	vst v11  }
0x139: {  	v16 =	vld [tilespmem:s12+$0xFFFFFFE0];
	vm11 =	vne.s32 v10, v7;
	v17, _, _ =	vpop (xrf2)  }
0x13a: {  	v18 =	vld [tilespmem:s12+$0xFFFFFFEF]  }
0x13b: {  	v19 =	vld [tilespmem:s12+$0xFFFFFFDF];
	(xrf2) =	vadd.scan.msk.f32 $0xffff, v11  }
0x13c: {  	vm8 =	vmor vm2, vm1;
	v11 =	vld [tilespmem:s15+$0xFFFFFFF0];
	v20, _, _ =	vpop (xrf2)  }
0x13d: {  	vm12 =	vne.s32 v13, v15;
	[tilespmem:v8+s9+$0x0] =	vst.idx.add.f32.msk vm6, v20  }
0x13e: {  	v22 =	vadd.s32 $0x400, v8;
	vm10 =	vmor vm11, vm1;
	v25 =	vsub.f32 $0.0e+00, v20;
	v21 =	vld [tilespmem:s15+$0xFFFFFFE0]  }
0x13f: {  	vm9 =	vmand vm2, vm4;
	vm2 =	vmmov vm12;
	v23 =	vld [tilespmem:s15+$0x0]  }
0x140: {  	v24 =	vsub.f32 $0.0e+00, v17;
	[tilespmem:v6+s9+$0x0] =	vst.idx.add.f32.msk vm3, v25;
	v20, _, _ =	vpop (xrf2);
	v8 =	vmov v19  }
0x141: {  	v12 =	vld.idx.msk [tilespmem:v12+s13+$0x0], $0xffff;
	[tilespmem:s11+$0x0] =	vst v9;
	v19 =	vsub.f32 $0.0e+00, v20;
	s11 =	smov.u32 s16  }
0x142: {  	[tilespmem:v4+s9+$0x0] =	vst.idx.add.f32.msk vm8, v17  }
0x143: {  	v17 =	vadd.s32 $0x400, v6;
	v6 =	vmov v16;
	[tilespmem:v22+s9+$0x0] =	vst.idx.add.f32.msk vm6, v1  }
0x144: {  	[tilespmem:v10+s9+$0x0] =	vst.idx.add.f32.msk vm10, v20  }
0x145: {  	v16 =	vadd.s32 $0x400, v5;
	[tilespmem:v2+s9+$0x0] =	vst.idx.add.f32.msk vm9, v24;
	v20, _, _ =	vpop (xrf2)  }
0x146: {  	vm6 =	vmand vm11, vm4;
	[tilespmem:v5+s9+$0x0] =	vst.idx.add.f32.msk vm5, v20;
	v5 =	vmov v18  }
0x147: {  	v18 =	vsub.f32 $0.0e+00, v20;
	[tilespmem:s16+$0xFFFFFFD0] =	vst v12;
	v9 =	vld.idx.msk [tilespmem:v23+s13+$0x0], $0xffff  }
0x148: {  	v20 =	vadd.s32 $0x400, v4;
	v4 =	vmov v13;
	[tilespmem:v17+s9+$0x0] =	vst.idx.add.f32.msk vm3, v0  }
0x149: {  	v13 =	vadd.s32 $0x400, v3;
	[tilespmem:v3+s9+$0x0] =	vst.idx.add.f32.msk vm7, v18;
	v3 =	vmov v14  }
0x14a: {  	v10 =	vadd.s32 $0x400, v10;
	[tilespmem:v16+s9+$0x0] =	vst.idx.add.f32.msk vm5, v1  }
0x14b: {  	v17 =	vadd.s32 $0x400, v7;
	v16 =	vadd.s32 $0x400, v2;
	v2 =	vmov v15;
	v14 =	vld.idx.msk [tilespmem:v21+s13+$0x0], $0xffff  }
0x14c: {  	[tilespmem:v7+s9+$0x0] =	vst.idx.add.f32.msk vm6, v19  }
0x14d: {  	[tilespmem:v20+s9+$0x0] =	vst.idx.add.f32.msk vm8, v1  }
0x14e: {  	[tilespmem:v13+s9+$0x0] =	vst.idx.add.f32.msk vm7, v0  }
0x14f: {  	(xrf2) =	vadd.scan.msk.f32 $0xffff, v12;
	[tilespmem:v10+s9+$0x0] =	vst.idx.add.f32.msk vm10, v1  }
.Ltmp3:
0x150: {  	vm5 =	vne.s32 v8, v6;
	[tilespmem:v16+s9+$0x0] =	vst.idx.add.f32.msk vm9, v0;
	(pc) =	sbr.rel @p1 .LBB2_5-.Ltmp3, $4  }
0x151: {  	vm3 =	vmand vm5, vm4;
	vm7 =	vne.s32 v5, v3;
	[tilespmem:v17+s9+$0x0] =	vst.idx.add.f32.msk vm6, v0  }
0x152: {  	[tilespmem:s16+$0xFFFFFFE0] =	vst v14;
	v11 =	vld.idx.msk [tilespmem:v11+s13+$0x0], $0xffff;
	(xrf2) =	vadd.scan.msk.f32 $0xffff, v14  }
0x153: {  	vm6 =	vmor vm5, vm1;
	vm5 =	vmor vm7, vm1;
	v7 =	vld [tilespmem:s12+$0x0]  }
0x154: {  	s15 =	sadd.s32 $0x40, s15;
	v10 =	vld [tilespmem:s12+$0xFFFFFFFF]  }
.LBB2_6:
0x155: {  	vm8 =	vmor vm2, vm1  }
0x156: {  	vm2 =	vmand vm2, vm4  }
0x157: {  	(xrf2) =	vadd.scan.msk.f32 $0xffff, v9  }
0x158: {  	(xrf2) =	vadd.scan.msk.f32 $0xffff, v11  }
0x159: {  	v58 =	vadd.s32 $0x400, v4;
	[tilespmem:s11+$0x0] =	vst v9;
	v12, _, _ =	vpop (xrf2)  }
0x15a: {  	v62 =	vadd.s32 $0x400, v2;
	[tilespmem:s11+$0xFFFFFFF0] =	vst v11;
	v53 =	vsub.f32 $0.0e+00, v12  }
0x15b: {  	vm9 =	vne.s32 v10, v7;
	[tilespmem:v4+s9+$0x0] =	vst.idx.add.f32.msk vm8, v12  }
0x15c: {  	v51 =	vadd.s32 $0x400, v8;
	vm10 =	vmor vm9, vm1;
	v13, _, _ =	vpop (xrf2);
	[tilespmem:v2+s9+$0x0] =	vst.idx.add.f32.msk vm2, v53  }
0x15d: {  	[tilespmem:v8+s9+$0x0] =	vst.idx.add.f32.msk vm6, v13  }
0x15e: {  	v52 =	vadd.s32 $0x400, v6;
	v13 =	vsub.f32 $0.0e+00, v13;
	[tilespmem:v58+s9+$0x0] =	vst.idx.add.f32.msk vm8, v1  }
0x15f: {  	vm7 =	vmand vm7, vm4;
	[tilespmem:v62+s9+$0x0] =	vst.idx.add.f32.msk vm2, v0  }
0x160: {  	[tilespmem:v6+s9+$0x0] =	vst.idx.add.f32.msk vm3, v13  }
0x161: {  	v55 =	vadd.s32 $0x400, v5;
	v54, _, _ =	vpop (xrf2);
	[tilespmem:v51+s9+$0x0] =	vst.idx.add.f32.msk vm6, v1;
	vm6 =	vmand vm9, vm4  }
0x162: {  	[tilespmem:v10+s9+$0x0] =	vst.idx.add.f32.msk vm10, v54;
	v56, _, _ =	vpop (xrf2)  }
0x163: {  	v59 =	vadd.s32 $0x400, v3;
	[tilespmem:v52+s9+$0x0] =	vst.idx.add.f32.msk vm3, v0;
	v57 =	vsub.f32 $0.0e+00, v56  }
0x164: {  	v61 =	vadd.s32 $0x400, v10;
	[tilespmem:v5+s9+$0x0] =	vst.idx.add.f32.msk vm5, v56  }
0x165: {  	v63 =	vadd.s32 $0x400, v7;
	v60 =	vsub.f32 $0.0e+00, v54;
	[tilespmem:v3+s9+$0x0] =	vst.idx.add.f32.msk vm7, v57  }
0x166: {  	[tilespmem:v55+s9+$0x0] =	vst.idx.add.f32.msk vm5, v1  }
0x167: {  	p1 =	sge.u32 s8, s6;
	[tilespmem:v7+s9+$0x0] =	vst.idx.add.f32.msk vm6, v60  }
.Ltmp4:
0x168: {  	[tilespmem:v59+s9+$0x0] =	vst.idx.add.f32.msk vm7, v0;
	(pc) =	sbr.rel @p1 .LBB2_9-.Ltmp4, $4  }
0x169: {  	s30 =	sshll.u32 s0, $0xB;
	[tilespmem:v61+s9+$0x0] =	vst.idx.add.f32.msk vm10, v1  }
0x16a: {  	s31 =	sand.u32 $0x4000, s30;
	[tilespmem:v63+s9+$0x0] =	vst.idx.add.f32.msk vm6, v0;
	s9 =	sshll.u32 s0, $0x7  }
0x16b: {  	s11 =	sadd.s32 s31, s7;
	s12 =	sand.u32 $0x380, s9  }
0x16c: {  	s12 =	sadd.s32 s12, s11;
	s11 =	sadd.s32 $0x3C0, s6  }
0x16d: {  	v0 =	vimm.f32 $1.600000000e+01;
	v1 =	vimm.f32 $-1.600000000e+01;
	vm2 =	vcmask $0x300  }
0x16e: {  	v0 =	vsel vm2, $0x3F800000, v0;
	v1 =	vsel vm2, $0xBF800000, v1;
	vm2 =	vcmask $0x704  }
0x16f: {  	v0 =	vsel vm2, $0x40000000, v0;
	v1 =	vsel vm2, $0xC0000000, v1;
	vm2 =	vcmask $0xB08  }
0x170: {  	v0 =	vsel vm2, $0x40400000, v0;
	v1 =	vsel vm2, $0xC0400000, v1;
	vm2 =	vcmask $0xF0C  }
0x171: {  	v0 =	vsel vm2, $0x40800000, v0;
	v1 =	vsel vm2, $0xC0800000, v1;
	vm2 =	vcmask $0x1310  }
0x172: {  	v0 =	vsel vm2, $0x40A00000, v0;
	v1 =	vsel vm2, $0xC0A00000, v1;
	vm2 =	vcmask $0x1714  }
0x173: {  	v0 =	vsel vm2, $0x40C00000, v0;
	v1 =	vsel vm2, $0xC0C00000, v1;
	vm2 =	vcmask $0x1B18  }
0x174: {  	v0 =	vsel vm2, $0x40E00000, v0;
	v1 =	vsel vm2, $0xC0E00000, v1;
	vm2 =	vcmask $0x1F1C  }
0x175: {  	v0 =	vsel vm2, $0x41000000, v0;
	v1 =	vsel vm2, $0xC1000000, v1;
	vm2 =	vcmask $0x2320  }
0x176: {  	v0 =	vsel vm2, $0x41100000, v0;
	v1 =	vsel vm2, $0xC1100000, v1;
	vm2 =	vcmask $0x2724  }
0x177: {  	v0 =	vsel vm2, $0x41200000, v0;
	v1 =	vsel vm2, $0xC1200000, v1  }
0x178: {  	s10 =	sshll.u32 s10, $0x2;
	v0 =	vsel vm13, $0x41300000, v0;
	v1 =	vsel vm13, $0xC1300000, v1  }
0x179: {  	s10 =	sand.u32 $0x3F00, s10;
	v0 =	vsel vm15, $0x41400000, v0;
	v1 =	vsel vm15, $0xC1400000, v1  }
0x17a: {  	s15 =	simm.s32 $0x4980;
	s14 =	sadd.s32 $0x30C4, s10;
	v0 =	vsel vm0, $0x41500000, v0;
	v1 =	vsel vm0, $0xC1500000, v1  }
0x17b: {  	s16 =	simm.s32 $0x4A00;
	s13 =	sshrl.u32 s10, $0x2;
	s14 =	sshrl.u32 s14, $0x2;
	vm0 =	vcmask $0x3B38;
	v0 =	vsel vm14, $0x41600000, v0;
	v1 =	vsel vm14, $0xC1600000, v1  }
0x17c: {  	s10 =	sadd.s32 $0xC30, s13;
	s13 =	sadd.s32 $0x3D30, s13;
	s14 =	sadd.s32 $0x1880, s14;
	v0 =	vsel vm0, $0x41700000, v0;
	v1 =	vsel vm0, $0xC1700000, v1  }
.LBB2_8:
0x17d: {  	v2 =	vld [tilespmem:s10+$0x0];
	_ =	sdelay $0x7  }
0x17e: {  	v2 =	vld.idx.msk [tilespmem:v2+s15+$0x0], $0xffff;
	_ =	sdelay $0x3  }
0x17f: {  	v3 =	vld [tilespmem:s14+$0xFFFFFFFF]  }
0x180: {  	v4 =	vld [tilespmem:s14+$0x0];
	(xrf2) =	vadd.scan.msk.f32 $0xffff, v2;
	_ =	sdelay $0x4  }
0x181: {  	vm0 =	vne.s32 v3, v4  }
0x182: {  	vm2 =	vmor vm0, vm1  }
0x183: {  	vm0 =	vmand vm0, vm4;
	_ =	sdelay $0x1  }
0x184: {  	s8 =	sadd.s32 $0x10, s8;
	v5 =	vadd.s32 $0x400, v3  }
0x185: {  	p1 =	slt.u32 s8, s6;
	v7 =	vadd.s32 $0x400, v4;
	v6, _, _ =	vpop (xrf2)  }
.Ltmp5:
0x186: {  	[tilespmem:s13+$0x0] =	vst v2;
	v2 =	vsub.f32 $0.0e+00, v6;
	(pc) =	sbr.rel @p1 .LBB2_8-.Ltmp5, $4  }
0x187: {  	[tilespmem:v3+s16+$0x0] =	vst.idx.add.f32.msk vm2, v6  }
0x188: {  	[tilespmem:v4+s16+$0x0] =	vst.idx.add.f32.msk vm0, v2  }
0x189: {  	[tilespmem:v5+s16+$0x0] =	vst.idx.add.f32.msk vm2, v0  }
0x18a: {  	s14 =	sadd.s32 $0x10, s14;
	s10 =	sadd.s32 $0x10, s10;
	s13 =	sadd.s32 $0x10, s13;
	[tilespmem:v7+s16+$0x0] =	vst.idx.add.f32.msk vm0, v1  }
.LBB2_9:
0x18b: {  	s8 =	simm.s32 $0x80;
	s13 =	simm.s32 $0x400;
	s10 =	simm.s32 $0x4A00  }
0x18c: {  	[spmem:s12] =	stream.strided.scatter [tilespmem:s10], [sflag:$0x4], $0x800, s13, s8, $0x38;
	[tilespmem:$0x6E40] =	vst v63  }
0x18d: {  	p1 =	sgt.u32 s0, $0x7;
	s10 =	simm.s32 $0x4  }
.Ltmp6:
0x18e: {  	_ =	swait.ge [sflag:s10], $0x800;
	(pc) =	sbr.rel @p1 .LBB2_11-.Ltmp6, $4  }
0x18f: {  	[sflag:s10] =	ssyncset.done $0x0  }
0x190: {  	[sflag:s10] =	ssyncadd.s32 $0xFFFFF800  }
0x191: {  	[bflag:$0x0] =	sbarrier.arrive $0xFFFF  }
0x192: {  	s8 =	sand.u32 $0xFC0, s11  }
0x193: {  	s11 =	sshll.u32 s0, $0xA  }
0x194: {  	s28 =	simm.s32 $0x4000;
	s12 =	simm.s32 $0x5200;
	s7 =	sadd.s32 s11, s7  }
0x195: {  	[tilespmem:s12], [sflag:$0x4] =	stream.strided.gather [spmem:s7], $0x800, s28, s13, $0x38;
	[tilespmem:$0x6E40] =	vst v63  }
0x196: {  	_ =	swait.ge [sflag:s10], $0x800  }
0x197: {  	[sflag:s10] =	ssyncset.done $0x0  }
0x198: {  	s29 =	simm.s32 $0x5A00;
	s7 =	sadd.s32 $0x2000, s7;
	[sflag:s10] =	ssyncadd.s32 $0xFFFFF800  }
0x199: {  	[tilespmem:s29], [sflag:$0x4] =	stream.strided.gather [spmem:s7], $0x800, s28, s13, $0x38;
	[tilespmem:$0x6E40] =	vst v63  }
0x19a: {  	_ =	swait.ge [sflag:s10], $0x800  }
0x19b: {  	[sflag:s10] =	ssyncset.done $0x0  }
0x19c: {  	[sflag:s10] =	ssyncadd.s32 $0xFFFFF800  }
0x19d: {  	v6 =	vld [tilespmem:$0x5200]  }
0x19e: {  	v7 =	vld [tilespmem:$0x5A00]  }
0x19f: {  	v9 =	vld [tilespmem:$0x5280]  }
0x1a0: {  	v10 =	vld [tilespmem:$0x5A80]  }
0x1a1: {  	v12 =	vld [tilespmem:$0x5300]  }
0x1a2: {  	v14 =	vld [tilespmem:$0x5B00]  }
0x1a3: {  	v15 =	vld [tilespmem:$0x5380]  }
0x1a4: {  	v16 =	vld [tilespmem:$0x5B80]  }
0x1a5: {  	v18 =	vld [tilespmem:$0x5400]  }
0x1a6: {  	v20 =	vld [tilespmem:$0x5C00]  }
0x1a7: {  	v21 =	vld [tilespmem:$0x5480]  }
0x1a8: {  	v23 =	vld [tilespmem:$0x5C80]  }
0x1a9: {  	v25 =	vld [tilespmem:$0x5500]  }
0x1aa: {  	v27 =	vld [tilespmem:$0x5D00]  }
0x1ab: {  	v29 =	vld [tilespmem:$0x5580]  }
0x1ac: {  	v31 =	vld [tilespmem:$0x5D80]  }
0x1ad: {  	v34 =	vld [tilespmem:$0x5600]  }
0x1ae: {  	v55 =	vld [tilespmem:$0x5E00]  }
0x1af: {  	v41 =	vld [tilespmem:$0x5680]  }
0x1b0: {  	v56 =	vld [tilespmem:$0x5E80]  }
0x1b1: {  	v48 =	vld [tilespmem:$0x5700]  }
0x1b2: {  	v57 =	vld [tilespmem:$0x5F00]  }
0x1b3: {  	v58 =	vld [tilespmem:$0x5780]  }
0x1b4: {  	v0 =	vld [tilespmem:$0x5F80]  }
0x1b5: {  	v50 =	vld [tilespmem:$0x5800]  }
0x1b6: {  	v51 =	vld [tilespmem:$0x6000]  }
0x1b7: {  	v52 =	vld [tilespmem:$0x5880]  }
0x1b8: {  	v53 =	vld [tilespmem:$0x6080]  }
0x1b9: {  	v54 =	vld [tilespmem:$0x5900]  }
0x1ba: {  	v59 =	vld [tilespmem:$0x6100]  }
0x1bb: {  	v60 =	vld [tilespmem:$0x5980]  }
0x1bc: {  	v61 =	vld [tilespmem:$0x6180]  }
0x1bd: {  	v1 =	vld [tilespmem:$0x5A10]  }
0x1be: {  	v2 =	vld [tilespmem:$0x5290]  }
0x1bf: {  	v3 =	vld [tilespmem:$0x5A90]  }
0x1c0: {  	v4 =	vld [tilespmem:$0x5310]  }
0x1c1: {  	v5 =	vld [tilespmem:$0x5B10]  }
0x1c2: {  	v8 =	vld [tilespmem:$0x5390]  }
0x1c3: {  	v11 =	vld [tilespmem:$0x5B90]  }
0x1c4: {  	v13 =	vld [tilespmem:$0x5410]  }
0x1c5: {  	v17 =	vld [tilespmem:$0x5C10]  }
0x1c6: {  	v19 =	vld [tilespmem:$0x5490]  }
0x1c7: {  	v22 =	vld [tilespmem:$0x5C90]  }
0x1c8: {  	v24 =	vld [tilespmem:$0x5510]  }
0x1c9: {  	v26 =	vld [tilespmem:$0x5D10]  }
0x1ca: {  	v28 =	vld [tilespmem:$0x5590]  }
0x1cb: {  	v30 =	vld [tilespmem:$0x5D90]  }
0x1cc: {  	v32 =	vld [tilespmem:$0x5610]  }
0x1cd: {  	v36 =	vld [tilespmem:$0x5E10]  }
0x1ce: {  	v39 =	vld [tilespmem:$0x5690]  }
0x1cf: {  	v42 =	vld [tilespmem:$0x5E90]  }
0x1d0: {  	v45 =	vld [tilespmem:$0x5710]  }
0x1d1: {  	v63 =	vld [tilespmem:$0x5810]  }
0x1d2: {  	v33 =	vld [tilespmem:$0x6010]  }
0x1d3: {  	v62 =	vld [tilespmem:$0x5890]  }
0x1d4: {  	v37 =	vld [tilespmem:$0x6090]  }
0x1d5: {  	v38 =	vld [tilespmem:$0x5910]  }
0x1d6: {  	v40 =	vld [tilespmem:$0x6110]  }
0x1d7: {  	v43 =	vld [tilespmem:$0x5990]  }
0x1d8: {  	v44 =	vld [tilespmem:$0x6190]  }
0x1d9: {  	v47 =	vld [tilespmem:$0x5AA0]  }
0x1da: {  	v49 =	vld [tilespmem:$0x5320]  }
0x1db: {  	v46 =	vld [tilespmem:$0x5BA0]  }
0x1dc: {  	v35 =	vld [tilespmem:$0x5A30]  }
0x1dd: {  	[tilespmem:$0x1FA90] =	vst v0;
	v0 =	vld [tilespmem:$0x5210]  }
0x1de: {  	[tilespmem:$0x1FAB0] =	vst v51;
	v51 =	vld [tilespmem:$0x5F10]  }
0x1df: {  	[tilespmem:$0x1FAC0] =	vst v52;
	v52 =	vld [tilespmem:$0x5790]  }
0x1e0: {  	[tilespmem:$0x1FAF0] =	vst v59;
	v59 =	vld [tilespmem:$0x5F90]  }
0x1e1: {  	[tilespmem:$0x1FB40] =	vst v37;
	v37 =	vld [tilespmem:$0x5220]  }
0x1e2: {  	[tilespmem:$0x1FB50] =	vst v38;
	v38 =	vld [tilespmem:$0x5A20]  }
0x1e3: {  	[tilespmem:$0x1FB80] =	vst v43;
	v43 =	vld [tilespmem:$0x52A0]  }
0x1e4: {  	[tilespmem:$0x1FAD0] =	vst v53;
	v53 =	vld [tilespmem:$0x5B20]  }
0x1e5: {  	[tilespmem:$0x1FB10] =	vst v61;
	v61 =	vld [tilespmem:$0x53A0]  }
0x1e6: {  	[tilespmem:$0x1FAA0] =	vst v50;
	v50 =	vld [tilespmem:$0x5420]  }
0x1e7: {  	[tilespmem:$0x1FAE0] =	vst v54;
	v54 =	vld [tilespmem:$0x5C20]  }
0x1e8: {  	[tilespmem:$0x1FB00] =	vst v60;
	v60 =	vld [tilespmem:$0x54A0]  }
0x1e9: {  	[tilespmem:$0x1FB30] =	vst v62;
	v62 =	vld [tilespmem:$0x5CA0]  }
0x1ea: {  	[tilespmem:$0x1FB60] =	vst v40;
	v40 =	vld [tilespmem:$0x5520]  }
0x1eb: {  	[tilespmem:$0x1FBA0] =	vst v44;
	v44 =	vld [tilespmem:$0x5D20]  }
0x1ec: {  	[tilespmem:$0x1FB70] =	vst v46;
	v46 =	vld [tilespmem:$0x55A0];
	v6 =	vadd.f32 $0.0e+00, v6  }
0x1ed: {  	[tilespmem:$0x1FB20] =	vst v33;
	v33 =	vld [tilespmem:$0x5230];
	v7 =	vadd.f32 $0.0e+00, v7  }
0x1ee: {  	v6 =	vadd.f32 v9, v6;
	v9 =	vld [tilespmem:$0x5EC0]  }
0x1ef: {  	v7 =	vadd.f32 v10, v7;
	v10 =	vld [tilespmem:$0x5F40]  }
0x1f0: {  	v6 =	vadd.f32 v12, v6;
	v12 =	vld [tilespmem:$0x5AC0]  }
0x1f1: {  	v7 =	vadd.f32 v14, v7;
	v14 =	vld [tilespmem:$0x53C0]  }
0x1f2: {  	[tilespmem:$0x1FB90] =	vst v50;
	v50 =	vld [tilespmem:$0x5DA0]  }
0x1f3: {  	[tilespmem:$0x1FBB0] =	vst v54;
	v54 =	vld [tilespmem:$0x5620]  }
0x1f4: {  	[tilespmem:$0x1FBC0] =	vst v60;
	v60 =	vld [tilespmem:$0x5E20]  }
0x1f5: {  	v1 =	vadd.f32 $0.0e+00, v1;
	[tilespmem:$0x1FBD0] =	vst v62;
	v62 =	vld [tilespmem:$0x56A0]  }
0x1f6: {  	[tilespmem:$0x1FBE0] =	vst v40;
	v40 =	vld [tilespmem:$0x5EA0]  }
0x1f7: {  	v1 =	vadd.f32 v3, v1;
	[tilespmem:$0x1FBF0] =	vst v44;
	v44 =	vld [tilespmem:$0x5720]  }
0x1f8: {  	[tilespmem:$0x1FC00] =	vst v46;
	v46 =	vld [tilespmem:$0x5F20]  }
0x1f9: {  	v1 =	vadd.f32 v5, v1;
	v6 =	vadd.f32 v15, v6;
	v15 =	vld [tilespmem:$0x5BC0]  }
0x1fa: {  	v7 =	vadd.f32 v16, v7;
	v16 =	vld [tilespmem:$0x5440]  }
0x1fb: {  	v1 =	vadd.f32 v11, v1;
	v11 =	vld [tilespmem:$0x1FA90]  }
0x1fc: {  	[tilespmem:$0x1FFB0] =	vst v9;
	v9 =	vld [tilespmem:$0x5FC0]  }
0x1fd: {  	[tilespmem:$0x1FFC0] =	vst v10;
	v10 =	vld [tilespmem:$0x6040]  }
0x1fe: {  	v6 =	vadd.f32 v18, v6;
	v18 =	vld [tilespmem:$0x5C40]  }
0x1ff: {  	v7 =	vadd.f32 v20, v7;
	v20 =	vld [tilespmem:$0x54C0]  }
0x200: {  	v1 =	vadd.f32 v17, v1;
	v17 =	vld [tilespmem:$0x60C0]  }
0x201: {  	[tilespmem:$0x1FEB0] =	vst v12;
	v12 =	vld [tilespmem:$0x5B40]  }
0x202: {  	[tilespmem:$0x1FE90] =	vst v14;
	v14 =	vld [tilespmem:$0x1FAC0]  }
0x203: {  	[tilespmem:$0x1FC10] =	vst v50;
	v50 =	vld [tilespmem:$0x57A0]  }
0x204: {  	[tilespmem:$0x1FC20] =	vst v54;
	v54 =	vld [tilespmem:$0x5FA0]  }
0x205: {  	[tilespmem:$0x1FC30] =	vst v60;
	v60 =	vld [tilespmem:$0x5820]  }
0x206: {  	v0 =	vadd.f32 $0.0e+00, v0;
	[tilespmem:$0x1FC40] =	vst v62;
	v62 =	vld [tilespmem:$0x6020]  }
0x207: {  	[tilespmem:$0x1FC60] =	vst v40;
	v40 =	vld [tilespmem:$0x58A0]  }
0x208: {  	v0 =	vadd.f32 v2, v0;
	[tilespmem:$0x1FC80] =	vst v44;
	v44 =	vld [tilespmem:$0x60A0]  }
0x209: {  	[tilespmem:$0x1FCA0] =	vst v46;
	v46 =	vld [tilespmem:$0x5920]  }
0x20a: {  	v0 =	vadd.f32 v4, v0;
	v6 =	vadd.f32 v21, v6;
	v21 =	vld [tilespmem:$0x5CC0]  }
0x20b: {  	v1 =	vadd.f32 v22, v1;
	v22 =	vadd.f32 $0.0e+00, v37;
	v37 =	vld [tilespmem:$0x1FBC0]  }
0x20c: {  	v0 =	vadd.f32 v8, v0;
	v8 =	vld [tilespmem:$0x5E40]  }
0x20d: {  	[tilespmem:$0x1FF10] =	vst v15;
	v15 =	vld [tilespmem:$0x1FAD0]  }
0x20e: {  	[tilespmem:$0x1FED0] =	vst v16;
	v16 =	vld [tilespmem:$0x1FAE0]  }
0x20f: {  	v7 =	vadd.f32 v23, v7;
	v6 =	vadd.f32 v25, v6;
	v25 =	vld [tilespmem:$0x5540]  }
0x210: {  	v1 =	vadd.f32 v26, v1;
	v26 =	vld [tilespmem:$0x57C0]  }
0x211: {  	v23 =	vadd.f32 v27, v7;
	v7 =	vld [tilespmem:$0x59C0]  }
0x212: {  	v0 =	vadd.f32 v13, v0;
	v13 =	vld [tilespmem:$0x1FAB0]  }
0x213: {  	[tilespmem:$0x1FF40] =	vst v18;
	v18 =	vld [tilespmem:$0x1FAF0]  }
0x214: {  	[tilespmem:$0x1FF00] =	vst v20;
	v20 =	vld [tilespmem:$0x1FB10]  }
0x215: {  	[tilespmem:$0x1FD20] =	vst v62;
	v62 =	vld [tilespmem:$0x5430]  }
0x216: {  	[tilespmem:$0x1FFF0] =	vst v17;
	v17 =	vld [tilespmem:$0x5C50]  }
0x217: {  	v27 =	vadd.f32 v29, v6;
	v29 =	vld [tilespmem:$0x5D40]  }
0x218: {  	v2 =	vadd.f32 v31, v23;
	v31 =	vld [tilespmem:$0x55C0]  }
0x219: {  	[tilespmem:$0x1FEE0] =	vst v12;
	v12 =	vld [tilespmem:$0x1FAA0]  }
0x21a: {  	[tilespmem:$0x1FC50] =	vst v62;
	v62 =	vld [tilespmem:$0x5C30]  }
0x21b: {  	v6 =	vld [tilespmem:$0x5250]  }
0x21c: {  	v1 =	vadd.f32 v30, v1;
	v30 =	vld [tilespmem:$0x1FB70]  }
0x21d: {  	v23 =	vadd.f32 $0.0e+00, v38;
	v38 =	vadd.f32 $0.0e+00, v33;
	v33 =	vld [tilespmem:$0x5650]  }
0x21e: {  	[tilespmem:$0x1FCC0] =	vst v50;
	v50 =	vld [tilespmem:$0x6120]  }
0x21f: {  	[tilespmem:$0x1FC70] =	vst v62;
	v62 =	vld [tilespmem:$0x54B0]  }
0x220: {  	[tilespmem:$0x1FCE0] =	vst v54;
	v54 =	vld [tilespmem:$0x59A0]  }
0x221: {  	[tilespmem:$0x1FD00] =	vst v60;
	v60 =	vld [tilespmem:$0x61A0]  }
0x222: {  	[tilespmem:$0x1FD40] =	vst v40;
	v40 =	vld [tilespmem:$0x52B0]  }
0x223: {  	[tilespmem:$0x1FD60] =	vst v44;
	v44 =	vld [tilespmem:$0x5AB0]  }
0x224: {  	[tilespmem:$0x1FC90] =	vst v62;
	v62 =	vld [tilespmem:$0x5CB0]  }
0x225: {  	[tilespmem:$0x1FD80] =	vst v46;
	v46 =	vld [tilespmem:$0x5330]  }
0x226: {  	[tilespmem:$0x1FF70] =	vst v21;
	v21 =	vld [tilespmem:$0x5840]  }
0x227: {  	v0 =	vadd.f32 v19, v0;
	v19 =	vld [tilespmem:$0x1FB00]  }
0x228: {  	v2 =	vadd.f32 v55, v2;
	v55 =	vld [tilespmem:$0x5640]  }
0x229: {  	[tilespmem:$0x1FCB0] =	vst v62;
	v62 =	vld [tilespmem:$0x5530]  }
0x22a: {  	[tilespmem:$0x1FFA0] =	vst v8;
	v8 =	vld [tilespmem:$0x52D0]  }
0x22b: {  	v3 =	vadd.f32 v34, v27;
	v27 =	vld [tilespmem:$0x1FB40]  }
0x22c: {  	v34 =	vld [tilespmem:$0x1FBA0]  }
0x22d: {  	v1 =	vadd.f32 v36, v1;
	v36 =	vld [tilespmem:$0x1FBB0]  }
0x22e: {  	[tilespmem:$0x1FCD0] =	vst v62;
	v62 =	vld [tilespmem:$0x5D30]  }
0x22f: {  	v0 =	vadd.f32 v24, v0;
	v24 =	vld [tilespmem:$0x1FB20]  }
0x230: {  	[tilespmem:$0x1FF30] =	vst v25;
	v25 =	vld [tilespmem:$0x1FB30]  }
0x231: {  	v2 =	vadd.f32 v56, v2;
	v56 =	vld [tilespmem:$0x56C0]  }
0x232: {  	v1 =	vadd.f32 v42, v1;
	v42 =	vld [tilespmem:$0x1FBE0]  }
0x233: {  	[tilespmem:$0x1FCF0] =	vst v62;
	v62 =	vld [tilespmem:$0x55B0]  }
0x234: {  	v3 =	vadd.f32 v41, v3;
	v41 =	vadd.f32 $0.0e+00, v35;
	v35 =	vld [tilespmem:$0x5750]  }
0x235: {  	v0 =	vadd.f32 v28, v0;
	v28 =	vld [tilespmem:$0x1FB50]  }
0x236: {  	[tilespmem:$0x1FF80] =	vst v29;
	v29 =	vld [tilespmem:$0x1FB60]  }
0x237: {  	[tilespmem:$0x1FF60] =	vst v31;
	v31 =	vld [tilespmem:$0x1FB80]  }
0x238: {  	[tilespmem:$0x1FD10] =	vst v62;
	v62 =	vld [tilespmem:$0x5DB0]  }
0x239: {  	[tilespmem:$0x1FDA0] =	vst v50;
	v50 =	vld [tilespmem:$0x5B30]  }
0x23a: {  	[tilespmem:$0x1FDE0] =	vst v54;
	v54 =	vld [tilespmem:$0x53B0]  }
0x23b: {  	[tilespmem:$0x1FE20] =	vst v60;
	v60 =	vld [tilespmem:$0x5BB0]  }
0x23c: {  	v2 =	vadd.f32 v57, v2;
	v57 =	vld [tilespmem:$0x5740]  }
0x23d: {  	[tilespmem:$0x1FD30] =	vst v62;
	v62 =	vld [tilespmem:$0x5630]  }
0x23e: {  	v3 =	vadd.f32 v48, v3;
	v48 =	vld [tilespmem:$0x1FC30]  }
0x23f: {  	v1 =	vadd.f32 v51, v1;
	v51 =	vld [tilespmem:$0x1FC60]  }
0x240: {  	v0 =	vadd.f32 v32, v0;
	v32 =	vld [tilespmem:$0x1FB90]  }
0x241: {  	v2 =	vadd.f32 v11, v2;
	v11 =	vld [tilespmem:$0x58C0]  }
0x242: {  	[tilespmem:$0x1FD50] =	vst v62;
	v62 =	vld [tilespmem:$0x5E30]  }
0x243: {  	v3 =	vadd.f32 v58, v3;
	v58 =	vld [tilespmem:$0x61C0]  }
0x244: {  	v0 =	vadd.f32 v39, v0;
	v39 =	vld [tilespmem:$0x1FBD0]  }
0x245: {  	v3 =	vadd.f32 v12, v3;
	v12 =	vld [tilespmem:$0x5940]  }
0x246: {  	v1 =	vadd.f32 v59, v1;
	v2 =	vadd.f32 v13, v2;
	v13 =	vld [tilespmem:$0x5A50]  }
0x247: {  	[tilespmem:$0x1FD70] =	vst v62;
	v62 =	vld [tilespmem:$0x56B0]  }
0x248: {  	v1 =	vadd.f32 v24, v1;
	v24 =	vld [tilespmem:$0x1FCC0]  }
0x249: {  	v0 =	vadd.f32 v45, v0;
	v45 =	vld [tilespmem:$0x1FC00]  }
0x24a: {  	v3 =	vadd.f32 v14, v3;
	v14 =	vld [tilespmem:$0x5AD0]  }
0x24b: {  	v1 =	vadd.f32 v27, v1;
	v27 =	vld [tilespmem:$0x5350]  }
0x24c: {  	[tilespmem:$0x1FD90] =	vst v62;
	v62 =	vld [tilespmem:$0x5EB0]  }
0x24d: {  	v2 =	vadd.f32 v15, v2;
	v15 =	vld [tilespmem:$0x5B50]  }
0x24e: {  	v0 =	vadd.f32 v52, v0;
	v52 =	vld [tilespmem:$0x1FC70]  }
0x24f: {  	v3 =	vadd.f32 v16, v3;
	v16 =	vld [tilespmem:$0x5BD0]  }
0x250: {  	v1 =	vadd.f32 v29, v1;
	v29 =	vld [tilespmem:$0x5450]  }
0x251: {  	[tilespmem:$0x1FDB0] =	vst v62;
	v62 =	vld [tilespmem:$0x5730]  }
0x252: {  	v2 =	vadd.f32 v18, v2;
	v18 =	vld [tilespmem:$0x5CD0]  }
0x253: {  	v3 =	vadd.f32 v19, v3;
	v19 =	vld [tilespmem:$0x5D50]  }
0x254: {  	v2 =	vadd.f32 v20, v2;
	v20 =	vld [tilespmem:$0x5DD0]  }
0x255: {  	v13 =	vadd.f32 $0.0e+00, v13;
	v59 =	vadd.f32 v34, v1;
	v34 =	vld [tilespmem:$0x56D0]  }
0x256: {  	[tilespmem:$0x1FDC0] =	vst v62;
	v62 =	vld [tilespmem:$0x5F30]  }
0x257: {  	v13 =	vadd.f32 v14, v13;
	v14 =	vld [tilespmem:$0x5DE0]  }
0x258: {  	[tilespmem:$0x1FFE0] =	vst v2;
	v2 =	vadd.f32 v43, v22;
	v43 =	vld [tilespmem:$0x1FBF0]  }
0x259: {  	v0 =	vadd.f32 v63, v0;
	[tilespmem:$0x1FFD0] =	vst v3;
	v3 =	vadd.f32 v47, v23;
	v47 =	vld [tilespmem:$0x1FC20]  }
0x25a: {  	v22 =	vld [tilespmem:$0x5E50]  }
0x25b: {  	v0 =	vadd.f32 v25, v0;
	[tilespmem:$0x1FDF0] =	vst v62;
	v62 =	vld [tilespmem:$0x57B0]  }
0x25c: {  	v23 =	vld [tilespmem:$0x5ED0]  }
0x25d: {  	v0 =	vadd.f32 v28, v0;
	v28 =	vld [tilespmem:$0x53D0]  }
0x25e: {  	v13 =	vadd.f32 v15, v13;
	v15 =	vld [tilespmem:$0x5E60]  }
0x25f: {  	v2 =	vadd.f32 v49, v2;
	v49 =	vld [tilespmem:$0x1FC40]  }
0x260: {  	[tilespmem:$0x1FE00] =	vst v62;
	v62 =	vld [tilespmem:$0x5FB0]  }
0x261: {  	v3 =	vadd.f32 v53, v3;
	v53 =	vld [tilespmem:$0x1FC80]  }
0x262: {  	v13 =	vadd.f32 v16, v13;
	v16 =	vld [tilespmem:$0x5EE0]  }
0x263: {  	v3 =	vadd.f32 v30, v3;
	v30 =	vld [tilespmem:$0x54D0]  }
0x264: {  	v2 =	vadd.f32 v61, v2;
	v61 =	vadd.f32 v31, v0;
	v31 =	vld [tilespmem:$0x5550]  }
0x265: {  	[tilespmem:$0x1FE30] =	vst v62;
	v62 =	vld [tilespmem:$0x5830]  }
0x266: {  	v63 =	vld [tilespmem:$0x1FCB0]  }
0x267: {  	v13 =	vadd.f32 v17, v13;
	v17 =	vld [tilespmem:$0x5F60]  }
0x268: {  	v6 =	vadd.f32 $0.0e+00, v6;
	v0 =	vadd.f32 v32, v2;
	v32 =	vld [tilespmem:$0x55D0]  }
0x269: {  	v1 =	vadd.f32 v36, v3;
	v36 =	vld [tilespmem:$0x1FCE0]  }
0x26a: {  	v8 =	vadd.f32 v8, v6;
	[tilespmem:$0x1FE40] =	vst v62;
	v62 =	vld [tilespmem:$0x6030]  }
0x26b: {  	v2 =	vadd.f32 v40, v38;
	v38 =	vld [tilespmem:$0x1FD00]  }
0x26c: {  	v27 =	vadd.f32 v27, v8;
	v40 =	vld [tilespmem:$0x1FD20]  }
0x26d: {  	v3 =	vadd.f32 v44, v41;
	v44 =	vld [tilespmem:$0x1FD60]  }
0x26e: {  	v27 =	vadd.f32 v28, v27;
	v28 =	vld [tilespmem:$0x5560]  }
0x26f: {  	[tilespmem:$0x1FE60] =	vst v62;
	v62 =	vld [tilespmem:$0x58B0]  }
0x270: {  	v13 =	vadd.f32 v18, v13;
	v18 =	vld [tilespmem:$0x5FE0]  }
0x271: {  	v2 =	vadd.f32 v46, v2;
	v46 =	vld [tilespmem:$0x1FC10]  }
0x272: {  	v3 =	vadd.f32 v50, v3;
	v50 =	vld [tilespmem:$0x1FC50]  }
0x273: {  	v27 =	vadd.f32 v29, v27;
	v29 =	vld [tilespmem:$0x55E0]  }
0x274: {  	[tilespmem:$0x1FE80] =	vst v62;
	v62 =	vld [tilespmem:$0x60B0]  }
0x275: {  	v25 =	vld [tilespmem:$0x1FCD0]  }
0x276: {  	v0 =	vadd.f32 v37, v0;
	v2 =	vadd.f32 v54, v2;
	v54 =	vld [tilespmem:$0x1FC90]  }
0x277: {  	v3 =	vadd.f32 v60, v3;
	v60 =	vld [tilespmem:$0x1FCA0]  }
0x278: {  	v1 =	vadd.f32 v39, v1;
	v0 =	vadd.f32 v42, v0;
	v42 =	vld [tilespmem:$0x1FD40]  }
0x279: {  	v27 =	vadd.f32 v30, v27;
	[tilespmem:$0x1FEA0] =	vst v62;
	v62 =	vld [tilespmem:$0x5930]  }
0x27a: {  	v1 =	vadd.f32 v43, v1;
	v30 =	vld [tilespmem:$0x5660]  }
0x27b: {  	v27 =	vadd.f32 v31, v27;
	v31 =	vld [tilespmem:$0x56E0]  }
0x27c: {  	v1 =	vadd.f32 v46, v1;
	v46 =	vld [tilespmem:$0x1FD80]  }
0x27d: {  	v37 =	vld [tilespmem:$0x1FCF0]  }
0x27e: {  	v0 =	vadd.f32 v45, v0;
	[tilespmem:$0x1FEC0] =	vst v62;
	v62 =	vld [tilespmem:$0x6130]  }
0x27f: {  	v2 =	vadd.f32 v50, v2;
	v27 =	vadd.f32 v32, v27;
	v32 =	vld [tilespmem:$0x5760]  }
0x280: {  	v1 =	vadd.f32 v48, v1;
	v48 =	vld [tilespmem:$0x1FDA0]  }
0x281: {  	v0 =	vadd.f32 v47, v0;
	v2 =	vadd.f32 v54, v2;
	v54 =	vld [tilespmem:$0x1FDE0]  }
0x282: {  	v3 =	vadd.f32 v52, v3;
	v27 =	vadd.f32 v33, v27;
	v33 =	vld [tilespmem:$0x57E0]  }
0x283: {  	v0 =	vadd.f32 v49, v0;
	[tilespmem:$0x1FEF0] =	vst v62;
	v62 =	vld [tilespmem:$0x59B0]  }
0x284: {  	v3 =	vadd.f32 v63, v3;
	v2 =	vadd.f32 v25, v2;
	v25 =	vld [tilespmem:$0x5FD0]  }
0x285: {  	v1 =	vadd.f32 v51, v1;
	v0 =	vadd.f32 v53, v0;
	v39 =	vld [tilespmem:$0x1FD10]  }
0x286: {  	v3 =	vadd.f32 v37, v3;
	v37 =	vld [tilespmem:$0x5850]  }
0x287: {  	v1 =	vadd.f32 v60, v1;
	v0 =	vadd.f32 v24, v0;
	v24 =	vld [tilespmem:$0x5F50]  }
0x288: {  	[tilespmem:$0x1FF20] =	vst v62;
	v62 =	vld [tilespmem:$0x61B0]  }
0x289: {  	v1 =	vadd.f32 v36, v1;
	v36 =	vld [tilespmem:$0x57D0]  }
0x28a: {  	v0 =	vadd.f32 v38, v0;
	v38 =	vld [tilespmem:$0x58D0]  }
0x28b: {  	v1 =	vadd.f32 v40, v1;
	v40 =	vld [tilespmem:$0x5950]  }
0x28c: {  	v41 =	vld [tilespmem:$0x1FD30]  }
0x28d: {  	[tilespmem:$0x1FF50] =	vst v62;
	v62 =	vld [tilespmem:$0x5240]  }
0x28e: {  	v43 =	vld [tilespmem:$0x1FD50]  }
0x28f: {  	v1 =	vadd.f32 v44, v1;
	v44 =	vld [tilespmem:$0x59D0]  }
0x290: {  	v47 =	vld [tilespmem:$0x1FD90]  }
0x291: {  	v2 =	vadd.f32 v39, v2;
	v4 =	vadd.f32 v41, v3;
	v3 =	vld [tilespmem:$0x6050]  }
0x292: {  	[tilespmem:$0x1FDD0] =	vst v62;
	v62 =	vld [tilespmem:$0x5A40]  }
0x293: {  	v2 =	vadd.f32 v43, v2;
	v45 =	vld [tilespmem:$0x1FD70]  }
0x294: {  	v49 =	vld [tilespmem:$0x1FDB0]  }
0x295: {  	v2 =	vadd.f32 v47, v2;
	v47 =	vld [tilespmem:$0x1FE20]  }
0x296: {  	v50 =	vld [tilespmem:$0x1FDC0]  }
0x297: {  	[tilespmem:$0x1FE70] =	vst v62;
	v62 =	vld [tilespmem:$0x52C0]  }
0x298: {  	v60 =	vld [tilespmem:$0x1FDF0]  }
0x299: {  	v5 =	vadd.f32 v45, v4;
	v45 =	vld [tilespmem:$0x1FE00]  }
0x29a: {  	v39 =	vadd.f32 v48, v1;
	v48 =	vld [tilespmem:$0x1FE30]  }
0x29b: {  	v52 =	vld [tilespmem:$0x1FDD0]  }
0x29c: {  	v0 =	vadd.f32 v42, v0;
	[tilespmem:$0x1FE10] =	vst v62;
	v62 =	vld [tilespmem:$0x5340]  }
0x29d: {  	v1 =	vadd.f32 v49, v5;
	v51 =	vadd.f32 v50, v2;
	v49 =	vld [tilespmem:$0x1FE40]  }
0x29e: {  	v0 =	vadd.f32 v46, v0;
	v46 =	vld [tilespmem:$0x1FE10]  }
0x29f: {  	v41 =	vadd.f32 v45, v51;
	v51 =	vld [tilespmem:$0x1FE60]  }
0x2a0: {  	v63 =	vadd.f32 v60, v1;
	v60 =	vld [tilespmem:$0x1FEA0]  }
0x2a1: {  	v5 =	vadd.f32 v54, v0;
	v53 =	vadd.f32 $0.0e+00, v52;
	v52 =	vld [tilespmem:$0x1FE70];
	[tilespmem:$0x1FE50] =	vst v62  }
0x2a2: {  	v0 =	vadd.f32 v47, v39;
	v39 =	vadd.f32 v48, v63;
	v50 =	vld [tilespmem:$0x1FE50]  }
0x2a3: {  	v42 =	vadd.f32 v46, v53;
	v53 =	vld [tilespmem:$0x1FE80]  }
0x2a4: {  	v54 =	vld [tilespmem:$0x1FE90];
	v39 =	vadd.f32 v51, v39  }
0x2a5: {  	v63 =	vld [tilespmem:$0x1FEB0]  }
0x2a6: {  	v41 =	vadd.f32 v49, v41;
	v39 =	vadd.f32 v60, v39;
	v60 =	vld [tilespmem:$0x1FEF0]  }
0x2a7: {  	v43 =	vld [tilespmem:$0x5260];
	v42 =	vadd.f32 v50, v42  }
0x2a8: {  	v46 =	vadd.f32 $0.0e+00, v52;
	v41 =	vadd.f32 v53, v41;
	v53 =	vld [tilespmem:$0x1FED0]  }
0x2a9: {  	v42 =	vadd.f32 v54, v42;
	v54 =	vld [tilespmem:$0x1FEE0]  }
0x2aa: {  	v46 =	vadd.f32 v63, v46;
	v63 =	vld [tilespmem:$0x1FF00]  }
0x2ab: {  	v39 =	vadd.f32 v60, v39;
	v60 =	vld [tilespmem:$0x1FF10]  }
0x2ac: {  	v4 =	vld [tilespmem:$0x60D0]  }
0x2ad: {  	v52 =	vld [tilespmem:$0x1FEC0];
	v42 =	vadd.f32 v53, v42  }
0x2ae: {  	v47 =	vld [tilespmem:$0x52E0];
	v46 =	vadd.f32 v54, v46  }
0x2af: {  	v42 =	vadd.f32 v63, v42;
	v63 =	vld [tilespmem:$0x1FF20]  }
0x2b0: {  	v46 =	vadd.f32 v60, v46;
	v60 =	vld [tilespmem:$0x1FF40]  }
0x2b1: {  	v2 =	vld [tilespmem:$0x6150]  }
0x2b2: {  	v1 =	vld [tilespmem:$0x61D0];
	v41 =	vadd.f32 v52, v41  }
0x2b3: {  	v54 =	vld [tilespmem:$0x1FF30]  }
0x2b4: {  	v6 =	vadd.f32 v63, v41;
	v63 =	vld [tilespmem:$0x1FF50]  }
0x2b5: {  	v46 =	vadd.f32 v60, v46;
	v60 =	vld [tilespmem:$0x1FF60]  }
0x2b6: {  	v45 =	vld [tilespmem:$0x5A60]  }
0x2b7: {  	v62 =	vld [tilespmem:$0x5DC0]  }
0x2b8: {  	v48 =	vld [tilespmem:$0x5AE0];
	v41 =	vadd.f32 v54, v42  }
0x2b9: {  	v49 =	vld [tilespmem:$0x5360]  }
0x2ba: {  	v8 =	vadd.f32 v63, v39;
	v39 =	vadd.f32 v60, v41;
	v60 =	vld [tilespmem:$0x1FF70]  }
0x2bb: {  	v51 =	vld [tilespmem:$0x53E0]  }
0x2bc: {  	[tilespmem:$0x1FF90] =	vst v62;
	v62 =	vld [tilespmem:$0x6140]  }
0x2bd: {  	v50 =	vld [tilespmem:$0x5B60]  }
0x2be: {  	v52 =	vld [tilespmem:$0x5BE0];
	v39 =	vadd.f32 v55, v39  }
0x2bf: {  	v46 =	vadd.f32 v60, v46;
	v60 =	vld [tilespmem:$0x1FF80]  }
0x2c0: {  	v53 =	vld [tilespmem:$0x5460];
	v39 =	vadd.f32 v56, v39  }
0x2c1: {  	v63 =	vld [tilespmem:$0x1FF90]  }
0x2c2: {  	v42 =	vld [tilespmem:$0x5C60];
	v39 =	vadd.f32 v57, v39  }
0x2c3: {  	v54 =	vld [tilespmem:$0x54E0]  }
0x2c4: {  	v26 =	vadd.f32 v26, v39;
	v46 =	vadd.f32 v60, v46;
	v60 =	vld [tilespmem:$0x1FFA0]  }
0x2c5: {  	v41 =	vld [tilespmem:$0x5CE0]  }
0x2c6: {  	v21 =	vadd.f32 v21, v26;
	v46 =	vadd.f32 v63, v46;
	v63 =	vld [tilespmem:$0x1FFB0]  }
0x2c7: {  	v55 =	vld [tilespmem:$0x5D60]  }
0x2c8: {  	v56 =	vld [tilespmem:$0x1FFC0];
	v57 =	vadd.f32 v34, v27;
	v11 =	vadd.f32 v11, v21  }
0x2c9: {  	v34 =	vld [tilespmem:$0x52F0];
	v46 =	vadd.f32 v60, v46  }
0x2ca: {  	v27 =	vadd.f32 v35, v57;
	v57 =	vld [tilespmem:$0x5AF0];
	v11 =	vadd.f32 v12, v11  }
0x2cb: {  	v60 =	vld [tilespmem:$0x5270];
	v39 =	vadd.f32 v63, v46;
	v63 =	vadd.f32 v19, v13  }
0x2cc: {  	v12 =	vld [tilespmem:$0x58E0];
	v7 =	vadd.f32 v7, v11  }
0x2cd: {  	v13 =	vld [tilespmem:$0x5860];
	v26 =	vadd.f32 v56, v39;
	v35 =	vadd.f32 v20, v63  }
0x2ce: {  	v46 =	vld [tilespmem:$0x53F0];
	v39 =	vadd.f32 $0.0e+00, v43;
	v63 =	vadd.f32 $0.0e+00, v45  }
0x2cf: {  	v43 =	vld [tilespmem:$0x5370];
	v9 =	vadd.f32 v9, v26;
	v11 =	vadd.f32 v22, v35  }
0x2d0: {  	v56 =	vld [tilespmem:$0x54F0];
	v26 =	vadd.f32 $0.0e+00, v60;
	v20 =	vadd.f32 v47, v39  }
0x2d1: {  	v45 =	vld [tilespmem:$0x5CF0];
	v9 =	vadd.f32 v10, v9;
	v10 =	vadd.f32 v36, v27  }
0x2d2: {  	v22 =	vld [tilespmem:$0x5960];
	v11 =	vadd.f32 v23, v11;
	v19 =	vadd.f32 v34, v26  }
0x2d3: {  	v20 =	vadd.f32 v49, v20;
	v49 =	vld [tilespmem:$0x5A70];
	v34 =	vadd.f32 v48, v63  }
0x2d4: {  	v47 =	vld [tilespmem:$0x5470];
	v10 =	vadd.f32 v37, v10;
	v11 =	vadd.f32 v24, v11  }
0x2d5: {  	v60 =	vld [tilespmem:$0x5570];
	v19 =	vadd.f32 v43, v19;
	v20 =	vadd.f32 v51, v20  }
0x2d6: {  	v39 =	vld [tilespmem:$0x5670];
	v10 =	vadd.f32 v38, v10;
	v11 =	vadd.f32 v25, v11  }
0x2d7: {  	v35 =	vld [tilespmem:$0x6070];
	v19 =	vadd.f32 v46, v19;
	v20 =	vadd.f32 v53, v20  }
0x2d8: {  	v23 =	vld [tilespmem:$0x59E0];
	v21 =	vadd.f32 $0.0e+00, v49;
	v10 =	vadd.f32 v40, v10  }
0x2d9: {  	v36 =	vld [tilespmem:$0x5B70];
	v19 =	vadd.f32 v47, v19;
	v20 =	vadd.f32 v54, v20  }
0x2da: {  	v37 =	vld [tilespmem:$0x55F0];
	v40 =	vadd.f32 v50, v34;
	v3 =	vadd.f32 v3, v11  }
0x2db: {  	v38 =	vld [tilespmem:$0x5BF0];
	v21 =	vadd.f32 v57, v21;
	v19 =	vadd.f32 v56, v19  }
0x2dc: {  	v48 =	vld [tilespmem:$0x1FFD0];
	v10 =	vadd.f32 v44, v10;
	v20 =	vadd.f32 v28, v20  }
0x2dd: {  	v43 =	vld [tilespmem:$0x5C70];
	v28 =	vadd.f32 v52, v40;
	v19 =	vadd.f32 v60, v19  }
0x2de: {  	v44 =	vld [tilespmem:$0x56F0];
	v21 =	vadd.f32 v36, v21;
	v20 =	vadd.f32 v29, v20  }
0x2df: {  	v51 =	vld [tilespmem:$0x5870];
	v3 =	vadd.f32 v4, v3;
	v19 =	vadd.f32 v37, v19  }
0x2e0: {  	v46 =	vld [tilespmem:$0x5770];
	v21 =	vadd.f32 v38, v21;
	v20 =	vadd.f32 v30, v20  }
0x2e1: {  	v47 =	vld [tilespmem:$0x5D70];
	v28 =	vadd.f32 v42, v28;
	v19 =	vadd.f32 v39, v19  }
0x2e2: {  	v49 =	vld [tilespmem:$0x57F0];
	v21 =	vadd.f32 v43, v21;
	v20 =	vadd.f32 v31, v20  }
0x2e3: {  	v50 =	vld [tilespmem:$0x5DF0];
	v28 =	vadd.f32 v41, v28;
	v19 =	vadd.f32 v44, v19  }
0x2e4: {  	v53 =	vld [tilespmem:$0x58F0];
	(erf) = vrcp.f32 v48;
	v21 =	vadd.f32 v45, v21;
	v20 =	vadd.f32 v32, v20  }
0x2e5: {  	v52 =	vld [tilespmem:$0x5E70];
	v28 =	vadd.f32 v55, v28;
	v19 =	vadd.f32 v46, v19  }
0x2e6: {  	v54 =	vld [tilespmem:$0x5EF0];
	v21 =	vadd.f32 v47, v21;
	v20 =	vadd.f32 v33, v20  }
0x2e7: {  	v56 =	vld [tilespmem:$0x5970];
	v14 =	vadd.f32 v14, v28;
	v19 =	vadd.f32 v49, v19  }
0x2e8: {  	v60 =	vld [tilespmem:$0x5F70];
	v55 =	vadd.f32 v50, v21;
	v13 =	vadd.f32 v13, v20  }
0x2e9: {  	(erf) = vrcp.f32 v61;
	v42 =	vld [tilespmem:$0x1FFF0];
	v14 =	vadd.f32 v15, v14;
	v57 =	vadd.f32 v51, v19  }
0x2ea: {  	(erf) = vrcp.f32 v5;
	v28 =	vld [tilespmem:$0x59F0];
	v63 =	vadd.f32 v52, v55;
	v61 =	vadd.f32 v12, v13  }
0x2eb: {  	v31 =	vld [tilespmem:$0x5FF0];
	v14 =	vadd.f32 v16, v14;
	v15 =	vadd.f32 v53, v57  }
0x2ec: {  	v32 =	vld [tilespmem:$0x6060];
	v12 =	vadd.f32 v54, v63;
	v5 =	vadd.f32 v22, v61  }
0x2ed: {  	v29 =	vld [tilespmem:$0x1FFE0];
	v30 =	vpop (erf);
	(erf) = vrcp.f32 v6;
	v33 =	vadd.f32 v17, v14;
	v34 =	vadd.f32 v56, v15  }
0x2ee: {  	v37 =	vld [tilespmem:$0x60E0];
	(erf) = vrcp.f32 v7;
	v36 =	vadd.f32 v60, v12;
	v5 =	vadd.f32 v23, v5  }
0x2ef: {  	v39 =	vld [tilespmem:$0x60F0];
	(erf) = vrcp.f32 v10;
	v6 =	vadd.f32 v18, v33;
	v38 =	vadd.f32 v28, v34  }
0x2f0: {  	v2 =	vadd.f32 v2, v3;
	v41 =	vld [tilespmem:$0x6160];
	v40 =	vadd.f32 v31, v36;
	(erf) = vrcp.f32 v5  }
0x2f1: {  	v43 =	vld [tilespmem:$0x6170];
	v9 =	vadd.f32 v42, v9;
	v6 =	vadd.f32 v32, v6;
	(erf) = vrcp.f32 v38  }
0x2f2: {  	v0 =	vmax.f32 v0, $1.000000000e+00;
	v1 =	vadd.f32 v1, v2;
	v44 =	vpop (erf);
	v46 =	vld [tilespmem:$0x61E0];
	v5 =	vadd.f32 v35, v40  }
0x2f3: {  	v45 =	vmax.f32 v59, $1.000000000e+00;
	v9 =	vadd.f32 v62, v9;
	v47 =	vld [tilespmem:$0x61F0];
	v48 =	vpop (erf);
	v6 =	vadd.f32 v37, v6  }
0x2f4: {  	v4 =	vmul.f32 v45, v44;
	v0 =	vmul.f32 v0, v48;
	v49 =	vadd.f32 v39, v5  }
0x2f5: {  	v50 =	vadd.f32 v58, v9;
	v20 =	vmax.f32 v29, $1.000000000e+00;
	v6 =	vadd.f32 v41, v6  }
0x2f6: {  	[tilespmem:$0x6210] =	vst v4;
	v16 =	vmul.f32 v20, v30;
	v52 =	vmax.f32 v8, $1.000000000e+00;
	v51 =	vpop (erf);
	v3 =	vadd.f32 v43, v49  }
0x2f7: {  	[tilespmem:$0x6220] =	vst v0;
	v54 =	vmax.f32 v50, $1.000000000e+00;
	v53 =	vpop (erf);
	v2 =	vmul.f32 v52, v51;
	v55 =	vadd.f32 v46, v6  }
0x2f8: {  	v1 =	vmax.f32 v1, $1.000000000e+00;
	[tilespmem:$0x6200] =	vst v16;
	v57 =	vmul.f32 v54, v53;
	v56 =	vpop (erf);
	v3 =	vadd.f32 v47, v3  }
0x2f9: {  	[tilespmem:$0x6230] =	vst v2;
	v1 =	vmul.f32 v1, v56;
	v59 =	vmax.f32 v55, $1.000000000e+00;
	v58 =	vpop (erf)  }
0x2fa: {  	[tilespmem:$0x6240] =	vst v57;
	v61 =	vmax.f32 v3, $1.000000000e+00;
	v60 =	vmul.f32 v59, v58;
	v62 =	vpop (erf)  }
0x2fb: {  	[tilespmem:$0x6250] =	vst v1;
	v63 =	vmul.f32 v61, v62  }
0x2fc: {  	[tilespmem:$0x6260] =	vst v60  }
0x2fd: {  	s30 =	sadd.s32 s9, s5;
	s31 =	simm.s32 $0x6200;
	[tilespmem:$0x6270] =	vst v63  }
0x2fe: {  	[spmem:s30] =	stream.linear.scatter [tilespmem:s31], [sflag:$0x4], $0x80, $0x38;
	[tilespmem:$0x6E40] =	vst v63  }
0x2ff: {  	_ =	swait.ge [sflag:s10], $0x80  }
0x300: {  	[sflag:s10] =	ssyncset.done $0x0  }
0x301: {  	[sflag:s10] =	ssyncadd.s32 $0xFFFFFF80  }
.LBB2_11:
0x302: {  	[bflag:$0x0] =	sbarrier.arrive $0xFFFF;
	s7 =	simm.s32 $0x6200  }
0x303: {  	[tilespmem:s7], [sflag:$0x4] =	stream.linear.gather [spmem:s5], $0x400, $0x38;
	[tilespmem:$0x6E40] =	vst v63  }
0x304: {  	_ =	swait.ge [sflag:s10], $0x400  }
0x305: {  	[sflag:s10] =	ssyncset.done $0x0  }
0x306: {  	s31 =	simm.s32 $0x18A0;
	[sflag:s10] =	ssyncadd.s32 $0xFFFFFC00  }
0x307: {  	v0 =	vld [tilespmem:s31+$0x10]  }
0x308: {  	v1 =	vld [tilespmem:s31+$0xFFFFFFF0]  }
0x309: {  	v2 =	vld [tilespmem:s31+$0xFFFFFFE0]  }
0x30a: {  	s5 =	simm.s32 $0x3120;
	v3 =	vld [tilespmem:s31+$0x0]  }
0x30b: {  	s9 =	simm.s32 $0x18E0;
	v7 =	vld [tilespmem:s5+$0x10]  }
0x30c: {  	v4 =	vld [tilespmem:s9+$0x10]  }
0x30d: {  	v9 =	vld [tilespmem:s9+$0xFFFFFFF0]  }
0x30e: {  	v10 =	vld [tilespmem:s9+$0xFFFFFFE0]  }
0x30f: {  	v11 =	vld [tilespmem:s5+$0xFFFFFFE0]  }
0x310: {  	v12 =	vld [tilespmem:s5+$0xFFFFFFF0]  }
0x311: {  	v5 =	vld [tilespmem:s5+$0x0]  }
0x312: {  	v6 =	vld.idx.msk [tilespmem:v0+s7+$0x0], $0xffff  }
0x313: {  	v8 =	vld.idx.msk [tilespmem:v1+s7+$0x0], $0xffff  }
0x314: {  	v2 =	vld.idx.msk [tilespmem:v2+s7+$0x0], $0xffff  }
0x315: {  	v0 =	vld [tilespmem:s9+$0x0]  }
0x316: {  	v1 =	vld.idx.msk [tilespmem:v3+s7+$0x0], $0xffff  }
0x317: {  	s10 =	simm.s32 $0x3160;
	v4 =	vld.idx.msk [tilespmem:v4+s7+$0x0], $0xffff;
	v7 =	vmul.f32 v6, v7  }
0x318: {  	v6 =	vld [tilespmem:s10+$0x10]  }
0x319: {  	s11 =	simm.s32 $0x1920;
	s9 =	sadd.s32 s2, s3;
	v3 =	vld.idx.msk [tilespmem:v9+s7+$0x0], $0xffff;
	[tilespmem:s5+$0x10] =	vst v7;
	v7 =	vmul.f32 v2, v11  }
0x31a: {  	s3 =	sadd.s32 $0xC40, s8;
	s2 =	sadd.s32 s2, s4;
	s4 =	simm.s32 $0x40;
	v8 =	vmul.f32 v8, v12;
	v2 =	vld.idx.msk [tilespmem:v10+s7+$0x0], $0xffff  }
.LBB2_12:
0x31b: {  	v9 =	vld [tilespmem:s11+$0x10];
	s4 =	sadd.s32 $0x40, s4;
	[tilespmem:s5+$0xFFFFFFE0] =	vst v7;
	v1 =	vmul.f32 v1, v5  }
0x31c: {  	v7 =	vld [tilespmem:s11+$0xFFFFFFF0];
	p1 =	slt.u32 s4, $0xC00;
	[tilespmem:s5+$0xFFFFFFF0] =	vst v8  }
0x31d: {  	v8 =	vld [tilespmem:s11+$0x0];
	v4 =	vmul.f32 v4, v6;
	[tilespmem:s5+$0x0] =	vst v1;
	s5 =	smov.u32 s10  }
0x31e: {  	v10 =	vld [tilespmem:s11+$0xFFFFFFE0]  }
0x31f: {  	v11 =	vmov v3;
	v1 =	vld.idx.msk [tilespmem:v0+s7+$0x0], $0xffff;
	[tilespmem:s10+$0x10] =	vst v4  }
0x320: {  	v12 =	vld [tilespmem:s10+$0xFFFFFFE0]  }
0x321: {  	v13 =	vld [tilespmem:s10+$0xFFFFFFF0]  }
.Ltmp7:
0x322: {  	v5 =	vld [tilespmem:s10+$0x0];
	v0 =	vmov v8;
	(pc) =	sbr.rel @p1 .LBB2_12-.Ltmp7, $4  }
0x323: {  	s10 =	sadd.s32 $0x40, s10;
	v4 =	vld.idx.msk [tilespmem:v9+s7+$0x0], $0xffff  }
0x324: {  	v6 =	vld [tilespmem:s10+$0x10]  }
0x325: {  	v3 =	vld.idx.msk [tilespmem:v7+s7+$0x0], $0xffff;
	v7 =	vmul.f32 v2, v12  }
0x326: {  	s11 =	sadd.s32 $0x40, s11;
	v2 =	vld.idx.msk [tilespmem:v10+s7+$0x0], $0xffff;
	v8 =	vmul.f32 v11, v13  }
0x327: {  	_ =	sdelay $0x3  }
0x328: {  	v0 =	vld.idx.msk [tilespmem:v0+s7+$0x0], $0xffff  }
0x329: {  	v9 =	vld [tilespmem:s10+$0xFFFFFFE0]  }
0x32a: {  	v10 =	vld [tilespmem:s10+$0xFFFFFFF0]  }
0x32b: {  	v11 =	vld [tilespmem:s10+$0x0]  }
0x32c: {  	[tilespmem:s5+$0xFFFFFFE0] =	vst v7;
	v1 =	vmul.f32 v1, v5  }
0x32d: {  	[tilespmem:s5+$0xFFFFFFF0] =	vst v8;
	v4 =	vmul.f32 v4, v6  }
0x32e: {  	[tilespmem:s5+$0x0] =	vst v1;
	v1 =	vmul.f32 v2, v9  }
0x32f: {  	[tilespmem:s10+$0x10] =	vst v4;
	v2 =	vmul.f32 v3, v10  }
0x330: {  	v0 =	vmul.f32 v0, v11;
	[tilespmem:s10+$0xFFFFFFE0] =	vst v1  }
0x331: {  	[tilespmem:s10+$0xFFFFFFF0] =	vst v2  }
0x332: {  	s4 =	simm.s32 $0x0;
	s30 =	simm.s32 $0x3100;
	s31 =	simm.s32 $0x24F0;
	[tilespmem:s10+$0x0] =	vst v0  }
0x333: {  	[hbm4b:s9+s4] =	stream.linear.scatter [tilespmem:s30], [sflag:$0x1], $0xC40, $0x38;
	[tilespmem:$0x6E40] =	vst v63  }
0x334: {  	v0 =	vld [tilespmem:s31+$0x0]  }
0x335: {  	v3 =	vld [tilespmem:s31+$0xFFFFFFE0]  }
0x336: {  	v4 =	vld [tilespmem:s31+$0xFFFFFFD0];
	_ =	sdelay $0x2  }
0x337: {  	p2 =	sgt.u32 s3, $0xC80  }
.Ltmp8:
0x338: {  	s4 =	simm.s32 $0x3D70;
	v10 =	vld [tilespmem:s31+$0xFFFFFFF0];
	(pc) =	sbr.rel @!p2 .LBB2_14-.Ltmp8, $4  }
0x339: {  	s5 =	simm.s32 $0x6200;
	v2 =	vld [tilespmem:s4+$0x0]  }
0x33a: {  	v1 =	vld.idx.msk [tilespmem:v0+s5+$0x0], $0xffff  }
0x33b: {  	v6 =	vld.idx.msk [tilespmem:v3+s5+$0x0], $0xffff  }
0x33c: {  	s7 =	simm.s32 $0x2530;
	p1 =	por $0x0, $0x0;
	v0 =	vld.idx.msk [tilespmem:v4+s5+$0x0], $0xffff  }
0x33d: {  	v7 =	vld [tilespmem:s7+$0x0]  }
0x33e: {  	v9 =	vld [tilespmem:s7+$0xFFFFFFE0]  }
0x33f: {  	v4 =	vld [tilespmem:s7+$0xFFFFFFF0]  }
0x340: {  	v11 =	vld [tilespmem:s7+$0xFFFFFFD0]  }
0x341: {  	v3 =	vld.idx.msk [tilespmem:v10+s5+$0x0], $0xffff  }
0x342: {  	v8 =	vld [tilespmem:s4+$0xFFFFFFD0]  }
0x343: {  	v10 =	vld [tilespmem:s4+$0xFFFFFFE0];
	p2 =	sgt.u32 s3, $0xCC0  }
.Ltmp9:
0x344: {  	v5 =	vld [tilespmem:s4+$0xFFFFFFF0];
	s7 =	simm.s32 $0x3DB0;
	(pc) =	sbr.rel @!p2 .LBB2_20-.Ltmp9, $4  }
0x345: {  	v12 =	vmul.f32 v1, v2;
	v2 =	vld [tilespmem:s7+$0x0]  }
0x346: {  	v1 =	vld.idx.msk [tilespmem:v7+s5+$0x0], $0xffff  }
0x347: {  	v8 =	vmul.f32 v0, v8;
	v7 =	vld.idx.msk [tilespmem:v9+s5+$0x0], $0xffff  }
0x348: {  	s9 =	simm.s32 $0xCC0;
	s10 =	simm.s32 $0x2570;
	p1 =	por $0x1, $0x1;
	[tilespmem:s4+$0x0] =	vst v12;
	v0 =	vld.idx.msk [tilespmem:v11+s5+$0x0], $0xffff;
	v9 =	vmul.f32 v6, v10  }
.LBB2_21:
0x349: {  	v6 =	vld [tilespmem:s10+$0x0];
	s9 =	sadd.s32 $0x40, s9;
	[tilespmem:s4+$0xFFFFFFD0] =	vst v8;
	v3 =	vmul.f32 v3, v5  }
0x34a: {  	v8 =	vld [tilespmem:s10+$0xFFFFFFE0];
	p2 =	slt.u32 s9, s3;
	[tilespmem:s4+$0xFFFFFFE0] =	vst v9  }
0x34b: {  	v9 =	vld [tilespmem:s10+$0xFFFFFFF0];
	v1 =	vmul.f32 v1, v2;
	[tilespmem:s4+$0xFFFFFFF0] =	vst v3;
	s4 =	smov.u32 s7  }
0x34c: {  	v10 =	vld [tilespmem:s10+$0xFFFFFFD0]  }
0x34d: {  	v11 =	vmov v7;
	v3 =	vld.idx.msk [tilespmem:v4+s5+$0x0], $0xffff;
	[tilespmem:s7+$0x0] =	vst v1  }
0x34e: {  	v12 =	vld [tilespmem:s7+$0xFFFFFFD0]  }
0x34f: {  	v13 =	vld [tilespmem:s7+$0xFFFFFFE0]  }
.Ltmp10:
0x350: {  	v5 =	vld [tilespmem:s7+$0xFFFFFFF0];
	v4 =	vmov v9;
	(pc) =	sbr.rel @p2 .LBB2_21-.Ltmp10, $4  }
0x351: {  	s7 =	sadd.s32 $0x40, s7;
	v1 =	vld.idx.msk [tilespmem:v6+s5+$0x0], $0xffff  }
0x352: {  	v2 =	vld [tilespmem:s7+$0x0]  }
0x353: {  	v7 =	vld.idx.msk [tilespmem:v8+s5+$0x0], $0xffff;
	v8 =	vmul.f32 v0, v12  }
0x354: {  	s10 =	sadd.s32 $0x40, s10;
	v0 =	vld.idx.msk [tilespmem:v10+s5+$0x0], $0xffff;
	v9 =	vmul.f32 v11, v13  }
0x355: {  	_ =	sdelay $0x2  }
0x356: {  	s9 =	smov.u32 s4;
	s4 =	smov.u32 s7;
	v10 =	vmov v4;
	v6 =	vmov v7  }
.LBB2_23:
0x357: {  	_ =	sdelay $0x3  }
0x358: {  	v4 =	vld.idx.msk [tilespmem:v10+s5+$0x0], $0xffff  }
0x359: {  	v7 =	vld [tilespmem:s4+$0xFFFFFFD0]  }
0x35a: {  	v61 =	vld [tilespmem:s4+$0xFFFFFFE0]  }
0x35b: {  	v11 =	vld [tilespmem:s4+$0xFFFFFFF0]  }
0x35c: {  	[tilespmem:s9+$0xFFFFFFD0] =	vst @p1 v8;
	v3 =	vmul.f32 @p1 v3, v5  }
0x35d: {  	[tilespmem:s9+$0xFFFFFFE0] =	vst @p1 v9;
	v1 =	vmul.f32 v1, v2  }
0x35e: {  	[tilespmem:s9+$0xFFFFFFF0] =	vst @p1 v3;
	v0 =	vmul.f32 v0, v7  }
0x35f: {  	[tilespmem:s4+$0x0] =	vst v1;
	v62 =	vmul.f32 v6, v61  }
0x360: {  	v63 =	vmul.f32 v4, v11;
	[tilespmem:s4+$0xFFFFFFD0] =	vst v0  }
0x361: {  	[tilespmem:s4+$0xFFFFFFE0] =	vst v62  }
0x362: {  	[tilespmem:s4+$0xFFFFFFF0] =	vst v63  }
0x363: {  	p1 =	sge.u32 s3, s6  }
.Ltmp11:
0x364: {  	_ = 	snop;
	(pc) =	sbr.rel @p1 .LBB2_18-.Ltmp11, $1  }
0x365: {  	_ =	sdelay $0x3  }
0x366: {  	s4 =	sadd.s32 $0x3D40, s8;
	s5 =	sadd.s32 $0x24C0, s8;
	s7 =	simm.s32 $0x6200  }
.LBB2_17:
0x367: {  	v0 =	vld [tilespmem:s5+$0x0];
	_ =	sdelay $0x6  }
0x368: {  	v1 =	vld [tilespmem:s4+$0x0]  }
0x369: {  	v0 =	vld.idx.msk [tilespmem:v0+s7+$0x0], $0xffff  }
0x36a: {  	s3 =	sadd.s32 $0x10, s3  }
0x36b: {  	p1 =	slt.u32 s3, s6  }
.Ltmp12:
0x36c: {  	_ = 	snop;
	(pc) =	sbr.rel @p1 .LBB2_17-.Ltmp12, $3  }
0x36d: {  	_ = 	snop  }
0x36e: {  	v0 =	vmul.f32 v0, v1;
	_ =	sdelay $0x1  }
0x36f: {  	s5 =	sadd.s32 $0x10, s5;
	[tilespmem:s4+$0x0] =	vst v0;
	s4 =	sadd.s32 $0x10, s4  }
.LBB2_18:
0x370: {  	s3 =	simm.s32 @p0 $0x0;
	s4 =	simm.s32 @p0 $0x3D40  }
0x371: {  	[hbm4b:s2+s3] =	stream.linear.scatter @p0 [tilespmem:s4], [sflag:$0x4], $0xBD0, $0x38;
	[tilespmem:$0x6E40] =	vst v63  }
0x372: {  	s3 =	simm.s32 @p0 $0x4  }
0x373: {  	_ =	swait.ge @p0 [sflag:s3], $0xBD0  }
0x374: {  	[sflag:s3] =	ssyncset.done @p0 $0x0  }
0x375: {  	s4 =	simm.s32 @!p0 $0x3D40;
	[sflag:s3] =	ssyncadd.s32 @p0 $0xFFFFF430;
	s3 =	simm.s32 @!p0 $0x0  }
0x376: {  	[hbm4b:s2+s3] =	stream.linear.scatter @!p0 [tilespmem:s4], [sflag:$0x4], $0xC30, $0x38;
	[tilespmem:$0x6E40] =	vst v63  }
0x377: {  	s2 =	simm.s32 @!p0 $0x4  }
0x378: {  	_ =	swait.ge @!p0 [sflag:s2], $0xC30  }
0x379: {  	[sflag:s2] =	ssyncset.done @!p0 $0x0  }
0x37a: {  	s31 =	simm.s32 $0x1;
	[sflag:s2] =	ssyncadd.s32 @!p0 $0xFFFFF3D0  }
0x37b: {  	_ =	swait.ge [sflag:s31], $0xC40  }
0x37c: {  	[sflag:s31] =	ssyncset.done $0x0  }
0x37d: {  	[sflag:s31] =	ssyncadd.s32 $0xFFFFF3C0  }
0x37e: {  	_ =	sfence.sel $0x180000  }
0x37f: {  	[bflag:$0x0] =	sbarrier.arrive $0xFFFF  }
0x380: {  	p0 =	sne.s32 s0, $0x0;
	_ =	strace $0x90000047  }
0x381: {  	s0 =	sadd.s32 @!p0 $0x100000, s1;
	[bflag:$0x2] =	sbarrier.arrive $0xFFFF  }
0x382: {  	[sflag:s0] =	ssyncadd.tile.s32 @!p0 $0x1;
	_ =	shalt  }
.LBB2_14:
.Ltmp13:
0x383: {  	(pc) =	sbr.rel .LBB2_23-.Ltmp13, $2  }
0x384: {  	_ =	sdelay $0x2  }
0x385: {  	_ = 	snop  }
.LBB2_20:
.Ltmp14:
0x386: {  	(pc) =	sbr.rel .LBB2_23-.Ltmp14, $2  }
0x387: {  	_ =	sdelay $0x2  }
0x388: {  	s9 =	simm.s32 $0x3D70;
	s4 =	simm.s32 $0x3DB0;
	v10 =	vmov v4;
	v6 =	vmov v7  }
.Lfunc_end2:
_tile_overlayer_lowered:
.L_overlay_start_2:
0x389: {  	(tag) =	ssettag $0x2  }
0x38a: {  	s0 =	rddreg [dreg:$0x0];
	s2 =	stileid.u32  }
0x38b: {  	s1 =	rddreg [dreg:$0x1];
	p0 =	sne.s32 s2, $0x0  }
0x38c: {  	s3 =	rddreg [dreg:$0x2];
	[bflag:$0x3] =	sbarrier.arrive $0xFFFF;
	s2 =	simm.s32 @!p0 $0x1C04  }
0x38d: {  	[timem:s3], [sflag:s2] =	dma.local @!p0 [hbm:s0], s1  }
0x38e: {  	s0 =	simm.s32 @!p0 $0x4  }
0x38f: {  	_ =	swait.ge @!p0 [sflag:s0], s1  }
0x390: {  	s1 =	ssub.s32 @!p0 $0x0, s1;
	[sflag:s0] =	ssyncset.done @!p0 $0x0  }
0x391: {  	[sflag:s0] =	ssyncadd.s32 @!p0 s1  }
0x392: {  	[bflag:$0x3] =	sbarrier.arrive $0xFFFF  }
0x393: {  	_ =	shalt  }

</sc_bundles>
